<compile_context>
chip_gen: v7x
topology: tpu7x:2x2x1
jax: 0.10.2.dev20260603
libtpu: 0.0.44.dev20260713+nightly
codegen_flags: <defaults>
</compile_context>

<pallas_src>
import functools

import jax
import jax.numpy as jnp
from jax import lax
from jax.experimental import pallas as pl
from jax.experimental.pallas import tpu as pltpu
from jax.experimental.pallas import tpu_sc as plsc

POOL = 7
SCALE = 0.0625
H = 50
W = 50
C = 256
NROIS = 1000
NSZ = 9
NTBL = NSZ * NSZ
ZROW = NTBL * H * W
RPAD = 1024
BINS = POOL * POOL
GIDX = 112
SIDX = 98
TROWS2 = (NTBL + 1) * H * W * 2


def _table_kernel(padf_ref, out_ref, a_ref, b_ref):
    t = pl.program_id(0)
    P = H + 8
    P2 = 2 * (W + 8)

    def emit_one(k):
        ww = k % NSZ

        @pl.when(k == 0)
        def _():
            a_ref[...] = padf_ref[...]

        @pl.when((ww == 0) & (k > 0))
        def _():
            a = a_ref[...]
            sh1 = jnp.concatenate([a[1:], a[P - 1:]], axis=0)
            a_ref[...] = jnp.maximum(a, sh1)

        b = b_ref[...]
        bs1 = jnp.concatenate([b[:, 2:, :], b[:, P2 - 2:, :]], axis=1)
        b_new = jnp.where(ww == 0, a_ref[0:H], jnp.maximum(b, bs1))
        b_ref[...] = b_new
        v = jnp.where(k >= NTBL, jnp.float32(0.0), b_new[:, 0:2 * W, :])
        return v.reshape(H * W * 2, C // 2)

    v0 = emit_one(2 * t)
    v1 = emit_one(2 * t + 1)
    out_ref[...] = jnp.concatenate([v0, v1], axis=0)


def _build_table(padf):
    return pl.pallas_call(
        _table_kernel,
        grid=((NTBL + 1) // 2,),
        in_specs=[pl.BlockSpec((H + 8, 2 * (W + 8), C // 2),
                               lambda t: (0, 0, 0))],
        out_specs=pl.BlockSpec((H * W * 4, C // 2), lambda t: (t, 0)),
        out_shape=jax.ShapeDtypeStruct((TROWS2, C // 2), jnp.float32),
        scratch_shapes=[
            pltpu.VMEM((H + 8, 2 * (W + 8), C // 2), jnp.float32),
            pltpu.VMEM((H, 2 * (W + 8), C // 2), jnp.float32),
        ],
    )(padf)


def _idx_kernel(rois_ref, gidx_ref):
    x1 = rois_ref[1:2, :]
    y1 = rois_ref[2:3, :]
    x2 = rois_ref[3:4, :]
    y2 = rois_ref[4:5, :]

    def bounds(lo, hi, size):
        start = jnp.round(lo * SCALE).astype(jnp.int32)
        end = jnp.round(hi * SCALE).astype(jnp.int32)
        length = jnp.maximum(end - start + 1, 1).astype(jnp.float32)
        binsz = length / float(POOL)
        p = lax.broadcasted_iota(jnp.int32, (POOL, 1), 0).astype(jnp.float32)
        bstart = jnp.clip(jnp.floor(p * binsz).astype(jnp.int32) + start, 0, size)
        bend = jnp.clip(jnp.ceil((p + 1.0) * binsz).astype(jnp.int32) + start, 0, size)
        return bstart, bend - bstart

    hs, szh = bounds(y1, y2, H)
    ws, szw = bounds(x1, x2, W)
    tbl = (szh[:, None, :] - 1) * NSZ + (szw[None, :, :] - 1)
    row = tbl * (H * W) + hs[:, None, :] * W + ws[None, :, :]
    empty = (szh[:, None, :] <= 0) | (szw[None, :, :] <= 0)
    q = jnp.where(empty, ZROW, row).reshape(BINS, NROIS)
    qp = jnp.concatenate(
        [q, jnp.full((BINS, RPAD - NROIS), ZROW, jnp.int32)], axis=1)
    q3 = qp.reshape(BINS, RPAD // 8, 8)
    ch = lax.broadcasted_iota(jnp.int32, (1, 1, 2, 1), 2)
    g4 = q3[:, :, None, :] * 2 + ch
    g4 = jnp.transpose(g4, (1, 0, 2, 3))
    half_a = g4[:, 0:25].reshape(RPAD // 8, 400)
    half_b = jnp.concatenate(
        [g4[:, 25:BINS].reshape(RPAD // 8, 384),
         jnp.full((RPAD // 8, 16), 2 * ZROW, jnp.int32)], axis=1)
    gidx_ref[...] = jnp.stack(
        [half_a, half_b], axis=1).reshape(RPAD // 4, 400)


def _build_idx(rois8):
    return pl.pallas_call(
        _idx_kernel,
        out_shape=jax.ShapeDtypeStruct((RPAD // 4, 400), jnp.int32),
    )(rois8)


_NC = 2
_NS = 16
_NW = _NC * _NS
_RPT = RPAD // _NW
_NHALF = 8
_GCH = ((0, 128), (128, 128), (256, 128), (384, 16))


@functools.cache
def _make_sc_pool():
    @functools.partial(
        pl.kernel,
        mesh=plsc.VectorSubcoreMesh(core_axis_name="c", subcore_axis_name="s"),
        compiler_params=pltpu.CompilerParams(needs_layout_passes=False),
        out_type=jax.ShapeDtypeStruct((2 * BINS * NROIS, C // 2), jnp.float32),
        scratch_types=[
            pltpu.VMEM((2, 400), jnp.int32),
            pltpu.VMEM((2, 400, C // 2), jnp.float32),
            pltpu.SemaphoreType.DMA((2,)),
            pltpu.SemaphoreType.DMA((2,)),
        ],
    )
    def _sc_pool(table_hbm, gidx_hbm, out_hbm, idx_v, rows, sem_g, sem_s):
        wid = lax.axis_index("s") * _NC + lax.axis_index("c")

        def idx_copy(k):
            pltpu.sync_copy(gidx_hbm.at[wid * _NHALF + k], idx_v.at[k & 1])

        def g_descs(k):
            b = k & 1
            return [
                pltpu.make_async_copy(
                    table_hbm.at[idx_v.at[b, pl.ds(o, n)]],
                    rows.at[b, pl.ds(o, n)], sem_g.at[b])
                for o, n in _GCH
            ]

        def group_ok(k):
            return (wid * 4 + k // 2) * 8 < NROIS

        def scatter_issue(k):
            b = k & 1
            h = k % 2
            nb = 25 - h
            rtg = wid * 4 + k // 2
            stride = 16 * (NROIS // 8)
            base = h * 25 * stride + rtg * 16

            def sc_body(e, c):
                dest = base + (e >> 1) * stride + (e & 1) * 8
                pltpu.async_copy(
                    rows.at[b, pl.ds(e * 8, 8)],
                    out_hbm.at[pl.ds(dest, 8)], sem_s.at[b])
                return c

            lax.fori_loop(0, 2 * nb, sc_body, 0)

        def scatter_wait(k):
            b = k & 1
            nb = 25 - (k % 2)

            def w_body(e, c):
                pltpu.make_async_copy(
                    rows.at[b, pl.ds(0, 8)],
                    out_hbm.at[pl.ds(0, 8)], sem_s.at[b]).wait()
                return c

            lax.fori_loop(0, 2 * nb, w_body, 0)

        idx_copy(0)
        for d in g_descs(0):
            d.start()
        for k in range(_NHALF):
            if k + 1 < _NHALF:
                if k >= 1:
                    @pl.when(group_ok(k - 1))
                    def _():
                        scatter_wait(k - 1)
                idx_copy(k + 1)
                for d in g_descs(k + 1):
                    d.start()
            for d in g_descs(k):
                d.wait()

            @pl.when(group_ok(k))
            def _():
                scatter_issue(k)

        for k in (_NHALF - 2, _NHALF - 1):
            @pl.when(group_ok(k))
            def _():
                scatter_wait(k)

    return _sc_pool


def kernel(feat, rois):
    feat_t = jnp.transpose(feat[0], (1, 2, 0))
    padf = jnp.pad(feat_t, ((0, 8), (0, 8), (0, 0)), mode="edge")
    padf = padf.reshape(H + 8, 2 * (W + 8), C // 2)
    rois_t = jnp.transpose(rois)
    rois8 = jnp.concatenate(
        [rois_t, jnp.zeros((3, NROIS), jnp.float32)], axis=0)
    table = _build_table(padf)
    gidx = _build_idx(rois8)
    out2 = _make_sc_pool()(table, gidx)
    out6 = out2.reshape(BINS, NROIS // 8, 2, 8, C // 2)
    out = jnp.transpose(out6, (1, 3, 2, 4, 0))
    return out.reshape(NROIS, C, POOL, POOL)

# --- scband reference (transcript-rebuilt; emitter-appended) ---
"""Pipeline reference for scband-roipool-85478439125450 (READ-ONLY COPY).

The authoritative reference and input builder live on the scoring server;
editing this copy changes nothing except your own understanding.
"""

import jax, jax.numpy as jnp
import numpy as np

POOL_H = 7
POOL_W = 7
SCALE = 0.0625
N_ROIS = 1000
C = 256
H = 50
W = 50
IMG = 800.0


def setup_inputs(seed: int = 0) -> dict:
    key = jax.random.key(seed)
    k1, k2, k3 = jax.random.split(key, 3)
    feat = jax.random.normal(k1, (1, C, H, W), dtype=jnp.float32)
    c = jax.random.uniform(k2, (N_ROIS, 2), minval=0.0, maxval=IMG - 32.0, dtype=jnp.float32)
    wh = jax.random.uniform(k3, (N_ROIS, 2), minval=16.0, maxval=IMG / 2.0, dtype=jnp.float32)
    x1 = c[:, 0:1]
    y1 = c[:, 1:2]
    x2 = jnp.clip(x1 + wh[:, 0:1], 0.0, IMG - 1.0)
    y2 = jnp.clip(y1 + wh[:, 1:2], 0.0, IMG - 1.0)
    batch_idx = jnp.zeros((N_ROIS, 1), dtype=jnp.float32)
    rois = jnp.concatenate([batch_idx, x1, y1, x2, y2], axis=1)
    return {"feat": feat, "rois": rois}


def _roi_pool(feat, rois, pool_h, pool_w, scale):
    B, Cc, Hh, Ww = feat.shape

    def one_roi(roi):
        b = roi[0].astype(jnp.int32)
        start_w = jnp.round(roi[1] * scale).astype(jnp.int32)
        start_h = jnp.round(roi[2] * scale).astype(jnp.int32)
        end_w = jnp.round(roi[3] * scale).astype(jnp.int32)
        end_h = jnp.round(roi[4] * scale).astype(jnp.int32)
        roi_h = jnp.maximum(end_h - start_h + 1, 1).astype(jnp.float32)
        roi_w = jnp.maximum(end_w - start_w + 1, 1).astype(jnp.float32)
        bin_h = roi_h / float(pool_h)
        bin_w = roi_w / float(pool_w)
        ph = jnp.arange(pool_h, dtype=jnp.float32)
        pw = jnp.arange(pool_w, dtype=jnp.float32)
        hstart = jnp.clip(jnp.floor(ph * bin_h).astype(jnp.int32) + start_h, 0, Hh)
        hend = jnp.clip(jnp.ceil((ph + 1.0) * bin_h).astype(jnp.int32) + start_h, 0, Hh)
        wstart = jnp.clip(jnp.floor(pw * bin_w).astype(jnp.int32) + start_w, 0, Ww)
        wend = jnp.clip(jnp.ceil((pw + 1.0) * bin_w).astype(jnp.int32) + start_w, 0, Ww)
        hh = jnp.arange(Hh)
        ww = jnp.arange(Ww)
        mask_h = (hh[None, :] >= hstart[:, None]) & (hh[None, :] < hend[:, None])  # [pool_h, H]
        mask_w = (ww[None, :] >= wstart[:, None]) & (ww[None, :] < wend[:, None])  # [pool_w, W]
        fb = feat[b]  # [C, H, W]
        neg = jnp.float32(-jnp.inf)
        # separable masked max: first over H, then over W
        t1 = jnp.max(jnp.where(mask_h[:, None, :, None], fb[None, :, :, :], neg), axis=2)  # [pool_h, C, W]
        t2 = jnp.max(jnp.where(mask_w[:, None, None, :], t1[None, :, :, :], neg), axis=3)  # [pool_w, pool_h, C]
        out = jnp.transpose(t2, (2, 1, 0))  # [C, pool_h, pool_w]
        empty = (hend <= hstart)[None, :, None] | (wend <= wstart)[None, None, :]
        out = jnp.where(empty, jnp.float32(0.0), out)
        return out

    return jax.lax.map(one_roi, rois)


def reference(feat, rois):
    return _roi_pool(feat, rois, POOL_H, POOL_W, SCALE)

if __name__ == "__main__":
    import jax
    _d = setup_inputs()
    print(jax.jit(kernel)(*tuple(_d.values())))

</pallas_src>

<mosaic_0001>
#map = affine_map<(d0, d1) -> (0, 0)>
module attributes {stable_mosaic.version = 14 : i64} {
  func.func @_sc_pool(%arg0: i32, %arg1: i32, %arg2: memref<410000x128xf32, #tpu.memory_space<hbm>>, %arg3: memref<256x400xi32, #tpu.memory_space<hbm>>, %arg4: memref<98000x128xf32, #tpu.memory_space<hbm>>, %arg5: memref<2x400xi32, #tpu.memory_space<vmem>>, %arg6: memref<2x400x128xf32, #tpu.memory_space<vmem>>, %arg7: memref<2x!tpu.dma_semaphore, #tpu.memory_space<semaphore_mem>>, %arg8: memref<2x!tpu.dma_semaphore, #tpu.memory_space<semaphore_mem>>) attributes {dimension_semantics = [#tpu.dimension_semantics<core_parallel>, #tpu.dimension_semantics<subcore_parallel>], iteration_bounds = array<i64: 2, 16>, scalar_prefetch = 0 : i64, scratch_operands = 4 : i64, tpu.core_type = #tpu.core_type<sc_vector_subcore>, window_params = [{transform_indices = #map}, {transform_indices = #map}, {transform_indices = #map}]} {
    %mul3A = arith.constant 2 : i32
    %mul3A_0 = arith.muli %arg1, %mul3A : i32
    %add3A = arith.addi %mul3A_0, %arg0 : i32
    %mul3A_1 = arith.constant 8 : i32
    %mul3A_2 = arith.muli %add3A, %mul3A_1 : i32
    %add3A_3 = arith.constant 0 : i32
    %add3A_4 = arith.addi %mul3A_2, %add3A_3 : i32
    %run_scoped3A = arith.constant 0 : i32
    "tpu.region"() ({
      %run_scoped3A_1171 = tpu.sem_alloc : memref<!tpu.dma_semaphore, #tpu.memory_space<semaphore_mem>>
      %dma_start3A_1172 = arith.constant 0 : i32
      %dma_start3A_1173 = tpu.memref_slice %arg5[%run_scoped3A, %dma_start3A_1172] : memref<2x400xi32, #tpu.memory_space<vmem>> -> memref<1x400xi32, #tpu.memory_space<vmem>>
      %dma_start3A_1174 = tpu.memref_squeeze %dma_start3A_1173 : memref<1x400xi32, #tpu.memory_space<vmem>> -> memref<400xi32, #tpu.memory_space<vmem>>
      %dma_start3A_1175 = arith.constant 0 : i32
      %dma_start3A_1176 = tpu.memref_slice %arg3[%add3A_4, %dma_start3A_1175] : memref<256x400xi32, #tpu.memory_space<hbm>> -> memref<1x400xi32, #tpu.memory_space<hbm>>
      %dma_start3A_1177 = tpu.memref_squeeze %dma_start3A_1176 : memref<1x400xi32, #tpu.memory_space<hbm>> -> memref<400xi32, #tpu.memory_space<hbm>>
      %dma_start3A_1178 = arith.constant 0 : i32
      %dma_start3A_1179 = tpu.memref_slice %arg5[%run_scoped3A, %dma_start3A_1178] : memref<2x400xi32, #tpu.memory_space<vmem>> -> memref<1x400xi32, #tpu.memory_space<vmem>>
      %dma_start3A_1180 = tpu.memref_squeeze %dma_start3A_1179 : memref<1x400xi32, #tpu.memory_space<vmem>> -> memref<400xi32, #tpu.memory_space<vmem>>
      %dma_start3A_1181 = arith.constant 0 : i32
      %dma_start3A_1182 = tpu.memref_slice %arg3[%add3A_4, %dma_start3A_1181] : memref<256x400xi32, #tpu.memory_space<hbm>> -> memref<1x400xi32, #tpu.memory_space<hbm>>
      %dma_start3A_1183 = tpu.memref_squeeze %dma_start3A_1182 : memref<1x400xi32, #tpu.memory_space<hbm>> -> memref<400xi32, #tpu.memory_space<hbm>>
      tpu.enqueue_dma source(%dma_start3A_1183 : memref<400xi32, #tpu.memory_space<hbm>>) target(%dma_start3A_1180 : memref<400xi32, #tpu.memory_space<vmem>>) target_semaphore(%run_scoped3A_1171 : memref<!tpu.dma_semaphore, #tpu.memory_space<semaphore_mem>>)
      %dma_wait3A_1184 = arith.constant 0 : i32
      %dma_wait3A_1185 = tpu.memref_slice %arg5[%run_scoped3A, %dma_wait3A_1184] : memref<2x400xi32, #tpu.memory_space<vmem>> -> memref<1x400xi32, #tpu.memory_space<vmem>>
      %dma_wait3A_1186 = tpu.memref_squeeze %dma_wait3A_1185 : memref<1x400xi32, #tpu.memory_space<vmem>> -> memref<400xi32, #tpu.memory_space<vmem>>
      %dma_wait3A_1187 = arith.constant 0 : i32
      %dma_wait3A_1188 = tpu.memref_slice %arg3[%add3A_4, %dma_wait3A_1187] : memref<256x400xi32, #tpu.memory_space<hbm>> -> memref<1x400xi32, #tpu.memory_space<hbm>>
      %dma_wait3A_1189 = tpu.memref_squeeze %dma_wait3A_1188 : memref<1x400xi32, #tpu.memory_space<hbm>> -> memref<400xi32, #tpu.memory_space<hbm>>
      %dma_wait3A_1190 = arith.constant 0 : i32
      %dma_wait3A_1191 = tpu.memref_slice %arg5[%run_scoped3A, %dma_wait3A_1190] : memref<2x400xi32, #tpu.memory_space<vmem>> -> memref<1x400xi32, #tpu.memory_space<vmem>>
      %dma_wait3A_1192 = tpu.memref_squeeze %dma_wait3A_1191 : memref<1x400xi32, #tpu.memory_space<vmem>> -> memref<400xi32, #tpu.memory_space<vmem>>
      %dma_wait3A_1193 = arith.constant 0 : i32
      %dma_wait3A_1194 = tpu.memref_slice %arg3[%add3A_4, %dma_wait3A_1193] : memref<256x400xi32, #tpu.memory_space<hbm>> -> memref<1x400xi32, #tpu.memory_space<hbm>>
      %dma_wait3A_1195 = tpu.memref_squeeze %dma_wait3A_1194 : memref<1x400xi32, #tpu.memory_space<hbm>> -> memref<400xi32, #tpu.memory_space<hbm>>
      tpu.wait_dma2 semaphore(%run_scoped3A_1171 : memref<!tpu.dma_semaphore, #tpu.memory_space<semaphore_mem>>) src(%dma_wait3A_1195 : memref<400xi32, #tpu.memory_space<hbm>>) dst(%dma_wait3A_1192 : memref<400xi32, #tpu.memory_space<vmem>>)
      tpu.yield
    }) : () -> ()
    %dma_start3A = arith.constant 0 : i32
    %dma_start3A_5 = arith.constant 0 : i32
    %dma_start3A_6 = arith.constant 0 : i32
    %dma_start3A_7 = arith.constant 0 : i32
    %dma_start3A_8 = arith.constant 0 : i32
    %dma_start3A_9 = tpu.memref_slice %arg6[%dma_start3A_5, %dma_start3A_7, %dma_start3A_8] : memref<2x400x128xf32, #tpu.memory_space<vmem>> -> memref<1x128x128xf32, #tpu.memory_space<vmem>>
    %dma_start3A_10 = tpu.memref_squeeze %dma_start3A_9 : memref<1x128x128xf32, #tpu.memory_space<vmem>> -> memref<128x128xf32, #tpu.memory_space<vmem>>
    %dma_start3A_11 = arith.constant 0 : i32
    %dma_start3A_12 = tpu.memref_slice %arg5[%dma_start3A, %dma_start3A_11] : memref<2x400xi32, #tpu.memory_space<vmem>> -> memref<1x128xi32, #tpu.memory_space<vmem>>
    %dma_start3A_13 = tpu.memref_squeeze %dma_start3A_12 : memref<1x128xi32, #tpu.memory_space<vmem>> -> memref<128xi32, #tpu.memory_space<vmem>>
    %dma_start3A_14 = arith.constant 0 : i32
    %dma_start3A_15 = arith.constant 0 : i32
    %dma_start3A_16 = tpu.memref_slice %arg2[%dma_start3A_14, %dma_start3A_15] : memref<410000x128xf32, #tpu.memory_space<hbm>> -> memref<410000x128xf32, #tpu.memory_space<hbm>>
    %dma_start3A_17 = tpu.memref_slice %arg7[%dma_start3A_6] : memref<2x!tpu.dma_semaphore, #tpu.memory_space<semaphore_mem>> -> memref<1x!tpu.dma_semaphore, #tpu.memory_space<semaphore_mem>>
    %dma_start3A_18 = tpu.memref_squeeze %dma_start3A_17 : memref<1x!tpu.dma_semaphore, #tpu.memory_space<semaphore_mem>> -> memref<!tpu.dma_semaphore, #tpu.memory_space<semaphore_mem>>
    tpu.enqueue_indirect_dma source(%dma_start3A_16 : memref<410000x128xf32, #tpu.memory_space<hbm>>) target(%dma_start3A_10 : memref<128x128xf32, #tpu.memory_space<vmem>>) offsets(%dma_start3A_13 : memref<128xi32, #tpu.memory_space<vmem>>) semaphore(%dma_start3A_18 : memref<!tpu.dma_semaphore, #tpu.memory_space<semaphore_mem>>)
    %dma_start3A_19 = arith.constant 0 : i32
    %dma_start3A_20 = arith.constant 0 : i32
    %dma_start3A_21 = arith.constant 0 : i32
    %dma_start3A_22 = arith.constant 128 : i32
    %dma_start3A_23 = arith.constant 0 : i32
    %dma_start3A_24 = tpu.memref_slice %arg6[%dma_start3A_20, %dma_start3A_22, %dma_start3A_23] : memref<2x400x128xf32, #tpu.memory_space<vmem>> -> memref<1x128x128xf32, #tpu.memory_space<vmem>>
    %dma_start3A_25 = tpu.memref_squeeze %dma_start3A_24 : memref<1x128x128xf32, #tpu.memory_space<vmem>> -> memref<128x128xf32, #tpu.memory_space<vmem>>
    %dma_start3A_26 = arith.constant 128 : i32
    %dma_start3A_27 = tpu.memref_slice %arg5[%dma_start3A_19, %dma_start3A_26] : memref<2x400xi32, #tpu.memory_space<vmem>> -> memref<1x128xi32, #tpu.memory_space<vmem>>
    %dma_start3A_28 = tpu.memref_squeeze %dma_start3A_27 : memref<1x128xi32, #tpu.memory_space<vmem>> -> memref<128xi32, #tpu.memory_space<vmem>>
    %dma_start3A_29 = arith.constant 0 : i32
    %dma_start3A_30 = arith.constant 0 : i32
    %dma_start3A_31 = tpu.memref_slice %arg2[%dma_start3A_29, %dma_start3A_30] : memref<410000x128xf32, #tpu.memory_space<hbm>> -> memref<410000x128xf32, #tpu.memory_space<hbm>>
    %dma_start3A_32 = tpu.memref_slice %arg7[%dma_start3A_21] : memref<2x!tpu.dma_semaphore, #tpu.memory_space<semaphore_mem>> -> memref<1x!tpu.dma_semaphore, #tpu.memory_space<semaphore_mem>>
    %dma_start3A_33 = tpu.memref_squeeze %dma_start3A_32 : memref<1x!tpu.dma_semaphore, #tpu.memory_space<semaphore_mem>> -> memref<!tpu.dma_semaphore, #tpu.memory_space<semaphore_mem>>
    tpu.enqueue_indirect_dma source(%dma_start3A_31 : memref<410000x128xf32, #tpu.memory_space<hbm>>) target(%dma_start3A_25 : memref<128x128xf32, #tpu.memory_space<vmem>>) offsets(%dma_start3A_28 : memref<128xi32, #tpu.memory_space<vmem>>) semaphore(%dma_start3A_33 : memref<!tpu.dma_semaphore, #tpu.memory_space<semaphore_mem>>)
    %dma_start3A_34 = arith.constant 0 : i32
    %dma_start3A_35 = arith.constant 0 : i32
    %dma_start3A_36 = arith.constant 0 : i32
    %dma_start3A_37 = arith.constant 256 : i32
    %dma_start3A_38 = arith.constant 0 : i32
    %dma_start3A_39 = tpu.memref_slice %arg6[%dma_start3A_35, %dma_start3A_37, %dma_start3A_38] : memref<2x400x128xf32, #tpu.memory_space<vmem>> -> memref<1x128x128xf32, #tpu.memory_space<vmem>>
    %dma_start3A_40 = tpu.memref_squeeze %dma_start3A_39 : memref<1x128x128xf32, #tpu.memory_space<vmem>> -> memref<128x128xf32, #tpu.memory_space<vmem>>
    %dma_start3A_41 = arith.constant 256 : i32
    %dma_start3A_42 = tpu.memref_slice %arg5[%dma_start3A_34, %dma_start3A_41] : memref<2x400xi32, #tpu.memory_space<vmem>> -> memref<1x128xi32, #tpu.memory_space<vmem>>
    %dma_start3A_43 = tpu.memref_squeeze %dma_start3A_42 : memref<1x128xi32, #tpu.memory_space<vmem>> -> memref<128xi32, #tpu.memory_space<vmem>>
    %dma_start3A_44 = arith.constant 0 : i32
    %dma_start3A_45 = arith.constant 0 : i32
    %dma_start3A_46 = tpu.memref_slice %arg2[%dma_start3A_44, %dma_start3A_45] : memref<410000x128xf32, #tpu.memory_space<hbm>> -> memref<410000x128xf32, #tpu.memory_space<hbm>>
    %dma_start3A_47 = tpu.memref_slice %arg7[%dma_start3A_36] : memref<2x!tpu.dma_semaphore, #tpu.memory_space<semaphore_mem>> -> memref<1x!tpu.dma_semaphore, #tpu.memory_space<semaphore_mem>>
    %dma_start3A_48 = tpu.memref_squeeze %dma_start3A_47 : memref<1x!tpu.dma_semaphore, #tpu.memory_space<semaphore_mem>> -> memref<!tpu.dma_semaphore, #tpu.memory_space<semaphore_mem>>
    tpu.enqueue_indirect_dma source(%dma_start3A_46 : memref<410000x128xf32, #tpu.memory_space<hbm>>) target(%dma_start3A_40 : memref<128x128xf32, #tpu.memory_space<vmem>>) offsets(%dma_start3A_43 : memref<128xi32, #tpu.memory_space<vmem>>) semaphore(%dma_start3A_48 : memref<!tpu.dma_semaphore, #tpu.memory_space<semaphore_mem>>)
    %dma_start3A_49 = arith.constant 0 : i32
    %dma_start3A_50 = arith.constant 0 : i32
    %dma_start3A_51 = arith.constant 0 : i32
    %dma_start3A_52 = arith.constant 384 : i32
    %dma_start3A_53 = arith.constant 0 : i32
    %dma_start3A_54 = tpu.memref_slice %arg6[%dma_start3A_50, %dma_start3A_52, %dma_start3A_53] : memref<2x400x128xf32, #tpu.memory_space<vmem>> -> memref<1x16x128xf32, #tpu.memory_space<vmem>>
    %dma_start3A_55 = tpu.memref_squeeze %dma_start3A_54 : memref<1x16x128xf32, #tpu.memory_space<vmem>> -> memref<16x128xf32, #tpu.memory_space<vmem>>
    %dma_start3A_56 = arith.constant 384 : i32
    %dma_start3A_57 = tpu.memref_slice %arg5[%dma_start3A_49, %dma_start3A_56] : memref<2x400xi32, #tpu.memory_space<vmem>> -> memref<1x16xi32, #tpu.memory_space<vmem>>
    %dma_start3A_58 = tpu.memref_squeeze %dma_start3A_57 : memref<1x16xi32, #tpu.memory_space<vmem>> -> memref<16xi32, #tpu.memory_space<vmem>>
    %dma_start3A_59 = arith.constant 0 : i32
    %dma_start3A_60 = arith.constant 0 : i32
    %dma_start3A_61 = tpu.memref_slice %arg2[%dma_start3A_59, %dma_start3A_60] : memref<410000x128xf32, #tpu.memory_space<hbm>> -> memref<410000x128xf32, #tpu.memory_space<hbm>>
    %dma_start3A_62 = tpu.memref_slice %arg7[%dma_start3A_51] : memref<2x!tpu.dma_semaphore, #tpu.memory_space<semaphore_mem>> -> memref<1x!tpu.dma_semaphore, #tpu.memory_space<semaphore_mem>>
    %dma_start3A_63 = tpu.memref_squeeze %dma_start3A_62 : memref<1x!tpu.dma_semaphore, #tpu.memory_space<semaphore_mem>> -> memref<!tpu.dma_semaphore, #tpu.memory_space<semaphore_mem>>
    tpu.enqueue_indirect_dma source(%dma_start3A_61 : memref<410000x128xf32, #tpu.memory_space<hbm>>) target(%dma_start3A_55 : memref<16x128xf32, #tpu.memory_space<vmem>>) offsets(%dma_start3A_58 : memref<16xi32, #tpu.memory_space<vmem>>) semaphore(%dma_start3A_63 : memref<!tpu.dma_semaphore, #tpu.memory_space<semaphore_mem>>)
    %mul3A_64 = arith.constant 8 : i32
    %mul3A_65 = arith.muli %add3A, %mul3A_64 : i32
    %add3A_66 = arith.constant 1 : i32
    %add3A_67 = arith.addi %mul3A_65, %add3A_66 : i32
    %run_scoped3A_68 = arith.constant 1 : i32
    "tpu.region"() ({
      %run_scoped3A_1171 = tpu.sem_alloc : memref<!tpu.dma_semaphore, #tpu.memory_space<semaphore_mem>>
      %dma_start3A_1172 = arith.constant 0 : i32
      %dma_start3A_1173 = tpu.memref_slice %arg5[%run_scoped3A_68, %dma_start3A_1172] : memref<2x400xi32, #tpu.memory_space<vmem>> -> memref<1x400xi32, #tpu.memory_space<vmem>>
      %dma_start3A_1174 = tpu.memref_squeeze %dma_start3A_1173 : memref<1x400xi32, #tpu.memory_space<vmem>> -> memref<400xi32, #tpu.memory_space<vmem>>
      %dma_start3A_1175 = arith.constant 0 : i32
      %dma_start3A_1176 = tpu.memref_slice %arg3[%add3A_67, %dma_start3A_1175] : memref<256x400xi32, #tpu.memory_space<hbm>> -> memref<1x400xi32, #tpu.memory_space<hbm>>
      %dma_start3A_1177 = tpu.memref_squeeze %dma_start3A_1176 : memref<1x400xi32, #tpu.memory_space<hbm>> -> memref<400xi32, #tpu.memory_space<hbm>>
      %dma_start3A_1178 = arith.constant 0 : i32
      %dma_start3A_1179 = tpu.memref_slice %arg5[%run_scoped3A_68, %dma_start3A_1178] : memref<2x400xi32, #tpu.memory_space<vmem>> -> memref<1x400xi32, #tpu.memory_space<vmem>>
      %dma_start3A_1180 = tpu.memref_squeeze %dma_start3A_1179 : memref<1x400xi32, #tpu.memory_space<vmem>> -> memref<400xi32, #tpu.memory_space<vmem>>
      %dma_start3A_1181 = arith.constant 0 : i32
      %dma_start3A_1182 = tpu.memref_slice %arg3[%add3A_67, %dma_start3A_1181] : memref<256x400xi32, #tpu.memory_space<hbm>> -> memref<1x400xi32, #tpu.memory_space<hbm>>
      %dma_start3A_1183 = tpu.memref_squeeze %dma_start3A_1182 : memref<1x400xi32, #tpu.memory_space<hbm>> -> memref<400xi32, #tpu.memory_space<hbm>>
      tpu.enqueue_dma source(%dma_start3A_1183 : memref<400xi32, #tpu.memory_space<hbm>>) target(%dma_start3A_1180 : memref<400xi32, #tpu.memory_space<vmem>>) target_semaphore(%run_scoped3A_1171 : memref<!tpu.dma_semaphore, #tpu.memory_space<semaphore_mem>>)
      %dma_wait3A_1184 = arith.constant 0 : i32
      %dma_wait3A_1185 = tpu.memref_slice %arg5[%run_scoped3A_68, %dma_wait3A_1184] : memref<2x400xi32, #tpu.memory_space<vmem>> -> memref<1x400xi32, #tpu.memory_space<vmem>>
      %dma_wait3A_1186 = tpu.memref_squeeze %dma_wait3A_1185 : memref<1x400xi32, #tpu.memory_space<vmem>> -> memref<400xi32, #tpu.memory_space<vmem>>
      %dma_wait3A_1187 = arith.constant 0 : i32
      %dma_wait3A_1188 = tpu.memref_slice %arg3[%add3A_67, %dma_wait3A_1187] : memref<256x400xi32, #tpu.memory_space<hbm>> -> memref<1x400xi32, #tpu.memory_space<hbm>>
      %dma_wait3A_1189 = tpu.memref_squeeze %dma_wait3A_1188 : memref<1x400xi32, #tpu.memory_space<hbm>> -> memref<400xi32, #tpu.memory_space<hbm>>
      %dma_wait3A_1190 = arith.constant 0 : i32
      %dma_wait3A_1191 = tpu.memref_slice %arg5[%run_scoped3A_68, %dma_wait3A_1190] : memref<2x400xi32, #tpu.memory_space<vmem>> -> memref<1x400xi32, #tpu.memory_space<vmem>>
      %dma_wait3A_1192 = tpu.memref_squeeze %dma_wait3A_1191 : memref<1x400xi32, #tpu.memory_space<vmem>> -> memref<400xi32, #tpu.memory_space<vmem>>
      %dma_wait3A_1193 = arith.constant 0 : i32
      %dma_wait3A_1194 = tpu.memref_slice %arg3[%add3A_67, %dma_wait3A_1193] : memref<256x400xi32, #tpu.memory_space<hbm>> -> memref<1x400xi32, #tpu.memory_space<hbm>>
      %dma_wait3A_1195 = tpu.memref_squeeze %dma_wait3A_1194 : memref<1x400xi32, #tpu.memory_space<hbm>> -> memref<400xi32, #tpu.memory_space<hbm>>
      tpu.wait_dma2 semaphore(%run_scoped3A_1171 : memref<!tpu.dma_semaphore, #tpu.memory_space<semaphore_mem>>) src(%dma_wait3A_1195 : memref<400xi32, #tpu.memory_space<hbm>>) dst(%dma_wait3A_1192 : memref<400xi32, #tpu.memory_space<vmem>>)
      tpu.yield
    }) : () -> ()
    %dma_start3A_69 = arith.constant 1 : i32
    %dma_start3A_70 = arith.constant 1 : i32
    %dma_start3A_71 = arith.constant 1 : i32
    %dma_start3A_72 = arith.constant 0 : i32
    %dma_start3A_73 = arith.constant 0 : i32
    %dma_start3A_74 = tpu.memref_slice %arg6[%dma_start3A_70, %dma_start3A_72, %dma_start3A_73] : memref<2x400x128xf32, #tpu.memory_space<vmem>> -> memref<1x128x128xf32, #tpu.memory_space<vmem>>
    %dma_start3A_75 = tpu.memref_squeeze %dma_start3A_74 : memref<1x128x128xf32, #tpu.memory_space<vmem>> -> memref<128x128xf32, #tpu.memory_space<vmem>>
    %dma_start3A_76 = arith.constant 0 : i32
    %dma_start3A_77 = tpu.memref_slice %arg5[%dma_start3A_69, %dma_start3A_76] : memref<2x400xi32, #tpu.memory_space<vmem>> -> memref<1x128xi32, #tpu.memory_space<vmem>>
    %dma_start3A_78 = tpu.memref_squeeze %dma_start3A_77 : memref<1x128xi32, #tpu.memory_space<vmem>> -> memref<128xi32, #tpu.memory_space<vmem>>
    %dma_start3A_79 = arith.constant 0 : i32
    %dma_start3A_80 = arith.constant 0 : i32
    %dma_start3A_81 = tpu.memref_slice %arg2[%dma_start3A_79, %dma_start3A_80] : memref<410000x128xf32, #tpu.memory_space<hbm>> -> memref<410000x128xf32, #tpu.memory_space<hbm>>
    %dma_start3A_82 = tpu.memref_slice %arg7[%dma_start3A_71] : memref<2x!tpu.dma_semaphore, #tpu.memory_space<semaphore_mem>> -> memref<1x!tpu.dma_semaphore, #tpu.memory_space<semaphore_mem>>
    %dma_start3A_83 = tpu.memref_squeeze %dma_start3A_82 : memref<1x!tpu.dma_semaphore, #tpu.memory_space<semaphore_mem>> -> memref<!tpu.dma_semaphore, #tpu.memory_space<semaphore_mem>>
    tpu.enqueue_indirect_dma source(%dma_start3A_81 : memref<410000x128xf32, #tpu.memory_space<hbm>>) target(%dma_start3A_75 : memref<128x128xf32, #tpu.memory_space<vmem>>) offsets(%dma_start3A_78 : memref<128xi32, #tpu.memory_space<vmem>>) semaphore(%dma_start3A_83 : memref<!tpu.dma_semaphore, #tpu.memory_space<semaphore_mem>>)
    %dma_start3A_84 = arith.constant 1 : i32
    %dma_start3A_85 = arith.constant 1 : i32
    %dma_start3A_86 = arith.constant 1 : i32
    %dma_start3A_87 = arith.constant 128 : i32
    %dma_start3A_88 = arith.constant 0 : i32
    %dma_start3A_89 = tpu.memref_slice %arg6[%dma_start3A_85, %dma_start3A_87, %dma_start3A_88] : memref<2x400x128xf32, #tpu.memory_space<vmem>> -> memref<1x128x128xf32, #tpu.memory_space<vmem>>
    %dma_start3A_90 = tpu.memref_squeeze %dma_start3A_89 : memref<1x128x128xf32, #tpu.memory_space<vmem>> -> memref<128x128xf32, #tpu.memory_space<vmem>>
    %dma_start3A_91 = arith.constant 128 : i32
    %dma_start3A_92 = tpu.memref_slice %arg5[%dma_start3A_84, %dma_start3A_91] : memref<2x400xi32, #tpu.memory_space<vmem>> -> memref<1x128xi32, #tpu.memory_space<vmem>>
    %dma_start3A_93 = tpu.memref_squeeze %dma_start3A_92 : memref<1x128xi32, #tpu.memory_space<vmem>> -> memref<128xi32, #tpu.memory_space<vmem>>
    %dma_start3A_94 = arith.constant 0 : i32
    %dma_start3A_95 = arith.constant 0 : i32
    %dma_start3A_96 = tpu.memref_slice %arg2[%dma_start3A_94, %dma_start3A_95] : memref<410000x128xf32, #tpu.memory_space<hbm>> -> memref<410000x128xf32, #tpu.memory_space<hbm>>
    %dma_start3A_97 = tpu.memref_slice %arg7[%dma_start3A_86] : memref<2x!tpu.dma_semaphore, #tpu.memory_space<semaphore_mem>> -> memref<1x!tpu.dma_semaphore, #tpu.memory_space<semaphore_mem>>
    %dma_start3A_98 = tpu.memref_squeeze %dma_start3A_97 : memref<1x!tpu.dma_semaphore, #tpu.memory_space<semaphore_mem>> -> memref<!tpu.dma_semaphore, #tpu.memory_space<semaphore_mem>>
    tpu.enqueue_indirect_dma source(%dma_start3A_96 : memref<410000x128xf32, #tpu.memory_space<hbm>>) target(%dma_start3A_90 : memref<128x128xf32, #tpu.memory_space<vmem>>) offsets(%dma_start3A_93 : memref<128xi32, #tpu.memory_space<vmem>>) semaphore(%dma_start3A_98 : memref<!tpu.dma_semaphore, #tpu.memory_space<semaphore_mem>>)
    %dma_start3A_99 = arith.constant 1 : i32
    %dma_start3A_100 = arith.constant 1 : i32
    %dma_start3A_101 = arith.constant 1 : i32
    %dma_start3A_102 = arith.constant 256 : i32
    %dma_start3A_103 = arith.constant 0 : i32
    %dma_start3A_104 = tpu.memref_slice %arg6[%dma_start3A_100, %dma_start3A_102, %dma_start3A_103] : memref<2x400x128xf32, #tpu.memory_space<vmem>> -> memref<1x128x128xf32, #tpu.memory_space<vmem>>
    %dma_start3A_105 = tpu.memref_squeeze %dma_start3A_104 : memref<1x128x128xf32, #tpu.memory_space<vmem>> -> memref<128x128xf32, #tpu.memory_space<vmem>>
    %dma_start3A_106 = arith.constant 256 : i32
    %dma_start3A_107 = tpu.memref_slice %arg5[%dma_start3A_99, %dma_start3A_106] : memref<2x400xi32, #tpu.memory_space<vmem>> -> memref<1x128xi32, #tpu.memory_space<vmem>>
    %dma_start3A_108 = tpu.memref_squeeze %dma_start3A_107 : memref<1x128xi32, #tpu.memory_space<vmem>> -> memref<128xi32, #tpu.memory_space<vmem>>
    %dma_start3A_109 = arith.constant 0 : i32
    %dma_start3A_110 = arith.constant 0 : i32
    %dma_start3A_111 = tpu.memref_slice %arg2[%dma_start3A_109, %dma_start3A_110] : memref<410000x128xf32, #tpu.memory_space<hbm>> -> memref<410000x128xf32, #tpu.memory_space<hbm>>
    %dma_start3A_112 = tpu.memref_slice %arg7[%dma_start3A_101] : memref<2x!tpu.dma_semaphore, #tpu.memory_space<semaphore_mem>> -> memref<1x!tpu.dma_semaphore, #tpu.memory_space<semaphore_mem>>
    %dma_start3A_113 = tpu.memref_squeeze %dma_start3A_112 : memref<1x!tpu.dma_semaphore, #tpu.memory_space<semaphore_mem>> -> memref<!tpu.dma_semaphore, #tpu.memory_space<semaphore_mem>>
    tpu.enqueue_indirect_dma source(%dma_start3A_111 : memref<410000x128xf32, #tpu.memory_space<hbm>>) target(%dma_start3A_105 : memref<128x128xf32, #tpu.memory_space<vmem>>) offsets(%dma_start3A_108 : memref<128xi32, #tpu.memory_space<vmem>>) semaphore(%dma_start3A_113 : memref<!tpu.dma_semaphore, #tpu.memory_space<semaphore_mem>>)
    %dma_start3A_114 = arith.constant 1 : i32
    %dma_start3A_115 = arith.constant 1 : i32
    %dma_start3A_116 = arith.constant 1 : i32
    %dma_start3A_117 = arith.constant 384 : i32
    %dma_start3A_118 = arith.constant 0 : i32
    %dma_start3A_119 = tpu.memref_slice %arg6[%dma_start3A_115, %dma_start3A_117, %dma_start3A_118] : memref<2x400x128xf32, #tpu.memory_space<vmem>> -> memref<1x16x128xf32, #tpu.memory_space<vmem>>
    %dma_start3A_120 = tpu.memref_squeeze %dma_start3A_119 : memref<1x16x128xf32, #tpu.memory_space<vmem>> -> memref<16x128xf32, #tpu.memory_space<vmem>>
    %dma_start3A_121 = arith.constant 384 : i32
    %dma_start3A_122 = tpu.memref_slice %arg5[%dma_start3A_114, %dma_start3A_121] : memref<2x400xi32, #tpu.memory_space<vmem>> -> memref<1x16xi32, #tpu.memory_space<vmem>>
    %dma_start3A_123 = tpu.memref_squeeze %dma_start3A_122 : memref<1x16xi32, #tpu.memory_space<vmem>> -> memref<16xi32, #tpu.memory_space<vmem>>
    %dma_start3A_124 = arith.constant 0 : i32
    %dma_start3A_125 = arith.constant 0 : i32
    %dma_start3A_126 = tpu.memref_slice %arg2[%dma_start3A_124, %dma_start3A_125] : memref<410000x128xf32, #tpu.memory_space<hbm>> -> memref<410000x128xf32, #tpu.memory_space<hbm>>
    %dma_start3A_127 = tpu.memref_slice %arg7[%dma_start3A_116] : memref<2x!tpu.dma_semaphore, #tpu.memory_space<semaphore_mem>> -> memref<1x!tpu.dma_semaphore, #tpu.memory_space<semaphore_mem>>
    %dma_start3A_128 = tpu.memref_squeeze %dma_start3A_127 : memref<1x!tpu.dma_semaphore, #tpu.memory_space<semaphore_mem>> -> memref<!tpu.dma_semaphore, #tpu.memory_space<semaphore_mem>>
    tpu.enqueue_indirect_dma source(%dma_start3A_126 : memref<410000x128xf32, #tpu.memory_space<hbm>>) target(%dma_start3A_120 : memref<16x128xf32, #tpu.memory_space<vmem>>) offsets(%dma_start3A_123 : memref<16xi32, #tpu.memory_space<vmem>>) semaphore(%dma_start3A_128 : memref<!tpu.dma_semaphore, #tpu.memory_space<semaphore_mem>>)
    %dma_wait3A = arith.constant 0 : i32
    %dma_wait3A_129 = arith.constant 0 : i32
    %dma_wait3A_130 = arith.constant 0 : i32
    %dma_wait3A_131 = arith.constant 0 : i32
    %dma_wait3A_132 = arith.constant 0 : i32
    %dma_wait3A_133 = tpu.memref_slice %arg6[%dma_wait3A_129, %dma_wait3A_131, %dma_wait3A_132] : memref<2x400x128xf32, #tpu.memory_space<vmem>> -> memref<1x128x128xf32, #tpu.memory_space<vmem>>
    %dma_wait3A_134 = tpu.memref_squeeze %dma_wait3A_133 : memref<1x128x128xf32, #tpu.memory_space<vmem>> -> memref<128x128xf32, #tpu.memory_space<vmem>>
    %dma_wait3A_135 = arith.constant 0 : i32
    %dma_wait3A_136 = tpu.memref_slice %arg5[%dma_wait3A, %dma_wait3A_135] : memref<2x400xi32, #tpu.memory_space<vmem>> -> memref<1x128xi32, #tpu.memory_space<vmem>>
    %dma_wait3A_137 = tpu.memref_squeeze %dma_wait3A_136 : memref<1x128xi32, #tpu.memory_space<vmem>> -> memref<128xi32, #tpu.memory_space<vmem>>
    %dma_wait3A_138 = arith.constant 0 : i32
    %dma_wait3A_139 = arith.constant 0 : i32
    %dma_wait3A_140 = tpu.memref_slice %arg2[%dma_wait3A_138, %dma_wait3A_139] : memref<410000x128xf32, #tpu.memory_space<hbm>> -> memref<410000x128xf32, #tpu.memory_space<hbm>>
    %dma_wait3A_141 = tpu.memref_slice %arg7[%dma_wait3A_130] : memref<2x!tpu.dma_semaphore, #tpu.memory_space<semaphore_mem>> -> memref<1x!tpu.dma_semaphore, #tpu.memory_space<semaphore_mem>>
    %dma_wait3A_142 = tpu.memref_squeeze %dma_wait3A_141 : memref<1x!tpu.dma_semaphore, #tpu.memory_space<semaphore_mem>> -> memref<!tpu.dma_semaphore, #tpu.memory_space<semaphore_mem>>
    tpu.wait_indirect_dma semaphore(%dma_wait3A_142 : memref<!tpu.dma_semaphore, #tpu.memory_space<semaphore_mem>>) src(%dma_wait3A_140 : memref<410000x128xf32, #tpu.memory_space<hbm>>) dst(%dma_wait3A_134 : memref<128x128xf32, #tpu.memory_space<vmem>>)
    %dma_wait3A_143 = arith.constant 0 : i32
    %dma_wait3A_144 = arith.constant 0 : i32
    %dma_wait3A_145 = arith.constant 0 : i32
    %dma_wait3A_146 = arith.constant 128 : i32
    %dma_wait3A_147 = arith.constant 0 : i32
    %dma_wait3A_148 = tpu.memref_slice %arg6[%dma_wait3A_144, %dma_wait3A_146, %dma_wait3A_147] : memref<2x400x128xf32, #tpu.memory_space<vmem>> -> memref<1x128x128xf32, #tpu.memory_space<vmem>>
    %dma_wait3A_149 = tpu.memref_squeeze %dma_wait3A_148 : memref<1x128x128xf32, #tpu.memory_space<vmem>> -> memref<128x128xf32, #tpu.memory_space<vmem>>
    %dma_wait3A_150 = arith.constant 128 : i32
    %dma_wait3A_151 = tpu.memref_slice %arg5[%dma_wait3A_143, %dma_wait3A_150] : memref<2x400xi32, #tpu.memory_space<vmem>> -> memref<1x128xi32, #tpu.memory_space<vmem>>
    %dma_wait3A_152 = tpu.memref_squeeze %dma_wait3A_151 : memref<1x128xi32, #tpu.memory_space<vmem>> -> memref<128xi32, #tpu.memory_space<vmem>>
    %dma_wait3A_153 = arith.constant 0 : i32
    %dma_wait3A_154 = arith.constant 0 : i32
    %dma_wait3A_155 = tpu.memref_slice %arg2[%dma_wait3A_153, %dma_wait3A_154] : memref<410000x128xf32, #tpu.memory_space<hbm>> -> memref<410000x128xf32, #tpu.memory_space<hbm>>
    %dma_wait3A_156 = tpu.memref_slice %arg7[%dma_wait3A_145] : memref<2x!tpu.dma_semaphore, #tpu.memory_space<semaphore_mem>> -> memref<1x!tpu.dma_semaphore, #tpu.memory_space<semaphore_mem>>
    %dma_wait3A_157 = tpu.memref_squeeze %dma_wait3A_156 : memref<1x!tpu.dma_semaphore, #tpu.memory_space<semaphore_mem>> -> memref<!tpu.dma_semaphore, #tpu.memory_space<semaphore_mem>>
    tpu.wait_indirect_dma semaphore(%dma_wait3A_157 : memref<!tpu.dma_semaphore, #tpu.memory_space<semaphore_mem>>) src(%dma_wait3A_155 : memref<410000x128xf32, #tpu.memory_space<hbm>>) dst(%dma_wait3A_149 : memref<128x128xf32, #tpu.memory_space<vmem>>)
    %dma_wait3A_158 = arith.constant 0 : i32
    %dma_wait3A_159 = arith.constant 0 : i32
    %dma_wait3A_160 = arith.constant 0 : i32
    %dma_wait3A_161 = arith.constant 256 : i32
    %dma_wait3A_162 = arith.constant 0 : i32
    %dma_wait3A_163 = tpu.memref_slice %arg6[%dma_wait3A_159, %dma_wait3A_161, %dma_wait3A_162] : memref<2x400x128xf32, #tpu.memory_space<vmem>> -> memref<1x128x128xf32, #tpu.memory_space<vmem>>
    %dma_wait3A_164 = tpu.memref_squeeze %dma_wait3A_163 : memref<1x128x128xf32, #tpu.memory_space<vmem>> -> memref<128x128xf32, #tpu.memory_space<vmem>>
    %dma_wait3A_165 = arith.constant 256 : i32
    %dma_wait3A_166 = tpu.memref_slice %arg5[%dma_wait3A_158, %dma_wait3A_165] : memref<2x400xi32, #tpu.memory_space<vmem>> -> memref<1x128xi32, #tpu.memory_space<vmem>>
    %dma_wait3A_167 = tpu.memref_squeeze %dma_wait3A_166 : memref<1x128xi32, #tpu.memory_space<vmem>> -> memref<128xi32, #tpu.memory_space<vmem>>
    %dma_wait3A_168 = arith.constant 0 : i32
    %dma_wait3A_169 = arith.constant 0 : i32
    %dma_wait3A_170 = tpu.memref_slice %arg2[%dma_wait3A_168, %dma_wait3A_169] : memref<410000x128xf32, #tpu.memory_space<hbm>> -> memref<410000x128xf32, #tpu.memory_space<hbm>>
    %dma_wait3A_171 = tpu.memref_slice %arg7[%dma_wait3A_160] : memref<2x!tpu.dma_semaphore, #tpu.memory_space<semaphore_mem>> -> memref<1x!tpu.dma_semaphore, #tpu.memory_space<semaphore_mem>>
    %dma_wait3A_172 = tpu.memref_squeeze %dma_wait3A_171 : memref<1x!tpu.dma_semaphore, #tpu.memory_space<semaphore_mem>> -> memref<!tpu.dma_semaphore, #tpu.memory_space<semaphore_mem>>
    tpu.wait_indirect_dma semaphore(%dma_wait3A_172 : memref<!tpu.dma_semaphore, #tpu.memory_space<semaphore_mem>>) src(%dma_wait3A_170 : memref<410000x128xf32, #tpu.memory_space<hbm>>) dst(%dma_wait3A_164 : memref<128x128xf32, #tpu.memory_space<vmem>>)
    %dma_wait3A_173 = arith.constant 0 : i32
    %dma_wait3A_174 = arith.constant 0 : i32
    %dma_wait3A_175 = arith.constant 0 : i32
    %dma_wait3A_176 = arith.constant 384 : i32
    %dma_wait3A_177 = arith.constant 0 : i32
    %dma_wait3A_178 = tpu.memref_slice %arg6[%dma_wait3A_174, %dma_wait3A_176, %dma_wait3A_177] : memref<2x400x128xf32, #tpu.memory_space<vmem>> -> memref<1x16x128xf32, #tpu.memory_space<vmem>>
    %dma_wait3A_179 = tpu.memref_squeeze %dma_wait3A_178 : memref<1x16x128xf32, #tpu.memory_space<vmem>> -> memref<16x128xf32, #tpu.memory_space<vmem>>
    %dma_wait3A_180 = arith.constant 384 : i32
    %dma_wait3A_181 = tpu.memref_slice %arg5[%dma_wait3A_173, %dma_wait3A_180] : memref<2x400xi32, #tpu.memory_space<vmem>> -> memref<1x16xi32, #tpu.memory_space<vmem>>
    %dma_wait3A_182 = tpu.memref_squeeze %dma_wait3A_181 : memref<1x16xi32, #tpu.memory_space<vmem>> -> memref<16xi32, #tpu.memory_space<vmem>>
    %dma_wait3A_183 = arith.constant 0 : i32
    %dma_wait3A_184 = arith.constant 0 : i32
    %dma_wait3A_185 = tpu.memref_slice %arg2[%dma_wait3A_183, %dma_wait3A_184] : memref<410000x128xf32, #tpu.memory_space<hbm>> -> memref<410000x128xf32, #tpu.memory_space<hbm>>
    %dma_wait3A_186 = tpu.memref_slice %arg7[%dma_wait3A_175] : memref<2x!tpu.dma_semaphore, #tpu.memory_space<semaphore_mem>> -> memref<1x!tpu.dma_semaphore, #tpu.memory_space<semaphore_mem>>
    %dma_wait3A_187 = tpu.memref_squeeze %dma_wait3A_186 : memref<1x!tpu.dma_semaphore, #tpu.memory_space<semaphore_mem>> -> memref<!tpu.dma_semaphore, #tpu.memory_space<semaphore_mem>>
    tpu.wait_indirect_dma semaphore(%dma_wait3A_187 : memref<!tpu.dma_semaphore, #tpu.memory_space<semaphore_mem>>) src(%dma_wait3A_185 : memref<410000x128xf32, #tpu.memory_space<hbm>>) dst(%dma_wait3A_179 : memref<16x128xf32, #tpu.memory_space<vmem>>)
    %mul3A_188 = arith.constant 4 : i32
    %mul3A_189 = arith.muli %add3A, %mul3A_188 : i32
    %add3A_190 = arith.constant 0 : i32
    %add3A_191 = arith.addi %mul3A_189, %add3A_190 : i32
    %mul3A_192 = arith.constant 8 : i32
    %mul3A_193 = arith.muli %add3A_191, %mul3A_192 : i32
    %lt3A = arith.constant 1000 : i32
    %lt3A_194 = arith.cmpi slt, %mul3A_193, %lt3A : i32
    %convert_element_type3A = arith.extui %lt3A_194 : i1 to i32
    %cond3A = arith.constant 0 : i32
    %cond3A_195 = arith.cmpi ne, %convert_element_type3A, %cond3A : i32
    scf.if %cond3A_195 {
      %mul3A_1171 = arith.constant 4 : i32
      %mul3A_1172 = arith.muli %add3A, %mul3A_1171 : i32
      %add3A_1173 = arith.constant 0 : i32
      %add3A_1174 = arith.addi %mul3A_1172, %add3A_1173 : i32
      %mul3A_1175 = arith.constant 16 : i32
      %mul3A_1176 = arith.muli %add3A_1174, %mul3A_1175 : i32
      %add3A_1177 = arith.constant 0 : i32
      %add3A_1178 = arith.addi %add3A_1177, %mul3A_1176 : i32
      %scan3A = arith.constant 0 : i32
      %scan3A_1179 = arith.constant 0 : i32
      %scan3A_1180 = arith.constant 50 : i32
      %scan3A_1181 = arith.addi %scan3A_1179, %scan3A_1180 : i32
      %scan3A_1182 = arith.constant 1 : i32
      scf.for %scan3A_1184 = %scan3A_1179 to %scan3A_1181 step %scan3A_1182  : i32 {
        %shift_right_arithmetic3A = arith.constant 1 : i32
        %shift_right_arithmetic3A_1185 = arith.shrsi %scan3A_1184, %shift_right_arithmetic3A : i32
        %mul3A_1186 = arith.constant 2000 : i32
        %mul3A_1187 = arith.muli %shift_right_arithmetic3A_1185, %mul3A_1186 : i32
        %add3A_1188 = arith.addi %add3A_1178, %mul3A_1187 : i32
        %and3A = arith.constant 1 : i32
        %and3A_1189 = arith.andi %scan3A_1184, %and3A : i32
        %mul3A_1190 = arith.constant 8 : i32
        %mul3A_1191 = arith.muli %and3A_1189, %mul3A_1190 : i32
        %add3A_1192 = arith.addi %add3A_1188, %mul3A_1191 : i32
        %mul3A_1193 = arith.constant 8 : i32
        %mul3A_1194 = arith.muli %scan3A_1184, %mul3A_1193 : i32
        %dma_start3A_1195 = arith.constant 0 : i32
        %dma_start3A_1196 = arith.constant 0 : i32
        %dma_start3A_1197 = arith.constant 0 : i32
        %dma_start3A_1198 = tpu.memref_slice %arg6[%dma_start3A_1195, %mul3A_1194, %dma_start3A_1197] : memref<2x400x128xf32, #tpu.memory_space<vmem>> -> memref<1x8x128xf32, #tpu.memory_space<vmem>>
        %dma_start3A_1199 = tpu.memref_squeeze %dma_start3A_1198 : memref<1x8x128xf32, #tpu.memory_space<vmem>> -> memref<8x128xf32, #tpu.memory_space<vmem>>
        %dma_start3A_1200 = arith.constant 0 : i32
        %dma_start3A_1201 = tpu.memref_slice %arg4[%add3A_1192, %dma_start3A_1200] : memref<98000x128xf32, #tpu.memory_space<hbm>> -> memref<8x128xf32, #tpu.memory_space<hbm>>
        %dma_start3A_1202 = tpu.memref_slice %arg8[%dma_start3A_1196] : memref<2x!tpu.dma_semaphore, #tpu.memory_space<semaphore_mem>> -> memref<1x!tpu.dma_semaphore, #tpu.memory_space<semaphore_mem>>
        %dma_start3A_1203 = tpu.memref_squeeze %dma_start3A_1202 : memref<1x!tpu.dma_semaphore, #tpu.memory_space<semaphore_mem>> -> memref<!tpu.dma_semaphore, #tpu.memory_space<semaphore_mem>>
        %dma_start3A_1204 = arith.constant 0 : i32
        %dma_start3A_1205 = tpu.memref_slice %arg4[%add3A_1192, %dma_start3A_1204] : memref<98000x128xf32, #tpu.memory_space<hbm>> -> memref<8x128xf32, #tpu.memory_space<hbm>>
        %dma_start3A_1206 = arith.constant 0 : i32
        %dma_start3A_1207 = tpu.memref_slice %arg6[%dma_start3A_1195, %mul3A_1194, %dma_start3A_1206] : memref<2x400x128xf32, #tpu.memory_space<vmem>> -> memref<1x8x128xf32, #tpu.memory_space<vmem>>
        %dma_start3A_1208 = tpu.memref_squeeze %dma_start3A_1207 : memref<1x8x128xf32, #tpu.memory_space<vmem>> -> memref<8x128xf32, #tpu.memory_space<vmem>>
        tpu.enqueue_dma source(%dma_start3A_1208 : memref<8x128xf32, #tpu.memory_space<vmem>>) target(%dma_start3A_1205 : memref<8x128xf32, #tpu.memory_space<hbm>>) target_semaphore(%dma_start3A_1203 : memref<!tpu.dma_semaphore, #tpu.memory_space<semaphore_mem>>)
      }
      %scan3A_1183 = arith.constant 50 : i32
    } else {
    }
    %mul3A_196 = arith.constant 4 : i32
    %mul3A_197 = arith.muli %add3A, %mul3A_196 : i32
    %add3A_198 = arith.constant 0 : i32
    %add3A_199 = arith.addi %mul3A_197, %add3A_198 : i32
    %mul3A_200 = arith.constant 8 : i32
    %mul3A_201 = arith.muli %add3A_199, %mul3A_200 : i32
    %lt3A_202 = arith.constant 1000 : i32
    %lt3A_203 = arith.cmpi slt, %mul3A_201, %lt3A_202 : i32
    %convert_element_type3A_204 = arith.extui %lt3A_203 : i1 to i32
    %cond3A_205 = arith.constant 0 : i32
    %cond3A_206 = arith.cmpi ne, %convert_element_type3A_204, %cond3A_205 : i32
    scf.if %cond3A_206 {
      %scan3A = arith.constant 0 : i32
      %scan3A_1171 = arith.constant 0 : i32
      %scan3A_1172 = arith.constant 50 : i32
      %scan3A_1173 = arith.addi %scan3A_1171, %scan3A_1172 : i32
      %scan3A_1174 = arith.constant 1 : i32
      scf.for %scan3A_1176 = %scan3A_1171 to %scan3A_1173 step %scan3A_1174  : i32 {
        %dma_wait3A_1177 = arith.constant 0 : i32
        %dma_wait3A_1178 = arith.constant 0 : i32
        %dma_wait3A_1179 = arith.constant 0 : i32
        %dma_wait3A_1180 = arith.constant 0 : i32
        %dma_wait3A_1181 = tpu.memref_slice %arg6[%dma_wait3A_1177, %dma_wait3A_1179, %dma_wait3A_1180] : memref<2x400x128xf32, #tpu.memory_space<vmem>> -> memref<1x8x128xf32, #tpu.memory_space<vmem>>
        %dma_wait3A_1182 = tpu.memref_squeeze %dma_wait3A_1181 : memref<1x8x128xf32, #tpu.memory_space<vmem>> -> memref<8x128xf32, #tpu.memory_space<vmem>>
        %dma_wait3A_1183 = arith.constant 0 : i32
        %dma_wait3A_1184 = arith.constant 0 : i32
        %dma_wait3A_1185 = tpu.memref_slice %arg4[%dma_wait3A_1183, %dma_wait3A_1184] : memref<98000x128xf32, #tpu.memory_space<hbm>> -> memref<8x128xf32, #tpu.memory_space<hbm>>
        %dma_wait3A_1186 = tpu.memref_slice %arg8[%dma_wait3A_1178] : memref<2x!tpu.dma_semaphore, #tpu.memory_space<semaphore_mem>> -> memref<1x!tpu.dma_semaphore, #tpu.memory_space<semaphore_mem>>
        %dma_wait3A_1187 = tpu.memref_squeeze %dma_wait3A_1186 : memref<1x!tpu.dma_semaphore, #tpu.memory_space<semaphore_mem>> -> memref<!tpu.dma_semaphore, #tpu.memory_space<semaphore_mem>>
        %dma_wait3A_1188 = arith.constant 0 : i32
        %dma_wait3A_1189 = arith.constant 0 : i32
        %dma_wait3A_1190 = tpu.memref_slice %arg4[%dma_wait3A_1188, %dma_wait3A_1189] : memref<98000x128xf32, #tpu.memory_space<hbm>> -> memref<8x128xf32, #tpu.memory_space<hbm>>
        %dma_wait3A_1191 = arith.constant 0 : i32
        %dma_wait3A_1192 = arith.constant 0 : i32
        %dma_wait3A_1193 = tpu.memref_slice %arg6[%dma_wait3A_1177, %dma_wait3A_1191, %dma_wait3A_1192] : memref<2x400x128xf32, #tpu.memory_space<vmem>> -> memref<1x8x128xf32, #tpu.memory_space<vmem>>
        %dma_wait3A_1194 = tpu.memref_squeeze %dma_wait3A_1193 : memref<1x8x128xf32, #tpu.memory_space<vmem>> -> memref<8x128xf32, #tpu.memory_space<vmem>>
        tpu.wait_dma2 semaphore(%dma_wait3A_1187 : memref<!tpu.dma_semaphore, #tpu.memory_space<semaphore_mem>>) src(%dma_wait3A_1194 : memref<8x128xf32, #tpu.memory_space<vmem>>) dst(%dma_wait3A_1190 : memref<8x128xf32, #tpu.memory_space<hbm>>)
      }
      %scan3A_1175 = arith.constant 50 : i32
    } else {
    }
    %mul3A_207 = arith.constant 8 : i32
    %mul3A_208 = arith.muli %add3A, %mul3A_207 : i32
    %add3A_209 = arith.constant 2 : i32
    %add3A_210 = arith.addi %mul3A_208, %add3A_209 : i32
    %run_scoped3A_211 = arith.constant 0 : i32
    "tpu.region"() ({
      %run_scoped3A_1171 = tpu.sem_alloc : memref<!tpu.dma_semaphore, #tpu.memory_space<semaphore_mem>>
      %dma_start3A_1172 = arith.constant 0 : i32
      %dma_start3A_1173 = tpu.memref_slice %arg5[%run_scoped3A_211, %dma_start3A_1172] : memref<2x400xi32, #tpu.memory_space<vmem>> -> memref<1x400xi32, #tpu.memory_space<vmem>>
      %dma_start3A_1174 = tpu.memref_squeeze %dma_start3A_1173 : memref<1x400xi32, #tpu.memory_space<vmem>> -> memref<400xi32, #tpu.memory_space<vmem>>
      %dma_start3A_1175 = arith.constant 0 : i32
      %dma_start3A_1176 = tpu.memref_slice %arg3[%add3A_210, %dma_start3A_1175] : memref<256x400xi32, #tpu.memory_space<hbm>> -> memref<1x400xi32, #tpu.memory_space<hbm>>
      %dma_start3A_1177 = tpu.memref_squeeze %dma_start3A_1176 : memref<1x400xi32, #tpu.memory_space<hbm>> -> memref<400xi32, #tpu.memory_space<hbm>>
      %dma_start3A_1178 = arith.constant 0 : i32
      %dma_start3A_1179 = tpu.memref_slice %arg5[%run_scoped3A_211, %dma_start3A_1178] : memref<2x400xi32, #tpu.memory_space<vmem>> -> memref<1x400xi32, #tpu.memory_space<vmem>>
      %dma_start3A_1180 = tpu.memref_squeeze %dma_start3A_1179 : memref<1x400xi32, #tpu.memory_space<vmem>> -> memref<400xi32, #tpu.memory_space<vmem>>
      %dma_start3A_1181 = arith.constant 0 : i32
      %dma_start3A_1182 = tpu.memref_slice %arg3[%add3A_210, %dma_start3A_1181] : memref<256x400xi32, #tpu.memory_space<hbm>> -> memref<1x400xi32, #tpu.memory_space<hbm>>
      %dma_start3A_1183 = tpu.memref_squeeze %dma_start3A_1182 : memref<1x400xi32, #tpu.memory_space<hbm>> -> memref<400xi32, #tpu.memory_space<hbm>>
      tpu.enqueue_dma source(%dma_start3A_1183 : memref<400xi32, #tpu.memory_space<hbm>>) target(%dma_start3A_1180 : memref<400xi32, #tpu.memory_space<vmem>>) target_semaphore(%run_scoped3A_1171 : memref<!tpu.dma_semaphore, #tpu.memory_space<semaphore_mem>>)
      %dma_wait3A_1184 = arith.constant 0 : i32
      %dma_wait3A_1185 = tpu.memref_slice %arg5[%run_scoped3A_211, %dma_wait3A_1184] : memref<2x400xi32, #tpu.memory_space<vmem>> -> memref<1x400xi32, #tpu.memory_space<vmem>>
      %dma_wait3A_1186 = tpu.memref_squeeze %dma_wait3A_1185 : memref<1x400xi32, #tpu.memory_space<vmem>> -> memref<400xi32, #tpu.memory_space<vmem>>
      %dma_wait3A_1187 = arith.constant 0 : i32
      %dma_wait3A_1188 = tpu.memref_slice %arg3[%add3A_210, %dma_wait3A_1187] : memref<256x400xi32, #tpu.memory_space<hbm>> -> memref<1x400xi32, #tpu.memory_space<hbm>>
      %dma_wait3A_1189 = tpu.memref_squeeze %dma_wait3A_1188 : memref<1x400xi32, #tpu.memory_space<hbm>> -> memref<400xi32, #tpu.memory_space<hbm>>
      %dma_wait3A_1190 = arith.constant 0 : i32
      %dma_wait3A_1191 = tpu.memref_slice %arg5[%run_scoped3A_211, %dma_wait3A_1190] : memref<2x400xi32, #tpu.memory_space<vmem>> -> memref<1x400xi32, #tpu.memory_space<vmem>>
      %dma_wait3A_1192 = tpu.memref_squeeze %dma_wait3A_1191 : memref<1x400xi32, #tpu.memory_space<vmem>> -> memref<400xi32, #tpu.memory_space<vmem>>
      %dma_wait3A_1193 = arith.constant 0 : i32
      %dma_wait3A_1194 = tpu.memref_slice %arg3[%add3A_210, %dma_wait3A_1193] : memref<256x400xi32, #tpu.memory_space<hbm>> -> memref<1x400xi32, #tpu.memory_space<hbm>>
      %dma_wait3A_1195 = tpu.memref_squeeze %dma_wait3A_1194 : memref<1x400xi32, #tpu.memory_space<hbm>> -> memref<400xi32, #tpu.memory_space<hbm>>
      tpu.wait_dma2 semaphore(%run_scoped3A_1171 : memref<!tpu.dma_semaphore, #tpu.memory_space<semaphore_mem>>) src(%dma_wait3A_1195 : memref<400xi32, #tpu.memory_space<hbm>>) dst(%dma_wait3A_1192 : memref<400xi32, #tpu.memory_space<vmem>>)
      tpu.yield
    }) : () -> ()
    %dma_start3A_212 = arith.constant 0 : i32
    %dma_start3A_213 = arith.constant 0 : i32
    %dma_start3A_214 = arith.constant 0 : i32
    %dma_start3A_215 = arith.constant 0 : i32
    %dma_start3A_216 = arith.constant 0 : i32
    %dma_start3A_217 = tpu.memref_slice %arg6[%dma_start3A_213, %dma_start3A_215, %dma_start3A_216] : memref<2x400x128xf32, #tpu.memory_space<vmem>> -> memref<1x128x128xf32, #tpu.memory_space<vmem>>
    %dma_start3A_218 = tpu.memref_squeeze %dma_start3A_217 : memref<1x128x128xf32, #tpu.memory_space<vmem>> -> memref<128x128xf32, #tpu.memory_space<vmem>>
    %dma_start3A_219 = arith.constant 0 : i32
    %dma_start3A_220 = tpu.memref_slice %arg5[%dma_start3A_212, %dma_start3A_219] : memref<2x400xi32, #tpu.memory_space<vmem>> -> memref<1x128xi32, #tpu.memory_space<vmem>>
    %dma_start3A_221 = tpu.memref_squeeze %dma_start3A_220 : memref<1x128xi32, #tpu.memory_space<vmem>> -> memref<128xi32, #tpu.memory_space<vmem>>
    %dma_start3A_222 = arith.constant 0 : i32
    %dma_start3A_223 = arith.constant 0 : i32
    %dma_start3A_224 = tpu.memref_slice %arg2[%dma_start3A_222, %dma_start3A_223] : memref<410000x128xf32, #tpu.memory_space<hbm>> -> memref<410000x128xf32, #tpu.memory_space<hbm>>
    %dma_start3A_225 = tpu.memref_slice %arg7[%dma_start3A_214] : memref<2x!tpu.dma_semaphore, #tpu.memory_space<semaphore_mem>> -> memref<1x!tpu.dma_semaphore, #tpu.memory_space<semaphore_mem>>
    %dma_start3A_226 = tpu.memref_squeeze %dma_start3A_225 : memref<1x!tpu.dma_semaphore, #tpu.memory_space<semaphore_mem>> -> memref<!tpu.dma_semaphore, #tpu.memory_space<semaphore_mem>>
    tpu.enqueue_indirect_dma source(%dma_start3A_224 : memref<410000x128xf32, #tpu.memory_space<hbm>>) target(%dma_start3A_218 : memref<128x128xf32, #tpu.memory_space<vmem>>) offsets(%dma_start3A_221 : memref<128xi32, #tpu.memory_space<vmem>>) semaphore(%dma_start3A_226 : memref<!tpu.dma_semaphore, #tpu.memory_space<semaphore_mem>>)
    %dma_start3A_227 = arith.constant 0 : i32
    %dma_start3A_228 = arith.constant 0 : i32
    %dma_start3A_229 = arith.constant 0 : i32
    %dma_start3A_230 = arith.constant 128 : i32
    %dma_start3A_231 = arith.constant 0 : i32
    %dma_start3A_232 = tpu.memref_slice %arg6[%dma_start3A_228, %dma_start3A_230, %dma_start3A_231] : memref<2x400x128xf32, #tpu.memory_space<vmem>> -> memref<1x128x128xf32, #tpu.memory_space<vmem>>
    %dma_start3A_233 = tpu.memref_squeeze %dma_start3A_232 : memref<1x128x128xf32, #tpu.memory_space<vmem>> -> memref<128x128xf32, #tpu.memory_space<vmem>>
    %dma_start3A_234 = arith.constant 128 : i32
    %dma_start3A_235 = tpu.memref_slice %arg5[%dma_start3A_227, %dma_start3A_234] : memref<2x400xi32, #tpu.memory_space<vmem>> -> memref<1x128xi32, #tpu.memory_space<vmem>>
    %dma_start3A_236 = tpu.memref_squeeze %dma_start3A_235 : memref<1x128xi32, #tpu.memory_space<vmem>> -> memref<128xi32, #tpu.memory_space<vmem>>
    %dma_start3A_237 = arith.constant 0 : i32
    %dma_start3A_238 = arith.constant 0 : i32
    %dma_start3A_239 = tpu.memref_slice %arg2[%dma_start3A_237, %dma_start3A_238] : memref<410000x128xf32, #tpu.memory_space<hbm>> -> memref<410000x128xf32, #tpu.memory_space<hbm>>
    %dma_start3A_240 = tpu.memref_slice %arg7[%dma_start3A_229] : memref<2x!tpu.dma_semaphore, #tpu.memory_space<semaphore_mem>> -> memref<1x!tpu.dma_semaphore, #tpu.memory_space<semaphore_mem>>
    %dma_start3A_241 = tpu.memref_squeeze %dma_start3A_240 : memref<1x!tpu.dma_semaphore, #tpu.memory_space<semaphore_mem>> -> memref<!tpu.dma_semaphore, #tpu.memory_space<semaphore_mem>>
    tpu.enqueue_indirect_dma source(%dma_start3A_239 : memref<410000x128xf32, #tpu.memory_space<hbm>>) target(%dma_start3A_233 : memref<128x128xf32, #tpu.memory_space<vmem>>) offsets(%dma_start3A_236 : memref<128xi32, #tpu.memory_space<vmem>>) semaphore(%dma_start3A_241 : memref<!tpu.dma_semaphore, #tpu.memory_space<semaphore_mem>>)
    %dma_start3A_242 = arith.constant 0 : i32
    %dma_start3A_243 = arith.constant 0 : i32
    %dma_start3A_244 = arith.constant 0 : i32
    %dma_start3A_245 = arith.constant 256 : i32
    %dma_start3A_246 = arith.constant 0 : i32
    %dma_start3A_247 = tpu.memref_slice %arg6[%dma_start3A_243, %dma_start3A_245, %dma_start3A_246] : memref<2x400x128xf32, #tpu.memory_space<vmem>> -> memref<1x128x128xf32, #tpu.memory_space<vmem>>
    %dma_start3A_248 = tpu.memref_squeeze %dma_start3A_247 : memref<1x128x128xf32, #tpu.memory_space<vmem>> -> memref<128x128xf32, #tpu.memory_space<vmem>>
    %dma_start3A_249 = arith.constant 256 : i32
    %dma_start3A_250 = tpu.memref_slice %arg5[%dma_start3A_242, %dma_start3A_249] : memref<2x400xi32, #tpu.memory_space<vmem>> -> memref<1x128xi32, #tpu.memory_space<vmem>>
    %dma_start3A_251 = tpu.memref_squeeze %dma_start3A_250 : memref<1x128xi32, #tpu.memory_space<vmem>> -> memref<128xi32, #tpu.memory_space<vmem>>
    %dma_start3A_252 = arith.constant 0 : i32
    %dma_start3A_253 = arith.constant 0 : i32
    %dma_start3A_254 = tpu.memref_slice %arg2[%dma_start3A_252, %dma_start3A_253] : memref<410000x128xf32, #tpu.memory_space<hbm>> -> memref<410000x128xf32, #tpu.memory_space<hbm>>
    %dma_start3A_255 = tpu.memref_slice %arg7[%dma_start3A_244] : memref<2x!tpu.dma_semaphore, #tpu.memory_space<semaphore_mem>> -> memref<1x!tpu.dma_semaphore, #tpu.memory_space<semaphore_mem>>
    %dma_start3A_256 = tpu.memref_squeeze %dma_start3A_255 : memref<1x!tpu.dma_semaphore, #tpu.memory_space<semaphore_mem>> -> memref<!tpu.dma_semaphore, #tpu.memory_space<semaphore_mem>>
    tpu.enqueue_indirect_dma source(%dma_start3A_254 : memref<410000x128xf32, #tpu.memory_space<hbm>>) target(%dma_start3A_248 : memref<128x128xf32, #tpu.memory_space<vmem>>) offsets(%dma_start3A_251 : memref<128xi32, #tpu.memory_space<vmem>>) semaphore(%dma_start3A_256 : memref<!tpu.dma_semaphore, #tpu.memory_space<semaphore_mem>>)
    %dma_start3A_257 = arith.constant 0 : i32
    %dma_start3A_258 = arith.constant 0 : i32
    %dma_start3A_259 = arith.constant 0 : i32
    %dma_start3A_260 = arith.constant 384 : i32
    %dma_start3A_261 = arith.constant 0 : i32
    %dma_start3A_262 = tpu.memref_slice %arg6[%dma_start3A_258, %dma_start3A_260, %dma_start3A_261] : memref<2x400x128xf32, #tpu.memory_space<vmem>> -> memref<1x16x128xf32, #tpu.memory_space<vmem>>
    %dma_start3A_263 = tpu.memref_squeeze %dma_start3A_262 : memref<1x16x128xf32, #tpu.memory_space<vmem>> -> memref<16x128xf32, #tpu.memory_space<vmem>>
    %dma_start3A_264 = arith.constant 384 : i32
    %dma_start3A_265 = tpu.memref_slice %arg5[%dma_start3A_257, %dma_start3A_264] : memref<2x400xi32, #tpu.memory_space<vmem>> -> memref<1x16xi32, #tpu.memory_space<vmem>>
    %dma_start3A_266 = tpu.memref_squeeze %dma_start3A_265 : memref<1x16xi32, #tpu.memory_space<vmem>> -> memref<16xi32, #tpu.memory_space<vmem>>
    %dma_start3A_267 = arith.constant 0 : i32
    %dma_start3A_268 = arith.constant 0 : i32
    %dma_start3A_269 = tpu.memref_slice %arg2[%dma_start3A_267, %dma_start3A_268] : memref<410000x128xf32, #tpu.memory_space<hbm>> -> memref<410000x128xf32, #tpu.memory_space<hbm>>
    %dma_start3A_270 = tpu.memref_slice %arg7[%dma_start3A_259] : memref<2x!tpu.dma_semaphore, #tpu.memory_space<semaphore_mem>> -> memref<1x!tpu.dma_semaphore, #tpu.memory_space<semaphore_mem>>
    %dma_start3A_271 = tpu.memref_squeeze %dma_start3A_270 : memref<1x!tpu.dma_semaphore, #tpu.memory_space<semaphore_mem>> -> memref<!tpu.dma_semaphore, #tpu.memory_space<semaphore_mem>>
    tpu.enqueue_indirect_dma source(%dma_start3A_269 : memref<410000x128xf32, #tpu.memory_space<hbm>>) target(%dma_start3A_263 : memref<16x128xf32, #tpu.memory_space<vmem>>) offsets(%dma_start3A_266 : memref<16xi32, #tpu.memory_space<vmem>>) semaphore(%dma_start3A_271 : memref<!tpu.dma_semaphore, #tpu.memory_space<semaphore_mem>>)
    %dma_wait3A_272 = arith.constant 1 : i32
    %dma_wait3A_273 = arith.constant 1 : i32
    %dma_wait3A_274 = arith.constant 1 : i32
    %dma_wait3A_275 = arith.constant 0 : i32
    %dma_wait3A_276 = arith.constant 0 : i32
    %dma_wait3A_277 = tpu.memref_slice %arg6[%dma_wait3A_273, %dma_wait3A_275, %dma_wait3A_276] : memref<2x400x128xf32, #tpu.memory_space<vmem>> -> memref<1x128x128xf32, #tpu.memory_space<vmem>>
    %dma_wait3A_278 = tpu.memref_squeeze %dma_wait3A_277 : memref<1x128x128xf32, #tpu.memory_space<vmem>> -> memref<128x128xf32, #tpu.memory_space<vmem>>
    %dma_wait3A_279 = arith.constant 0 : i32
    %dma_wait3A_280 = tpu.memref_slice %arg5[%dma_wait3A_272, %dma_wait3A_279] : memref<2x400xi32, #tpu.memory_space<vmem>> -> memref<1x128xi32, #tpu.memory_space<vmem>>
    %dma_wait3A_281 = tpu.memref_squeeze %dma_wait3A_280 : memref<1x128xi32, #tpu.memory_space<vmem>> -> memref<128xi32, #tpu.memory_space<vmem>>
    %dma_wait3A_282 = arith.constant 0 : i32
    %dma_wait3A_283 = arith.constant 0 : i32
    %dma_wait3A_284 = tpu.memref_slice %arg2[%dma_wait3A_282, %dma_wait3A_283] : memref<410000x128xf32, #tpu.memory_space<hbm>> -> memref<410000x128xf32, #tpu.memory_space<hbm>>
    %dma_wait3A_285 = tpu.memref_slice %arg7[%dma_wait3A_274] : memref<2x!tpu.dma_semaphore, #tpu.memory_space<semaphore_mem>> -> memref<1x!tpu.dma_semaphore, #tpu.memory_space<semaphore_mem>>
    %dma_wait3A_286 = tpu.memref_squeeze %dma_wait3A_285 : memref<1x!tpu.dma_semaphore, #tpu.memory_space<semaphore_mem>> -> memref<!tpu.dma_semaphore, #tpu.memory_space<semaphore_mem>>
    tpu.wait_indirect_dma semaphore(%dma_wait3A_286 : memref<!tpu.dma_semaphore, #tpu.memory_space<semaphore_mem>>) src(%dma_wait3A_284 : memref<410000x128xf32, #tpu.memory_space<hbm>>) dst(%dma_wait3A_278 : memref<128x128xf32, #tpu.memory_space<vmem>>)
    %dma_wait3A_287 = arith.constant 1 : i32
    %dma_wait3A_288 = arith.constant 1 : i32
    %dma_wait3A_289 = arith.constant 1 : i32
    %dma_wait3A_290 = arith.constant 128 : i32
    %dma_wait3A_291 = arith.constant 0 : i32
    %dma_wait3A_292 = tpu.memref_slice %arg6[%dma_wait3A_288, %dma_wait3A_290, %dma_wait3A_291] : memref<2x400x128xf32, #tpu.memory_space<vmem>> -> memref<1x128x128xf32, #tpu.memory_space<vmem>>
    %dma_wait3A_293 = tpu.memref_squeeze %dma_wait3A_292 : memref<1x128x128xf32, #tpu.memory_space<vmem>> -> memref<128x128xf32, #tpu.memory_space<vmem>>
    %dma_wait3A_294 = arith.constant 128 : i32
    %dma_wait3A_295 = tpu.memref_slice %arg5[%dma_wait3A_287, %dma_wait3A_294] : memref<2x400xi32, #tpu.memory_space<vmem>> -> memref<1x128xi32, #tpu.memory_space<vmem>>
    %dma_wait3A_296 = tpu.memref_squeeze %dma_wait3A_295 : memref<1x128xi32, #tpu.memory_space<vmem>> -> memref<128xi32, #tpu.memory_space<vmem>>
    %dma_wait3A_297 = arith.constant 0 : i32
    %dma_wait3A_298 = arith.constant 0 : i32
    %dma_wait3A_299 = tpu.memref_slice %arg2[%dma_wait3A_297, %dma_wait3A_298] : memref<410000x128xf32, #tpu.memory_space<hbm>> -> memref<410000x128xf32, #tpu.memory_space<hbm>>
    %dma_wait3A_300 = tpu.memref_slice %arg7[%dma_wait3A_289] : memref<2x!tpu.dma_semaphore, #tpu.memory_space<semaphore_mem>> -> memref<1x!tpu.dma_semaphore, #tpu.memory_space<semaphore_mem>>
    %dma_wait3A_301 = tpu.memref_squeeze %dma_wait3A_300 : memref<1x!tpu.dma_semaphore, #tpu.memory_space<semaphore_mem>> -> memref<!tpu.dma_semaphore, #tpu.memory_space<semaphore_mem>>
    tpu.wait_indirect_dma semaphore(%dma_wait3A_301 : memref<!tpu.dma_semaphore, #tpu.memory_space<semaphore_mem>>) src(%dma_wait3A_299 : memref<410000x128xf32, #tpu.memory_space<hbm>>) dst(%dma_wait3A_293 : memref<128x128xf32, #tpu.memory_space<vmem>>)
    %dma_wait3A_302 = arith.constant 1 : i32
    %dma_wait3A_303 = arith.constant 1 : i32
    %dma_wait3A_304 = arith.constant 1 : i32
    %dma_wait3A_305 = arith.constant 256 : i32
    %dma_wait3A_306 = arith.constant 0 : i32
    %dma_wait3A_307 = tpu.memref_slice %arg6[%dma_wait3A_303, %dma_wait3A_305, %dma_wait3A_306] : memref<2x400x128xf32, #tpu.memory_space<vmem>> -> memref<1x128x128xf32, #tpu.memory_space<vmem>>
    %dma_wait3A_308 = tpu.memref_squeeze %dma_wait3A_307 : memref<1x128x128xf32, #tpu.memory_space<vmem>> -> memref<128x128xf32, #tpu.memory_space<vmem>>
    %dma_wait3A_309 = arith.constant 256 : i32
    %dma_wait3A_310 = tpu.memref_slice %arg5[%dma_wait3A_302, %dma_wait3A_309] : memref<2x400xi32, #tpu.memory_space<vmem>> -> memref<1x128xi32, #tpu.memory_space<vmem>>
    %dma_wait3A_311 = tpu.memref_squeeze %dma_wait3A_310 : memref<1x128xi32, #tpu.memory_space<vmem>> -> memref<128xi32, #tpu.memory_space<vmem>>
    %dma_wait3A_312 = arith.constant 0 : i32
    %dma_wait3A_313 = arith.constant 0 : i32
    %dma_wait3A_314 = tpu.memref_slice %arg2[%dma_wait3A_312, %dma_wait3A_313] : memref<410000x128xf32, #tpu.memory_space<hbm>> -> memref<410000x128xf32, #tpu.memory_space<hbm>>
    %dma_wait3A_315 = tpu.memref_slice %arg7[%dma_wait3A_304] : memref<2x!tpu.dma_semaphore, #tpu.memory_space<semaphore_mem>> -> memref<1x!tpu.dma_semaphore, #tpu.memory_space<semaphore_mem>>
    %dma_wait3A_316 = tpu.memref_squeeze %dma_wait3A_315 : memref<1x!tpu.dma_semaphore, #tpu.memory_space<semaphore_mem>> -> memref<!tpu.dma_semaphore, #tpu.memory_space<semaphore_mem>>
    tpu.wait_indirect_dma semaphore(%dma_wait3A_316 : memref<!tpu.dma_semaphore, #tpu.memory_space<semaphore_mem>>) src(%dma_wait3A_314 : memref<410000x128xf32, #tpu.memory_space<hbm>>) dst(%dma_wait3A_308 : memref<128x128xf32, #tpu.memory_space<vmem>>)
    %dma_wait3A_317 = arith.constant 1 : i32
    %dma_wait3A_318 = arith.constant 1 : i32
    %dma_wait3A_319 = arith.constant 1 : i32
    %dma_wait3A_320 = arith.constant 384 : i32
    %dma_wait3A_321 = arith.constant 0 : i32
    %dma_wait3A_322 = tpu.memref_slice %arg6[%dma_wait3A_318, %dma_wait3A_320, %dma_wait3A_321] : memref<2x400x128xf32, #tpu.memory_space<vmem>> -> memref<1x16x128xf32, #tpu.memory_space<vmem>>
    %dma_wait3A_323 = tpu.memref_squeeze %dma_wait3A_322 : memref<1x16x128xf32, #tpu.memory_space<vmem>> -> memref<16x128xf32, #tpu.memory_space<vmem>>
    %dma_wait3A_324 = arith.constant 384 : i32
    %dma_wait3A_325 = tpu.memref_slice %arg5[%dma_wait3A_317, %dma_wait3A_324] : memref<2x400xi32, #tpu.memory_space<vmem>> -> memref<1x16xi32, #tpu.memory_space<vmem>>
    %dma_wait3A_326 = tpu.memref_squeeze %dma_wait3A_325 : memref<1x16xi32, #tpu.memory_space<vmem>> -> memref<16xi32, #tpu.memory_space<vmem>>
    %dma_wait3A_327 = arith.constant 0 : i32
    %dma_wait3A_328 = arith.constant 0 : i32
    %dma_wait3A_329 = tpu.memref_slice %arg2[%dma_wait3A_327, %dma_wait3A_328] : memref<410000x128xf32, #tpu.memory_space<hbm>> -> memref<410000x128xf32, #tpu.memory_space<hbm>>
    %dma_wait3A_330 = tpu.memref_slice %arg7[%dma_wait3A_319] : memref<2x!tpu.dma_semaphore, #tpu.memory_space<semaphore_mem>> -> memref<1x!tpu.dma_semaphore, #tpu.memory_space<semaphore_mem>>
    %dma_wait3A_331 = tpu.memref_squeeze %dma_wait3A_330 : memref<1x!tpu.dma_semaphore, #tpu.memory_space<semaphore_mem>> -> memref<!tpu.dma_semaphore, #tpu.memory_space<semaphore_mem>>
    tpu.wait_indirect_dma semaphore(%dma_wait3A_331 : memref<!tpu.dma_semaphore, #tpu.memory_space<semaphore_mem>>) src(%dma_wait3A_329 : memref<410000x128xf32, #tpu.memory_space<hbm>>) dst(%dma_wait3A_323 : memref<16x128xf32, #tpu.memory_space<vmem>>)
    %mul3A_332 = arith.constant 4 : i32
    %mul3A_333 = arith.muli %add3A, %mul3A_332 : i32
    %add3A_334 = arith.constant 0 : i32
    %add3A_335 = arith.addi %mul3A_333, %add3A_334 : i32
    %mul3A_336 = arith.constant 8 : i32
    %mul3A_337 = arith.muli %add3A_335, %mul3A_336 : i32
    %lt3A_338 = arith.constant 1000 : i32
    %lt3A_339 = arith.cmpi slt, %mul3A_337, %lt3A_338 : i32
    %convert_element_type3A_340 = arith.extui %lt3A_339 : i1 to i32
    %cond3A_341 = arith.constant 0 : i32
    %cond3A_342 = arith.cmpi ne, %convert_element_type3A_340, %cond3A_341 : i32
    scf.if %cond3A_342 {
      %mul3A_1171 = arith.constant 4 : i32
      %mul3A_1172 = arith.muli %add3A, %mul3A_1171 : i32
      %add3A_1173 = arith.constant 0 : i32
      %add3A_1174 = arith.addi %mul3A_1172, %add3A_1173 : i32
      %mul3A_1175 = arith.constant 16 : i32
      %mul3A_1176 = arith.muli %add3A_1174, %mul3A_1175 : i32
      %add3A_1177 = arith.constant 50000 : i32
      %add3A_1178 = arith.addi %add3A_1177, %mul3A_1176 : i32
      %scan3A = arith.constant 0 : i32
      %scan3A_1179 = arith.constant 0 : i32
      %scan3A_1180 = arith.constant 48 : i32
      %scan3A_1181 = arith.addi %scan3A_1179, %scan3A_1180 : i32
      %scan3A_1182 = arith.constant 1 : i32
      scf.for %scan3A_1184 = %scan3A_1179 to %scan3A_1181 step %scan3A_1182  : i32 {
        %shift_right_arithmetic3A = arith.constant 1 : i32
        %shift_right_arithmetic3A_1185 = arith.shrsi %scan3A_1184, %shift_right_arithmetic3A : i32
        %mul3A_1186 = arith.constant 2000 : i32
        %mul3A_1187 = arith.muli %shift_right_arithmetic3A_1185, %mul3A_1186 : i32
        %add3A_1188 = arith.addi %add3A_1178, %mul3A_1187 : i32
        %and3A = arith.constant 1 : i32
        %and3A_1189 = arith.andi %scan3A_1184, %and3A : i32
        %mul3A_1190 = arith.constant 8 : i32
        %mul3A_1191 = arith.muli %and3A_1189, %mul3A_1190 : i32
        %add3A_1192 = arith.addi %add3A_1188, %mul3A_1191 : i32
        %mul3A_1193 = arith.constant 8 : i32
        %mul3A_1194 = arith.muli %scan3A_1184, %mul3A_1193 : i32
        %dma_start3A_1195 = arith.constant 1 : i32
        %dma_start3A_1196 = arith.constant 1 : i32
        %dma_start3A_1197 = arith.constant 0 : i32
        %dma_start3A_1198 = tpu.memref_slice %arg6[%dma_start3A_1195, %mul3A_1194, %dma_start3A_1197] : memref<2x400x128xf32, #tpu.memory_space<vmem>> -> memref<1x8x128xf32, #tpu.memory_space<vmem>>
        %dma_start3A_1199 = tpu.memref_squeeze %dma_start3A_1198 : memref<1x8x128xf32, #tpu.memory_space<vmem>> -> memref<8x128xf32, #tpu.memory_space<vmem>>
        %dma_start3A_1200 = arith.constant 0 : i32
        %dma_start3A_1201 = tpu.memref_slice %arg4[%add3A_1192, %dma_start3A_1200] : memref<98000x128xf32, #tpu.memory_space<hbm>> -> memref<8x128xf32, #tpu.memory_space<hbm>>
        %dma_start3A_1202 = tpu.memref_slice %arg8[%dma_start3A_1196] : memref<2x!tpu.dma_semaphore, #tpu.memory_space<semaphore_mem>> -> memref<1x!tpu.dma_semaphore, #tpu.memory_space<semaphore_mem>>
        %dma_start3A_1203 = tpu.memref_squeeze %dma_start3A_1202 : memref<1x!tpu.dma_semaphore, #tpu.memory_space<semaphore_mem>> -> memref<!tpu.dma_semaphore, #tpu.memory_space<semaphore_mem>>
        %dma_start3A_1204 = arith.constant 0 : i32
        %dma_start3A_1205 = tpu.memref_slice %arg4[%add3A_1192, %dma_start3A_1204] : memref<98000x128xf32, #tpu.memory_space<hbm>> -> memref<8x128xf32, #tpu.memory_space<hbm>>
        %dma_start3A_1206 = arith.constant 0 : i32
        %dma_start3A_1207 = tpu.memref_slice %arg6[%dma_start3A_1195, %mul3A_1194, %dma_start3A_1206] : memref<2x400x128xf32, #tpu.memory_space<vmem>> -> memref<1x8x128xf32, #tpu.memory_space<vmem>>
        %dma_start3A_1208 = tpu.memref_squeeze %dma_start3A_1207 : memref<1x8x128xf32, #tpu.memory_space<vmem>> -> memref<8x128xf32, #tpu.memory_space<vmem>>
        tpu.enqueue_dma source(%dma_start3A_1208 : memref<8x128xf32, #tpu.memory_space<vmem>>) target(%dma_start3A_1205 : memref<8x128xf32, #tpu.memory_space<hbm>>) target_semaphore(%dma_start3A_1203 : memref<!tpu.dma_semaphore, #tpu.memory_space<semaphore_mem>>)
      }
      %scan3A_1183 = arith.constant 48 : i32
    } else {
    }
    %mul3A_343 = arith.constant 4 : i32
    %mul3A_344 = arith.muli %add3A, %mul3A_343 : i32
    %add3A_345 = arith.constant 0 : i32
    %add3A_346 = arith.addi %mul3A_344, %add3A_345 : i32
    %mul3A_347 = arith.constant 8 : i32
    %mul3A_348 = arith.muli %add3A_346, %mul3A_347 : i32
    %lt3A_349 = arith.constant 1000 : i32
    %lt3A_350 = arith.cmpi slt, %mul3A_348, %lt3A_349 : i32
    %convert_element_type3A_351 = arith.extui %lt3A_350 : i1 to i32
    %cond3A_352 = arith.constant 0 : i32
    %cond3A_353 = arith.cmpi ne, %convert_element_type3A_351, %cond3A_352 : i32
    scf.if %cond3A_353 {
      %scan3A = arith.constant 0 : i32
      %scan3A_1171 = arith.constant 0 : i32
      %scan3A_1172 = arith.constant 48 : i32
      %scan3A_1173 = arith.addi %scan3A_1171, %scan3A_1172 : i32
      %scan3A_1174 = arith.constant 1 : i32
      scf.for %scan3A_1176 = %scan3A_1171 to %scan3A_1173 step %scan3A_1174  : i32 {
        %dma_wait3A_1177 = arith.constant 1 : i32
        %dma_wait3A_1178 = arith.constant 1 : i32
        %dma_wait3A_1179 = arith.constant 0 : i32
        %dma_wait3A_1180 = arith.constant 0 : i32
        %dma_wait3A_1181 = tpu.memref_slice %arg6[%dma_wait3A_1177, %dma_wait3A_1179, %dma_wait3A_1180] : memref<2x400x128xf32, #tpu.memory_space<vmem>> -> memref<1x8x128xf32, #tpu.memory_space<vmem>>
        %dma_wait3A_1182 = tpu.memref_squeeze %dma_wait3A_1181 : memref<1x8x128xf32, #tpu.memory_space<vmem>> -> memref<8x128xf32, #tpu.memory_space<vmem>>
        %dma_wait3A_1183 = arith.constant 0 : i32
        %dma_wait3A_1184 = arith.constant 0 : i32
        %dma_wait3A_1185 = tpu.memref_slice %arg4[%dma_wait3A_1183, %dma_wait3A_1184] : memref<98000x128xf32, #tpu.memory_space<hbm>> -> memref<8x128xf32, #tpu.memory_space<hbm>>
        %dma_wait3A_1186 = tpu.memref_slice %arg8[%dma_wait3A_1178] : memref<2x!tpu.dma_semaphore, #tpu.memory_space<semaphore_mem>> -> memref<1x!tpu.dma_semaphore, #tpu.memory_space<semaphore_mem>>
        %dma_wait3A_1187 = tpu.memref_squeeze %dma_wait3A_1186 : memref<1x!tpu.dma_semaphore, #tpu.memory_space<semaphore_mem>> -> memref<!tpu.dma_semaphore, #tpu.memory_space<semaphore_mem>>
        %dma_wait3A_1188 = arith.constant 0 : i32
        %dma_wait3A_1189 = arith.constant 0 : i32
        %dma_wait3A_1190 = tpu.memref_slice %arg4[%dma_wait3A_1188, %dma_wait3A_1189] : memref<98000x128xf32, #tpu.memory_space<hbm>> -> memref<8x128xf32, #tpu.memory_space<hbm>>
        %dma_wait3A_1191 = arith.constant 0 : i32
        %dma_wait3A_1192 = arith.constant 0 : i32
        %dma_wait3A_1193 = tpu.memref_slice %arg6[%dma_wait3A_1177, %dma_wait3A_1191, %dma_wait3A_1192] : memref<2x400x128xf32, #tpu.memory_space<vmem>> -> memref<1x8x128xf32, #tpu.memory_space<vmem>>
        %dma_wait3A_1194 = tpu.memref_squeeze %dma_wait3A_1193 : memref<1x8x128xf32, #tpu.memory_space<vmem>> -> memref<8x128xf32, #tpu.memory_space<vmem>>
        tpu.wait_dma2 semaphore(%dma_wait3A_1187 : memref<!tpu.dma_semaphore, #tpu.memory_space<semaphore_mem>>) src(%dma_wait3A_1194 : memref<8x128xf32, #tpu.memory_space<vmem>>) dst(%dma_wait3A_1190 : memref<8x128xf32, #tpu.memory_space<hbm>>)
      }
      %scan3A_1175 = arith.constant 48 : i32
    } else {
    }
    %mul3A_354 = arith.constant 8 : i32
    %mul3A_355 = arith.muli %add3A, %mul3A_354 : i32
    %add3A_356 = arith.constant 3 : i32
    %add3A_357 = arith.addi %mul3A_355, %add3A_356 : i32
    %run_scoped3A_358 = arith.constant 1 : i32
    "tpu.region"() ({
      %run_scoped3A_1171 = tpu.sem_alloc : memref<!tpu.dma_semaphore, #tpu.memory_space<semaphore_mem>>
      %dma_start3A_1172 = arith.constant 0 : i32
      %dma_start3A_1173 = tpu.memref_slice %arg5[%run_scoped3A_358, %dma_start3A_1172] : memref<2x400xi32, #tpu.memory_space<vmem>> -> memref<1x400xi32, #tpu.memory_space<vmem>>
      %dma_start3A_1174 = tpu.memref_squeeze %dma_start3A_1173 : memref<1x400xi32, #tpu.memory_space<vmem>> -> memref<400xi32, #tpu.memory_space<vmem>>
      %dma_start3A_1175 = arith.constant 0 : i32
      %dma_start3A_1176 = tpu.memref_slice %arg3[%add3A_357, %dma_start3A_1175] : memref<256x400xi32, #tpu.memory_space<hbm>> -> memref<1x400xi32, #tpu.memory_space<hbm>>
      %dma_start3A_1177 = tpu.memref_squeeze %dma_start3A_1176 : memref<1x400xi32, #tpu.memory_space<hbm>> -> memref<400xi32, #tpu.memory_space<hbm>>
      %dma_start3A_1178 = arith.constant 0 : i32
      %dma_start3A_1179 = tpu.memref_slice %arg5[%run_scoped3A_358, %dma_start3A_1178] : memref<2x400xi32, #tpu.memory_space<vmem>> -> memref<1x400xi32, #tpu.memory_space<vmem>>
      %dma_start3A_1180 = tpu.memref_squeeze %dma_start3A_1179 : memref<1x400xi32, #tpu.memory_space<vmem>> -> memref<400xi32, #tpu.memory_space<vmem>>
      %dma_start3A_1181 = arith.constant 0 : i32
      %dma_start3A_1182 = tpu.memref_slice %arg3[%add3A_357, %dma_start3A_1181] : memref<256x400xi32, #tpu.memory_space<hbm>> -> memref<1x400xi32, #tpu.memory_space<hbm>>
      %dma_start3A_1183 = tpu.memref_squeeze %dma_start3A_1182 : memref<1x400xi32, #tpu.memory_space<hbm>> -> memref<400xi32, #tpu.memory_space<hbm>>
      tpu.enqueue_dma source(%dma_start3A_1183 : memref<400xi32, #tpu.memory_space<hbm>>) target(%dma_start3A_1180 : memref<400xi32, #tpu.memory_space<vmem>>) target_semaphore(%run_scoped3A_1171 : memref<!tpu.dma_semaphore, #tpu.memory_space<semaphore_mem>>)
      %dma_wait3A_1184 = arith.constant 0 : i32
      %dma_wait3A_1185 = tpu.memref_slice %arg5[%run_scoped3A_358, %dma_wait3A_1184] : memref<2x400xi32, #tpu.memory_space<vmem>> -> memref<1x400xi32, #tpu.memory_space<vmem>>
      %dma_wait3A_1186 = tpu.memref_squeeze %dma_wait3A_1185 : memref<1x400xi32, #tpu.memory_space<vmem>> -> memref<400xi32, #tpu.memory_space<vmem>>
      %dma_wait3A_1187 = arith.constant 0 : i32
      %dma_wait3A_1188 = tpu.memref_slice %arg3[%add3A_357, %dma_wait3A_1187] : memref<256x400xi32, #tpu.memory_space<hbm>> -> memref<1x400xi32, #tpu.memory_space<hbm>>
      %dma_wait3A_1189 = tpu.memref_squeeze %dma_wait3A_1188 : memref<1x400xi32, #tpu.memory_space<hbm>> -> memref<400xi32, #tpu.memory_space<hbm>>
      %dma_wait3A_1190 = arith.constant 0 : i32
      %dma_wait3A_1191 = tpu.memref_slice %arg5[%run_scoped3A_358, %dma_wait3A_1190] : memref<2x400xi32, #tpu.memory_space<vmem>> -> memref<1x400xi32, #tpu.memory_space<vmem>>
      %dma_wait3A_1192 = tpu.memref_squeeze %dma_wait3A_1191 : memref<1x400xi32, #tpu.memory_space<vmem>> -> memref<400xi32, #tpu.memory_space<vmem>>
      %dma_wait3A_1193 = arith.constant 0 : i32
      %dma_wait3A_1194 = tpu.memref_slice %arg3[%add3A_357, %dma_wait3A_1193] : memref<256x400xi32, #tpu.memory_space<hbm>> -> memref<1x400xi32, #tpu.memory_space<hbm>>
      %dma_wait3A_1195 = tpu.memref_squeeze %dma_wait3A_1194 : memref<1x400xi32, #tpu.memory_space<hbm>> -> memref<400xi32, #tpu.memory_space<hbm>>
      tpu.wait_dma2 semaphore(%run_scoped3A_1171 : memref<!tpu.dma_semaphore, #tpu.memory_space<semaphore_mem>>) src(%dma_wait3A_1195 : memref<400xi32, #tpu.memory_space<hbm>>) dst(%dma_wait3A_1192 : memref<400xi32, #tpu.memory_space<vmem>>)
      tpu.yield
    }) : () -> ()
    %dma_start3A_359 = arith.constant 1 : i32
    %dma_start3A_360 = arith.constant 1 : i32
    %dma_start3A_361 = arith.constant 1 : i32
    %dma_start3A_362 = arith.constant 0 : i32
    %dma_start3A_363 = arith.constant 0 : i32
    %dma_start3A_364 = tpu.memref_slice %arg6[%dma_start3A_360, %dma_start3A_362, %dma_start3A_363] : memref<2x400x128xf32, #tpu.memory_space<vmem>> -> memref<1x128x128xf32, #tpu.memory_space<vmem>>
    %dma_start3A_365 = tpu.memref_squeeze %dma_start3A_364 : memref<1x128x128xf32, #tpu.memory_space<vmem>> -> memref<128x128xf32, #tpu.memory_space<vmem>>
    %dma_start3A_366 = arith.constant 0 : i32
    %dma_start3A_367 = tpu.memref_slice %arg5[%dma_start3A_359, %dma_start3A_366] : memref<2x400xi32, #tpu.memory_space<vmem>> -> memref<1x128xi32, #tpu.memory_space<vmem>>
    %dma_start3A_368 = tpu.memref_squeeze %dma_start3A_367 : memref<1x128xi32, #tpu.memory_space<vmem>> -> memref<128xi32, #tpu.memory_space<vmem>>
    %dma_start3A_369 = arith.constant 0 : i32
    %dma_start3A_370 = arith.constant 0 : i32
    %dma_start3A_371 = tpu.memref_slice %arg2[%dma_start3A_369, %dma_start3A_370] : memref<410000x128xf32, #tpu.memory_space<hbm>> -> memref<410000x128xf32, #tpu.memory_space<hbm>>
    %dma_start3A_372 = tpu.memref_slice %arg7[%dma_start3A_361] : memref<2x!tpu.dma_semaphore, #tpu.memory_space<semaphore_mem>> -> memref<1x!tpu.dma_semaphore, #tpu.memory_space<semaphore_mem>>
    %dma_start3A_373 = tpu.memref_squeeze %dma_start3A_372 : memref<1x!tpu.dma_semaphore, #tpu.memory_space<semaphore_mem>> -> memref<!tpu.dma_semaphore, #tpu.memory_space<semaphore_mem>>
    tpu.enqueue_indirect_dma source(%dma_start3A_371 : memref<410000x128xf32, #tpu.memory_space<hbm>>) target(%dma_start3A_365 : memref<128x128xf32, #tpu.memory_space<vmem>>) offsets(%dma_start3A_368 : memref<128xi32, #tpu.memory_space<vmem>>) semaphore(%dma_start3A_373 : memref<!tpu.dma_semaphore, #tpu.memory_space<semaphore_mem>>)
    %dma_start3A_374 = arith.constant 1 : i32
    %dma_start3A_375 = arith.constant 1 : i32
    %dma_start3A_376 = arith.constant 1 : i32
    %dma_start3A_377 = arith.constant 128 : i32
    %dma_start3A_378 = arith.constant 0 : i32
    %dma_start3A_379 = tpu.memref_slice %arg6[%dma_start3A_375, %dma_start3A_377, %dma_start3A_378] : memref<2x400x128xf32, #tpu.memory_space<vmem>> -> memref<1x128x128xf32, #tpu.memory_space<vmem>>
    %dma_start3A_380 = tpu.memref_squeeze %dma_start3A_379 : memref<1x128x128xf32, #tpu.memory_space<vmem>> -> memref<128x128xf32, #tpu.memory_space<vmem>>
    %dma_start3A_381 = arith.constant 128 : i32
    %dma_start3A_382 = tpu.memref_slice %arg5[%dma_start3A_374, %dma_start3A_381] : memref<2x400xi32, #tpu.memory_space<vmem>> -> memref<1x128xi32, #tpu.memory_space<vmem>>
    %dma_start3A_383 = tpu.memref_squeeze %dma_start3A_382 : memref<1x128xi32, #tpu.memory_space<vmem>> -> memref<128xi32, #tpu.memory_space<vmem>>
    %dma_start3A_384 = arith.constant 0 : i32
    %dma_start3A_385 = arith.constant 0 : i32
    %dma_start3A_386 = tpu.memref_slice %arg2[%dma_start3A_384, %dma_start3A_385] : memref<410000x128xf32, #tpu.memory_space<hbm>> -> memref<410000x128xf32, #tpu.memory_space<hbm>>
    %dma_start3A_387 = tpu.memref_slice %arg7[%dma_start3A_376] : memref<2x!tpu.dma_semaphore, #tpu.memory_space<semaphore_mem>> -> memref<1x!tpu.dma_semaphore, #tpu.memory_space<semaphore_mem>>
    %dma_start3A_388 = tpu.memref_squeeze %dma_start3A_387 : memref<1x!tpu.dma_semaphore, #tpu.memory_space<semaphore_mem>> -> memref<!tpu.dma_semaphore, #tpu.memory_space<semaphore_mem>>
    tpu.enqueue_indirect_dma source(%dma_start3A_386 : memref<410000x128xf32, #tpu.memory_space<hbm>>) target(%dma_start3A_380 : memref<128x128xf32, #tpu.memory_space<vmem>>) offsets(%dma_start3A_383 : memref<128xi32, #tpu.memory_space<vmem>>) semaphore(%dma_start3A_388 : memref<!tpu.dma_semaphore, #tpu.memory_space<semaphore_mem>>)
    %dma_start3A_389 = arith.constant 1 : i32
    %dma_start3A_390 = arith.constant 1 : i32
    %dma_start3A_391 = arith.constant 1 : i32
    %dma_start3A_392 = arith.constant 256 : i32
    %dma_start3A_393 = arith.constant 0 : i32
    %dma_start3A_394 = tpu.memref_slice %arg6[%dma_start3A_390, %dma_start3A_392, %dma_start3A_393] : memref<2x400x128xf32, #tpu.memory_space<vmem>> -> memref<1x128x128xf32, #tpu.memory_space<vmem>>
    %dma_start3A_395 = tpu.memref_squeeze %dma_start3A_394 : memref<1x128x128xf32, #tpu.memory_space<vmem>> -> memref<128x128xf32, #tpu.memory_space<vmem>>
    %dma_start3A_396 = arith.constant 256 : i32
    %dma_start3A_397 = tpu.memref_slice %arg5[%dma_start3A_389, %dma_start3A_396] : memref<2x400xi32, #tpu.memory_space<vmem>> -> memref<1x128xi32, #tpu.memory_space<vmem>>
    %dma_start3A_398 = tpu.memref_squeeze %dma_start3A_397 : memref<1x128xi32, #tpu.memory_space<vmem>> -> memref<128xi32, #tpu.memory_space<vmem>>
    %dma_start3A_399 = arith.constant 0 : i32
    %dma_start3A_400 = arith.constant 0 : i32
    %dma_start3A_401 = tpu.memref_slice %arg2[%dma_start3A_399, %dma_start3A_400] : memref<410000x128xf32, #tpu.memory_space<hbm>> -> memref<410000x128xf32, #tpu.memory_space<hbm>>
    %dma_start3A_402 = tpu.memref_slice %arg7[%dma_start3A_391] : memref<2x!tpu.dma_semaphore, #tpu.memory_space<semaphore_mem>> -> memref<1x!tpu.dma_semaphore, #tpu.memory_space<semaphore_mem>>
    %dma_start3A_403 = tpu.memref_squeeze %dma_start3A_402 : memref<1x!tpu.dma_semaphore, #tpu.memory_space<semaphore_mem>> -> memref<!tpu.dma_semaphore, #tpu.memory_space<semaphore_mem>>
    tpu.enqueue_indirect_dma source(%dma_start3A_401 : memref<410000x128xf32, #tpu.memory_space<hbm>>) target(%dma_start3A_395 : memref<128x128xf32, #tpu.memory_space<vmem>>) offsets(%dma_start3A_398 : memref<128xi32, #tpu.memory_space<vmem>>) semaphore(%dma_start3A_403 : memref<!tpu.dma_semaphore, #tpu.memory_space<semaphore_mem>>)
    %dma_start3A_404 = arith.constant 1 : i32
    %dma_start3A_405 = arith.constant 1 : i32
    %dma_start3A_406 = arith.constant 1 : i32
    %dma_start3A_407 = arith.constant 384 : i32
    %dma_start3A_408 = arith.constant 0 : i32
    %dma_start3A_409 = tpu.memref_slice %arg6[%dma_start3A_405, %dma_start3A_407, %dma_start3A_408] : memref<2x400x128xf32, #tpu.memory_space<vmem>> -> memref<1x16x128xf32, #tpu.memory_space<vmem>>
    %dma_start3A_410 = tpu.memref_squeeze %dma_start3A_409 : memref<1x16x128xf32, #tpu.memory_space<vmem>> -> memref<16x128xf32, #tpu.memory_space<vmem>>
    %dma_start3A_411 = arith.constant 384 : i32
    %dma_start3A_412 = tpu.memref_slice %arg5[%dma_start3A_404, %dma_start3A_411] : memref<2x400xi32, #tpu.memory_space<vmem>> -> memref<1x16xi32, #tpu.memory_space<vmem>>
    %dma_start3A_413 = tpu.memref_squeeze %dma_start3A_412 : memref<1x16xi32, #tpu.memory_space<vmem>> -> memref<16xi32, #tpu.memory_space<vmem>>
    %dma_start3A_414 = arith.constant 0 : i32
    %dma_start3A_415 = arith.constant 0 : i32
    %dma_start3A_416 = tpu.memref_slice %arg2[%dma_start3A_414, %dma_start3A_415] : memref<410000x128xf32, #tpu.memory_space<hbm>> -> memref<410000x128xf32, #tpu.memory_space<hbm>>
    %dma_start3A_417 = tpu.memref_slice %arg7[%dma_start3A_406] : memref<2x!tpu.dma_semaphore, #tpu.memory_space<semaphore_mem>> -> memref<1x!tpu.dma_semaphore, #tpu.memory_space<semaphore_mem>>
    %dma_start3A_418 = tpu.memref_squeeze %dma_start3A_417 : memref<1x!tpu.dma_semaphore, #tpu.memory_space<semaphore_mem>> -> memref<!tpu.dma_semaphore, #tpu.memory_space<semaphore_mem>>
    tpu.enqueue_indirect_dma source(%dma_start3A_416 : memref<410000x128xf32, #tpu.memory_space<hbm>>) target(%dma_start3A_410 : memref<16x128xf32, #tpu.memory_space<vmem>>) offsets(%dma_start3A_413 : memref<16xi32, #tpu.memory_space<vmem>>) semaphore(%dma_start3A_418 : memref<!tpu.dma_semaphore, #tpu.memory_space<semaphore_mem>>)
    %dma_wait3A_419 = arith.constant 0 : i32
    %dma_wait3A_420 = arith.constant 0 : i32
    %dma_wait3A_421 = arith.constant 0 : i32
    %dma_wait3A_422 = arith.constant 0 : i32
    %dma_wait3A_423 = arith.constant 0 : i32
    %dma_wait3A_424 = tpu.memref_slice %arg6[%dma_wait3A_420, %dma_wait3A_422, %dma_wait3A_423] : memref<2x400x128xf32, #tpu.memory_space<vmem>> -> memref<1x128x128xf32, #tpu.memory_space<vmem>>
    %dma_wait3A_425 = tpu.memref_squeeze %dma_wait3A_424 : memref<1x128x128xf32, #tpu.memory_space<vmem>> -> memref<128x128xf32, #tpu.memory_space<vmem>>
    %dma_wait3A_426 = arith.constant 0 : i32
    %dma_wait3A_427 = tpu.memref_slice %arg5[%dma_wait3A_419, %dma_wait3A_426] : memref<2x400xi32, #tpu.memory_space<vmem>> -> memref<1x128xi32, #tpu.memory_space<vmem>>
    %dma_wait3A_428 = tpu.memref_squeeze %dma_wait3A_427 : memref<1x128xi32, #tpu.memory_space<vmem>> -> memref<128xi32, #tpu.memory_space<vmem>>
    %dma_wait3A_429 = arith.constant 0 : i32
    %dma_wait3A_430 = arith.constant 0 : i32
    %dma_wait3A_431 = tpu.memref_slice %arg2[%dma_wait3A_429, %dma_wait3A_430] : memref<410000x128xf32, #tpu.memory_space<hbm>> -> memref<410000x128xf32, #tpu.memory_space<hbm>>
    %dma_wait3A_432 = tpu.memref_slice %arg7[%dma_wait3A_421] : memref<2x!tpu.dma_semaphore, #tpu.memory_space<semaphore_mem>> -> memref<1x!tpu.dma_semaphore, #tpu.memory_space<semaphore_mem>>
    %dma_wait3A_433 = tpu.memref_squeeze %dma_wait3A_432 : memref<1x!tpu.dma_semaphore, #tpu.memory_space<semaphore_mem>> -> memref<!tpu.dma_semaphore, #tpu.memory_space<semaphore_mem>>
    tpu.wait_indirect_dma semaphore(%dma_wait3A_433 : memref<!tpu.dma_semaphore, #tpu.memory_space<semaphore_mem>>) src(%dma_wait3A_431 : memref<410000x128xf32, #tpu.memory_space<hbm>>) dst(%dma_wait3A_425 : memref<128x128xf32, #tpu.memory_space<vmem>>)
    %dma_wait3A_434 = arith.constant 0 : i32
    %dma_wait3A_435 = arith.constant 0 : i32
    %dma_wait3A_436 = arith.constant 0 : i32
    %dma_wait3A_437 = arith.constant 128 : i32
    %dma_wait3A_438 = arith.constant 0 : i32
    %dma_wait3A_439 = tpu.memref_slice %arg6[%dma_wait3A_435, %dma_wait3A_437, %dma_wait3A_438] : memref<2x400x128xf32, #tpu.memory_space<vmem>> -> memref<1x128x128xf32, #tpu.memory_space<vmem>>
    %dma_wait3A_440 = tpu.memref_squeeze %dma_wait3A_439 : memref<1x128x128xf32, #tpu.memory_space<vmem>> -> memref<128x128xf32, #tpu.memory_space<vmem>>
    %dma_wait3A_441 = arith.constant 128 : i32
    %dma_wait3A_442 = tpu.memref_slice %arg5[%dma_wait3A_434, %dma_wait3A_441] : memref<2x400xi32, #tpu.memory_space<vmem>> -> memref<1x128xi32, #tpu.memory_space<vmem>>
    %dma_wait3A_443 = tpu.memref_squeeze %dma_wait3A_442 : memref<1x128xi32, #tpu.memory_space<vmem>> -> memref<128xi32, #tpu.memory_space<vmem>>
    %dma_wait3A_444 = arith.constant 0 : i32
    %dma_wait3A_445 = arith.constant 0 : i32
    %dma_wait3A_446 = tpu.memref_slice %arg2[%dma_wait3A_444, %dma_wait3A_445] : memref<410000x128xf32, #tpu.memory_space<hbm>> -> memref<410000x128xf32, #tpu.memory_space<hbm>>
    %dma_wait3A_447 = tpu.memref_slice %arg7[%dma_wait3A_436] : memref<2x!tpu.dma_semaphore, #tpu.memory_space<semaphore_mem>> -> memref<1x!tpu.dma_semaphore, #tpu.memory_space<semaphore_mem>>
    %dma_wait3A_448 = tpu.memref_squeeze %dma_wait3A_447 : memref<1x!tpu.dma_semaphore, #tpu.memory_space<semaphore_mem>> -> memref<!tpu.dma_semaphore, #tpu.memory_space<semaphore_mem>>
    tpu.wait_indirect_dma semaphore(%dma_wait3A_448 : memref<!tpu.dma_semaphore, #tpu.memory_space<semaphore_mem>>) src(%dma_wait3A_446 : memref<410000x128xf32, #tpu.memory_space<hbm>>) dst(%dma_wait3A_440 : memref<128x128xf32, #tpu.memory_space<vmem>>)
    %dma_wait3A_449 = arith.constant 0 : i32
    %dma_wait3A_450 = arith.constant 0 : i32
    %dma_wait3A_451 = arith.constant 0 : i32
    %dma_wait3A_452 = arith.constant 256 : i32
    %dma_wait3A_453 = arith.constant 0 : i32
    %dma_wait3A_454 = tpu.memref_slice %arg6[%dma_wait3A_450, %dma_wait3A_452, %dma_wait3A_453] : memref<2x400x128xf32, #tpu.memory_space<vmem>> -> memref<1x128x128xf32, #tpu.memory_space<vmem>>
    %dma_wait3A_455 = tpu.memref_squeeze %dma_wait3A_454 : memref<1x128x128xf32, #tpu.memory_space<vmem>> -> memref<128x128xf32, #tpu.memory_space<vmem>>
    %dma_wait3A_456 = arith.constant 256 : i32
    %dma_wait3A_457 = tpu.memref_slice %arg5[%dma_wait3A_449, %dma_wait3A_456] : memref<2x400xi32, #tpu.memory_space<vmem>> -> memref<1x128xi32, #tpu.memory_space<vmem>>
    %dma_wait3A_458 = tpu.memref_squeeze %dma_wait3A_457 : memref<1x128xi32, #tpu.memory_space<vmem>> -> memref<128xi32, #tpu.memory_space<vmem>>
    %dma_wait3A_459 = arith.constant 0 : i32
    %dma_wait3A_460 = arith.constant 0 : i32
    %dma_wait3A_461 = tpu.memref_slice %arg2[%dma_wait3A_459, %dma_wait3A_460] : memref<410000x128xf32, #tpu.memory_space<hbm>> -> memref<410000x128xf32, #tpu.memory_space<hbm>>
    %dma_wait3A_462 = tpu.memref_slice %arg7[%dma_wait3A_451] : memref<2x!tpu.dma_semaphore, #tpu.memory_space<semaphore_mem>> -> memref<1x!tpu.dma_semaphore, #tpu.memory_space<semaphore_mem>>
    %dma_wait3A_463 = tpu.memref_squeeze %dma_wait3A_462 : memref<1x!tpu.dma_semaphore, #tpu.memory_space<semaphore_mem>> -> memref<!tpu.dma_semaphore, #tpu.memory_space<semaphore_mem>>
    tpu.wait_indirect_dma semaphore(%dma_wait3A_463 : memref<!tpu.dma_semaphore, #tpu.memory_space<semaphore_mem>>) src(%dma_wait3A_461 : memref<410000x128xf32, #tpu.memory_space<hbm>>) dst(%dma_wait3A_455 : memref<128x128xf32, #tpu.memory_space<vmem>>)
    %dma_wait3A_464 = arith.constant 0 : i32
    %dma_wait3A_465 = arith.constant 0 : i32
    %dma_wait3A_466 = arith.constant 0 : i32
    %dma_wait3A_467 = arith.constant 384 : i32
    %dma_wait3A_468 = arith.constant 0 : i32
    %dma_wait3A_469 = tpu.memref_slice %arg6[%dma_wait3A_465, %dma_wait3A_467, %dma_wait3A_468] : memref<2x400x128xf32, #tpu.memory_space<vmem>> -> memref<1x16x128xf32, #tpu.memory_space<vmem>>
    %dma_wait3A_470 = tpu.memref_squeeze %dma_wait3A_469 : memref<1x16x128xf32, #tpu.memory_space<vmem>> -> memref<16x128xf32, #tpu.memory_space<vmem>>
    %dma_wait3A_471 = arith.constant 384 : i32
    %dma_wait3A_472 = tpu.memref_slice %arg5[%dma_wait3A_464, %dma_wait3A_471] : memref<2x400xi32, #tpu.memory_space<vmem>> -> memref<1x16xi32, #tpu.memory_space<vmem>>
    %dma_wait3A_473 = tpu.memref_squeeze %dma_wait3A_472 : memref<1x16xi32, #tpu.memory_space<vmem>> -> memref<16xi32, #tpu.memory_space<vmem>>
    %dma_wait3A_474 = arith.constant 0 : i32
    %dma_wait3A_475 = arith.constant 0 : i32
    %dma_wait3A_476 = tpu.memref_slice %arg2[%dma_wait3A_474, %dma_wait3A_475] : memref<410000x128xf32, #tpu.memory_space<hbm>> -> memref<410000x128xf32, #tpu.memory_space<hbm>>
    %dma_wait3A_477 = tpu.memref_slice %arg7[%dma_wait3A_466] : memref<2x!tpu.dma_semaphore, #tpu.memory_space<semaphore_mem>> -> memref<1x!tpu.dma_semaphore, #tpu.memory_space<semaphore_mem>>
    %dma_wait3A_478 = tpu.memref_squeeze %dma_wait3A_477 : memref<1x!tpu.dma_semaphore, #tpu.memory_space<semaphore_mem>> -> memref<!tpu.dma_semaphore, #tpu.memory_space<semaphore_mem>>
    tpu.wait_indirect_dma semaphore(%dma_wait3A_478 : memref<!tpu.dma_semaphore, #tpu.memory_space<semaphore_mem>>) src(%dma_wait3A_476 : memref<410000x128xf32, #tpu.memory_space<hbm>>) dst(%dma_wait3A_470 : memref<16x128xf32, #tpu.memory_space<vmem>>)
    %mul3A_479 = arith.constant 4 : i32
    %mul3A_480 = arith.muli %add3A, %mul3A_479 : i32
    %add3A_481 = arith.constant 1 : i32
    %add3A_482 = arith.addi %mul3A_480, %add3A_481 : i32
    %mul3A_483 = arith.constant 8 : i32
    %mul3A_484 = arith.muli %add3A_482, %mul3A_483 : i32
    %lt3A_485 = arith.constant 1000 : i32
    %lt3A_486 = arith.cmpi slt, %mul3A_484, %lt3A_485 : i32
    %convert_element_type3A_487 = arith.extui %lt3A_486 : i1 to i32
    %cond3A_488 = arith.constant 0 : i32
    %cond3A_489 = arith.cmpi ne, %convert_element_type3A_487, %cond3A_488 : i32
    scf.if %cond3A_489 {
      %mul3A_1171 = arith.constant 4 : i32
      %mul3A_1172 = arith.muli %add3A, %mul3A_1171 : i32
      %add3A_1173 = arith.constant 1 : i32
      %add3A_1174 = arith.addi %mul3A_1172, %add3A_1173 : i32
      %mul3A_1175 = arith.constant 16 : i32
      %mul3A_1176 = arith.muli %add3A_1174, %mul3A_1175 : i32
      %add3A_1177 = arith.constant 0 : i32
      %add3A_1178 = arith.addi %add3A_1177, %mul3A_1176 : i32
      %scan3A = arith.constant 0 : i32
      %scan3A_1179 = arith.constant 0 : i32
      %scan3A_1180 = arith.constant 50 : i32
      %scan3A_1181 = arith.addi %scan3A_1179, %scan3A_1180 : i32
      %scan3A_1182 = arith.constant 1 : i32
      scf.for %scan3A_1184 = %scan3A_1179 to %scan3A_1181 step %scan3A_1182  : i32 {
        %shift_right_arithmetic3A = arith.constant 1 : i32
        %shift_right_arithmetic3A_1185 = arith.shrsi %scan3A_1184, %shift_right_arithmetic3A : i32
        %mul3A_1186 = arith.constant 2000 : i32
        %mul3A_1187 = arith.muli %shift_right_arithmetic3A_1185, %mul3A_1186 : i32
        %add3A_1188 = arith.addi %add3A_1178, %mul3A_1187 : i32
        %and3A = arith.constant 1 : i32
        %and3A_1189 = arith.andi %scan3A_1184, %and3A : i32
        %mul3A_1190 = arith.constant 8 : i32
        %mul3A_1191 = arith.muli %and3A_1189, %mul3A_1190 : i32
        %add3A_1192 = arith.addi %add3A_1188, %mul3A_1191 : i32
        %mul3A_1193 = arith.constant 8 : i32
        %mul3A_1194 = arith.muli %scan3A_1184, %mul3A_1193 : i32
        %dma_start3A_1195 = arith.constant 0 : i32
        %dma_start3A_1196 = arith.constant 0 : i32
        %dma_start3A_1197 = arith.constant 0 : i32
        %dma_start3A_1198 = tpu.memref_slice %arg6[%dma_start3A_1195, %mul3A_1194, %dma_start3A_1197] : memref<2x400x128xf32, #tpu.memory_space<vmem>> -> memref<1x8x128xf32, #tpu.memory_space<vmem>>
        %dma_start3A_1199 = tpu.memref_squeeze %dma_start3A_1198 : memref<1x8x128xf32, #tpu.memory_space<vmem>> -> memref<8x128xf32, #tpu.memory_space<vmem>>
        %dma_start3A_1200 = arith.constant 0 : i32
        %dma_start3A_1201 = tpu.memref_slice %arg4[%add3A_1192, %dma_start3A_1200] : memref<98000x128xf32, #tpu.memory_space<hbm>> -> memref<8x128xf32, #tpu.memory_space<hbm>>
        %dma_start3A_1202 = tpu.memref_slice %arg8[%dma_start3A_1196] : memref<2x!tpu.dma_semaphore, #tpu.memory_space<semaphore_mem>> -> memref<1x!tpu.dma_semaphore, #tpu.memory_space<semaphore_mem>>
        %dma_start3A_1203 = tpu.memref_squeeze %dma_start3A_1202 : memref<1x!tpu.dma_semaphore, #tpu.memory_space<semaphore_mem>> -> memref<!tpu.dma_semaphore, #tpu.memory_space<semaphore_mem>>
        %dma_start3A_1204 = arith.constant 0 : i32
        %dma_start3A_1205 = tpu.memref_slice %arg4[%add3A_1192, %dma_start3A_1204] : memref<98000x128xf32, #tpu.memory_space<hbm>> -> memref<8x128xf32, #tpu.memory_space<hbm>>
        %dma_start3A_1206 = arith.constant 0 : i32
        %dma_start3A_1207 = tpu.memref_slice %arg6[%dma_start3A_1195, %mul3A_1194, %dma_start3A_1206] : memref<2x400x128xf32, #tpu.memory_space<vmem>> -> memref<1x8x128xf32, #tpu.memory_space<vmem>>
        %dma_start3A_1208 = tpu.memref_squeeze %dma_start3A_1207 : memref<1x8x128xf32, #tpu.memory_space<vmem>> -> memref<8x128xf32, #tpu.memory_space<vmem>>
        tpu.enqueue_dma source(%dma_start3A_1208 : memref<8x128xf32, #tpu.memory_space<vmem>>) target(%dma_start3A_1205 : memref<8x128xf32, #tpu.memory_space<hbm>>) target_semaphore(%dma_start3A_1203 : memref<!tpu.dma_semaphore, #tpu.memory_space<semaphore_mem>>)
      }
      %scan3A_1183 = arith.constant 50 : i32
    } else {
    }
    %mul3A_490 = arith.constant 4 : i32
    %mul3A_491 = arith.muli %add3A, %mul3A_490 : i32
    %add3A_492 = arith.constant 1 : i32
    %add3A_493 = arith.addi %mul3A_491, %add3A_492 : i32
    %mul3A_494 = arith.constant 8 : i32
    %mul3A_495 = arith.muli %add3A_493, %mul3A_494 : i32
    %lt3A_496 = arith.constant 1000 : i32
    %lt3A_497 = arith.cmpi slt, %mul3A_495, %lt3A_496 : i32
    %convert_element_type3A_498 = arith.extui %lt3A_497 : i1 to i32
    %cond3A_499 = arith.constant 0 : i32
    %cond3A_500 = arith.cmpi ne, %convert_element_type3A_498, %cond3A_499 : i32
    scf.if %cond3A_500 {
      %scan3A = arith.constant 0 : i32
      %scan3A_1171 = arith.constant 0 : i32
      %scan3A_1172 = arith.constant 50 : i32
      %scan3A_1173 = arith.addi %scan3A_1171, %scan3A_1172 : i32
      %scan3A_1174 = arith.constant 1 : i32
      scf.for %scan3A_1176 = %scan3A_1171 to %scan3A_1173 step %scan3A_1174  : i32 {
        %dma_wait3A_1177 = arith.constant 0 : i32
        %dma_wait3A_1178 = arith.constant 0 : i32
        %dma_wait3A_1179 = arith.constant 0 : i32
        %dma_wait3A_1180 = arith.constant 0 : i32
        %dma_wait3A_1181 = tpu.memref_slice %arg6[%dma_wait3A_1177, %dma_wait3A_1179, %dma_wait3A_1180] : memref<2x400x128xf32, #tpu.memory_space<vmem>> -> memref<1x8x128xf32, #tpu.memory_space<vmem>>
        %dma_wait3A_1182 = tpu.memref_squeeze %dma_wait3A_1181 : memref<1x8x128xf32, #tpu.memory_space<vmem>> -> memref<8x128xf32, #tpu.memory_space<vmem>>
        %dma_wait3A_1183 = arith.constant 0 : i32
        %dma_wait3A_1184 = arith.constant 0 : i32
        %dma_wait3A_1185 = tpu.memref_slice %arg4[%dma_wait3A_1183, %dma_wait3A_1184] : memref<98000x128xf32, #tpu.memory_space<hbm>> -> memref<8x128xf32, #tpu.memory_space<hbm>>
        %dma_wait3A_1186 = tpu.memref_slice %arg8[%dma_wait3A_1178] : memref<2x!tpu.dma_semaphore, #tpu.memory_space<semaphore_mem>> -> memref<1x!tpu.dma_semaphore, #tpu.memory_space<semaphore_mem>>
        %dma_wait3A_1187 = tpu.memref_squeeze %dma_wait3A_1186 : memref<1x!tpu.dma_semaphore, #tpu.memory_space<semaphore_mem>> -> memref<!tpu.dma_semaphore, #tpu.memory_space<semaphore_mem>>
        %dma_wait3A_1188 = arith.constant 0 : i32
        %dma_wait3A_1189 = arith.constant 0 : i32
        %dma_wait3A_1190 = tpu.memref_slice %arg4[%dma_wait3A_1188, %dma_wait3A_1189] : memref<98000x128xf32, #tpu.memory_space<hbm>> -> memref<8x128xf32, #tpu.memory_space<hbm>>
        %dma_wait3A_1191 = arith.constant 0 : i32
        %dma_wait3A_1192 = arith.constant 0 : i32
        %dma_wait3A_1193 = tpu.memref_slice %arg6[%dma_wait3A_1177, %dma_wait3A_1191, %dma_wait3A_1192] : memref<2x400x128xf32, #tpu.memory_space<vmem>> -> memref<1x8x128xf32, #tpu.memory_space<vmem>>
        %dma_wait3A_1194 = tpu.memref_squeeze %dma_wait3A_1193 : memref<1x8x128xf32, #tpu.memory_space<vmem>> -> memref<8x128xf32, #tpu.memory_space<vmem>>
        tpu.wait_dma2 semaphore(%dma_wait3A_1187 : memref<!tpu.dma_semaphore, #tpu.memory_space<semaphore_mem>>) src(%dma_wait3A_1194 : memref<8x128xf32, #tpu.memory_space<vmem>>) dst(%dma_wait3A_1190 : memref<8x128xf32, #tpu.memory_space<hbm>>)
      }
      %scan3A_1175 = arith.constant 50 : i32
    } else {
    }
    %mul3A_501 = arith.constant 8 : i32
    %mul3A_502 = arith.muli %add3A, %mul3A_501 : i32
    %add3A_503 = arith.constant 4 : i32
    %add3A_504 = arith.addi %mul3A_502, %add3A_503 : i32
    %run_scoped3A_505 = arith.constant 0 : i32
    "tpu.region"() ({
      %run_scoped3A_1171 = tpu.sem_alloc : memref<!tpu.dma_semaphore, #tpu.memory_space<semaphore_mem>>
      %dma_start3A_1172 = arith.constant 0 : i32
      %dma_start3A_1173 = tpu.memref_slice %arg5[%run_scoped3A_505, %dma_start3A_1172] : memref<2x400xi32, #tpu.memory_space<vmem>> -> memref<1x400xi32, #tpu.memory_space<vmem>>
      %dma_start3A_1174 = tpu.memref_squeeze %dma_start3A_1173 : memref<1x400xi32, #tpu.memory_space<vmem>> -> memref<400xi32, #tpu.memory_space<vmem>>
      %dma_start3A_1175 = arith.constant 0 : i32
      %dma_start3A_1176 = tpu.memref_slice %arg3[%add3A_504, %dma_start3A_1175] : memref<256x400xi32, #tpu.memory_space<hbm>> -> memref<1x400xi32, #tpu.memory_space<hbm>>
      %dma_start3A_1177 = tpu.memref_squeeze %dma_start3A_1176 : memref<1x400xi32, #tpu.memory_space<hbm>> -> memref<400xi32, #tpu.memory_space<hbm>>
      %dma_start3A_1178 = arith.constant 0 : i32
      %dma_start3A_1179 = tpu.memref_slice %arg5[%run_scoped3A_505, %dma_start3A_1178] : memref<2x400xi32, #tpu.memory_space<vmem>> -> memref<1x400xi32, #tpu.memory_space<vmem>>
      %dma_start3A_1180 = tpu.memref_squeeze %dma_start3A_1179 : memref<1x400xi32, #tpu.memory_space<vmem>> -> memref<400xi32, #tpu.memory_space<vmem>>
      %dma_start3A_1181 = arith.constant 0 : i32
      %dma_start3A_1182 = tpu.memref_slice %arg3[%add3A_504, %dma_start3A_1181] : memref<256x400xi32, #tpu.memory_space<hbm>> -> memref<1x400xi32, #tpu.memory_space<hbm>>
      %dma_start3A_1183 = tpu.memref_squeeze %dma_start3A_1182 : memref<1x400xi32, #tpu.memory_space<hbm>> -> memref<400xi32, #tpu.memory_space<hbm>>
      tpu.enqueue_dma source(%dma_start3A_1183 : memref<400xi32, #tpu.memory_space<hbm>>) target(%dma_start3A_1180 : memref<400xi32, #tpu.memory_space<vmem>>) target_semaphore(%run_scoped3A_1171 : memref<!tpu.dma_semaphore, #tpu.memory_space<semaphore_mem>>)
      %dma_wait3A_1184 = arith.constant 0 : i32
      %dma_wait3A_1185 = tpu.memref_slice %arg5[%run_scoped3A_505, %dma_wait3A_1184] : memref<2x400xi32, #tpu.memory_space<vmem>> -> memref<1x400xi32, #tpu.memory_space<vmem>>
      %dma_wait3A_1186 = tpu.memref_squeeze %dma_wait3A_1185 : memref<1x400xi32, #tpu.memory_space<vmem>> -> memref<400xi32, #tpu.memory_space<vmem>>
      %dma_wait3A_1187 = arith.constant 0 : i32
      %dma_wait3A_1188 = tpu.memref_slice %arg3[%add3A_504, %dma_wait3A_1187] : memref<256x400xi32, #tpu.memory_space<hbm>> -> memref<1x400xi32, #tpu.memory_space<hbm>>
      %dma_wait3A_1189 = tpu.memref_squeeze %dma_wait3A_1188 : memref<1x400xi32, #tpu.memory_space<hbm>> -> memref<400xi32, #tpu.memory_space<hbm>>
      %dma_wait3A_1190 = arith.constant 0 : i32
      %dma_wait3A_1191 = tpu.memref_slice %arg5[%run_scoped3A_505, %dma_wait3A_1190] : memref<2x400xi32, #tpu.memory_space<vmem>> -> memref<1x400xi32, #tpu.memory_space<vmem>>
      %dma_wait3A_1192 = tpu.memref_squeeze %dma_wait3A_1191 : memref<1x400xi32, #tpu.memory_space<vmem>> -> memref<400xi32, #tpu.memory_space<vmem>>
      %dma_wait3A_1193 = arith.constant 0 : i32
      %dma_wait3A_1194 = tpu.memref_slice %arg3[%add3A_504, %dma_wait3A_1193] : memref<256x400xi32, #tpu.memory_space<hbm>> -> memref<1x400xi32, #tpu.memory_space<hbm>>
      %dma_wait3A_1195 = tpu.memref_squeeze %dma_wait3A_1194 : memref<1x400xi32, #tpu.memory_space<hbm>> -> memref<400xi32, #tpu.memory_space<hbm>>
      tpu.wait_dma2 semaphore(%run_scoped3A_1171 : memref<!tpu.dma_semaphore, #tpu.memory_space<semaphore_mem>>) src(%dma_wait3A_1195 : memref<400xi32, #tpu.memory_space<hbm>>) dst(%dma_wait3A_1192 : memref<400xi32, #tpu.memory_space<vmem>>)
      tpu.yield
    }) : () -> ()
    %dma_start3A_506 = arith.constant 0 : i32
    %dma_start3A_507 = arith.constant 0 : i32
    %dma_start3A_508 = arith.constant 0 : i32
    %dma_start3A_509 = arith.constant 0 : i32
    %dma_start3A_510 = arith.constant 0 : i32
    %dma_start3A_511 = tpu.memref_slice %arg6[%dma_start3A_507, %dma_start3A_509, %dma_start3A_510] : memref<2x400x128xf32, #tpu.memory_space<vmem>> -> memref<1x128x128xf32, #tpu.memory_space<vmem>>
    %dma_start3A_512 = tpu.memref_squeeze %dma_start3A_511 : memref<1x128x128xf32, #tpu.memory_space<vmem>> -> memref<128x128xf32, #tpu.memory_space<vmem>>
    %dma_start3A_513 = arith.constant 0 : i32
    %dma_start3A_514 = tpu.memref_slice %arg5[%dma_start3A_506, %dma_start3A_513] : memref<2x400xi32, #tpu.memory_space<vmem>> -> memref<1x128xi32, #tpu.memory_space<vmem>>
    %dma_start3A_515 = tpu.memref_squeeze %dma_start3A_514 : memref<1x128xi32, #tpu.memory_space<vmem>> -> memref<128xi32, #tpu.memory_space<vmem>>
    %dma_start3A_516 = arith.constant 0 : i32
    %dma_start3A_517 = arith.constant 0 : i32
    %dma_start3A_518 = tpu.memref_slice %arg2[%dma_start3A_516, %dma_start3A_517] : memref<410000x128xf32, #tpu.memory_space<hbm>> -> memref<410000x128xf32, #tpu.memory_space<hbm>>
    %dma_start3A_519 = tpu.memref_slice %arg7[%dma_start3A_508] : memref<2x!tpu.dma_semaphore, #tpu.memory_space<semaphore_mem>> -> memref<1x!tpu.dma_semaphore, #tpu.memory_space<semaphore_mem>>
    %dma_start3A_520 = tpu.memref_squeeze %dma_start3A_519 : memref<1x!tpu.dma_semaphore, #tpu.memory_space<semaphore_mem>> -> memref<!tpu.dma_semaphore, #tpu.memory_space<semaphore_mem>>
    tpu.enqueue_indirect_dma source(%dma_start3A_518 : memref<410000x128xf32, #tpu.memory_space<hbm>>) target(%dma_start3A_512 : memref<128x128xf32, #tpu.memory_space<vmem>>) offsets(%dma_start3A_515 : memref<128xi32, #tpu.memory_space<vmem>>) semaphore(%dma_start3A_520 : memref<!tpu.dma_semaphore, #tpu.memory_space<semaphore_mem>>)
    %dma_start3A_521 = arith.constant 0 : i32
    %dma_start3A_522 = arith.constant 0 : i32
    %dma_start3A_523 = arith.constant 0 : i32
    %dma_start3A_524 = arith.constant 128 : i32
    %dma_start3A_525 = arith.constant 0 : i32
    %dma_start3A_526 = tpu.memref_slice %arg6[%dma_start3A_522, %dma_start3A_524, %dma_start3A_525] : memref<2x400x128xf32, #tpu.memory_space<vmem>> -> memref<1x128x128xf32, #tpu.memory_space<vmem>>
    %dma_start3A_527 = tpu.memref_squeeze %dma_start3A_526 : memref<1x128x128xf32, #tpu.memory_space<vmem>> -> memref<128x128xf32, #tpu.memory_space<vmem>>
    %dma_start3A_528 = arith.constant 128 : i32
    %dma_start3A_529 = tpu.memref_slice %arg5[%dma_start3A_521, %dma_start3A_528] : memref<2x400xi32, #tpu.memory_space<vmem>> -> memref<1x128xi32, #tpu.memory_space<vmem>>
    %dma_start3A_530 = tpu.memref_squeeze %dma_start3A_529 : memref<1x128xi32, #tpu.memory_space<vmem>> -> memref<128xi32, #tpu.memory_space<vmem>>
    %dma_start3A_531 = arith.constant 0 : i32
    %dma_start3A_532 = arith.constant 0 : i32
    %dma_start3A_533 = tpu.memref_slice %arg2[%dma_start3A_531, %dma_start3A_532] : memref<410000x128xf32, #tpu.memory_space<hbm>> -> memref<410000x128xf32, #tpu.memory_space<hbm>>
    %dma_start3A_534 = tpu.memref_slice %arg7[%dma_start3A_523] : memref<2x!tpu.dma_semaphore, #tpu.memory_space<semaphore_mem>> -> memref<1x!tpu.dma_semaphore, #tpu.memory_space<semaphore_mem>>
    %dma_start3A_535 = tpu.memref_squeeze %dma_start3A_534 : memref<1x!tpu.dma_semaphore, #tpu.memory_space<semaphore_mem>> -> memref<!tpu.dma_semaphore, #tpu.memory_space<semaphore_mem>>
    tpu.enqueue_indirect_dma source(%dma_start3A_533 : memref<410000x128xf32, #tpu.memory_space<hbm>>) target(%dma_start3A_527 : memref<128x128xf32, #tpu.memory_space<vmem>>) offsets(%dma_start3A_530 : memref<128xi32, #tpu.memory_space<vmem>>) semaphore(%dma_start3A_535 : memref<!tpu.dma_semaphore, #tpu.memory_space<semaphore_mem>>)
    %dma_start3A_536 = arith.constant 0 : i32
    %dma_start3A_537 = arith.constant 0 : i32
    %dma_start3A_538 = arith.constant 0 : i32
    %dma_start3A_539 = arith.constant 256 : i32
    %dma_start3A_540 = arith.constant 0 : i32
    %dma_start3A_541 = tpu.memref_slice %arg6[%dma_start3A_537, %dma_start3A_539, %dma_start3A_540] : memref<2x400x128xf32, #tpu.memory_space<vmem>> -> memref<1x128x128xf32, #tpu.memory_space<vmem>>
    %dma_start3A_542 = tpu.memref_squeeze %dma_start3A_541 : memref<1x128x128xf32, #tpu.memory_space<vmem>> -> memref<128x128xf32, #tpu.memory_space<vmem>>
    %dma_start3A_543 = arith.constant 256 : i32
    %dma_start3A_544 = tpu.memref_slice %arg5[%dma_start3A_536, %dma_start3A_543] : memref<2x400xi32, #tpu.memory_space<vmem>> -> memref<1x128xi32, #tpu.memory_space<vmem>>
    %dma_start3A_545 = tpu.memref_squeeze %dma_start3A_544 : memref<1x128xi32, #tpu.memory_space<vmem>> -> memref<128xi32, #tpu.memory_space<vmem>>
    %dma_start3A_546 = arith.constant 0 : i32
    %dma_start3A_547 = arith.constant 0 : i32
    %dma_start3A_548 = tpu.memref_slice %arg2[%dma_start3A_546, %dma_start3A_547] : memref<410000x128xf32, #tpu.memory_space<hbm>> -> memref<410000x128xf32, #tpu.memory_space<hbm>>
    %dma_start3A_549 = tpu.memref_slice %arg7[%dma_start3A_538] : memref<2x!tpu.dma_semaphore, #tpu.memory_space<semaphore_mem>> -> memref<1x!tpu.dma_semaphore, #tpu.memory_space<semaphore_mem>>
    %dma_start3A_550 = tpu.memref_squeeze %dma_start3A_549 : memref<1x!tpu.dma_semaphore, #tpu.memory_space<semaphore_mem>> -> memref<!tpu.dma_semaphore, #tpu.memory_space<semaphore_mem>>
    tpu.enqueue_indirect_dma source(%dma_start3A_548 : memref<410000x128xf32, #tpu.memory_space<hbm>>) target(%dma_start3A_542 : memref<128x128xf32, #tpu.memory_space<vmem>>) offsets(%dma_start3A_545 : memref<128xi32, #tpu.memory_space<vmem>>) semaphore(%dma_start3A_550 : memref<!tpu.dma_semaphore, #tpu.memory_space<semaphore_mem>>)
    %dma_start3A_551 = arith.constant 0 : i32
    %dma_start3A_552 = arith.constant 0 : i32
    %dma_start3A_553 = arith.constant 0 : i32
    %dma_start3A_554 = arith.constant 384 : i32
    %dma_start3A_555 = arith.constant 0 : i32
    %dma_start3A_556 = tpu.memref_slice %arg6[%dma_start3A_552, %dma_start3A_554, %dma_start3A_555] : memref<2x400x128xf32, #tpu.memory_space<vmem>> -> memref<1x16x128xf32, #tpu.memory_space<vmem>>
    %dma_start3A_557 = tpu.memref_squeeze %dma_start3A_556 : memref<1x16x128xf32, #tpu.memory_space<vmem>> -> memref<16x128xf32, #tpu.memory_space<vmem>>
    %dma_start3A_558 = arith.constant 384 : i32
    %dma_start3A_559 = tpu.memref_slice %arg5[%dma_start3A_551, %dma_start3A_558] : memref<2x400xi32, #tpu.memory_space<vmem>> -> memref<1x16xi32, #tpu.memory_space<vmem>>
    %dma_start3A_560 = tpu.memref_squeeze %dma_start3A_559 : memref<1x16xi32, #tpu.memory_space<vmem>> -> memref<16xi32, #tpu.memory_space<vmem>>
    %dma_start3A_561 = arith.constant 0 : i32
    %dma_start3A_562 = arith.constant 0 : i32
    %dma_start3A_563 = tpu.memref_slice %arg2[%dma_start3A_561, %dma_start3A_562] : memref<410000x128xf32, #tpu.memory_space<hbm>> -> memref<410000x128xf32, #tpu.memory_space<hbm>>
    %dma_start3A_564 = tpu.memref_slice %arg7[%dma_start3A_553] : memref<2x!tpu.dma_semaphore, #tpu.memory_space<semaphore_mem>> -> memref<1x!tpu.dma_semaphore, #tpu.memory_space<semaphore_mem>>
    %dma_start3A_565 = tpu.memref_squeeze %dma_start3A_564 : memref<1x!tpu.dma_semaphore, #tpu.memory_space<semaphore_mem>> -> memref<!tpu.dma_semaphore, #tpu.memory_space<semaphore_mem>>
    tpu.enqueue_indirect_dma source(%dma_start3A_563 : memref<410000x128xf32, #tpu.memory_space<hbm>>) target(%dma_start3A_557 : memref<16x128xf32, #tpu.memory_space<vmem>>) offsets(%dma_start3A_560 : memref<16xi32, #tpu.memory_space<vmem>>) semaphore(%dma_start3A_565 : memref<!tpu.dma_semaphore, #tpu.memory_space<semaphore_mem>>)
    %dma_wait3A_566 = arith.constant 1 : i32
    %dma_wait3A_567 = arith.constant 1 : i32
    %dma_wait3A_568 = arith.constant 1 : i32
    %dma_wait3A_569 = arith.constant 0 : i32
    %dma_wait3A_570 = arith.constant 0 : i32
    %dma_wait3A_571 = tpu.memref_slice %arg6[%dma_wait3A_567, %dma_wait3A_569, %dma_wait3A_570] : memref<2x400x128xf32, #tpu.memory_space<vmem>> -> memref<1x128x128xf32, #tpu.memory_space<vmem>>
    %dma_wait3A_572 = tpu.memref_squeeze %dma_wait3A_571 : memref<1x128x128xf32, #tpu.memory_space<vmem>> -> memref<128x128xf32, #tpu.memory_space<vmem>>
    %dma_wait3A_573 = arith.constant 0 : i32
    %dma_wait3A_574 = tpu.memref_slice %arg5[%dma_wait3A_566, %dma_wait3A_573] : memref<2x400xi32, #tpu.memory_space<vmem>> -> memref<1x128xi32, #tpu.memory_space<vmem>>
    %dma_wait3A_575 = tpu.memref_squeeze %dma_wait3A_574 : memref<1x128xi32, #tpu.memory_space<vmem>> -> memref<128xi32, #tpu.memory_space<vmem>>
    %dma_wait3A_576 = arith.constant 0 : i32
    %dma_wait3A_577 = arith.constant 0 : i32
    %dma_wait3A_578 = tpu.memref_slice %arg2[%dma_wait3A_576, %dma_wait3A_577] : memref<410000x128xf32, #tpu.memory_space<hbm>> -> memref<410000x128xf32, #tpu.memory_space<hbm>>
    %dma_wait3A_579 = tpu.memref_slice %arg7[%dma_wait3A_568] : memref<2x!tpu.dma_semaphore, #tpu.memory_space<semaphore_mem>> -> memref<1x!tpu.dma_semaphore, #tpu.memory_space<semaphore_mem>>
    %dma_wait3A_580 = tpu.memref_squeeze %dma_wait3A_579 : memref<1x!tpu.dma_semaphore, #tpu.memory_space<semaphore_mem>> -> memref<!tpu.dma_semaphore, #tpu.memory_space<semaphore_mem>>
    tpu.wait_indirect_dma semaphore(%dma_wait3A_580 : memref<!tpu.dma_semaphore, #tpu.memory_space<semaphore_mem>>) src(%dma_wait3A_578 : memref<410000x128xf32, #tpu.memory_space<hbm>>) dst(%dma_wait3A_572 : memref<128x128xf32, #tpu.memory_space<vmem>>)
    %dma_wait3A_581 = arith.constant 1 : i32
    %dma_wait3A_582 = arith.constant 1 : i32
    %dma_wait3A_583 = arith.constant 1 : i32
    %dma_wait3A_584 = arith.constant 128 : i32
    %dma_wait3A_585 = arith.constant 0 : i32
    %dma_wait3A_586 = tpu.memref_slice %arg6[%dma_wait3A_582, %dma_wait3A_584, %dma_wait3A_585] : memref<2x400x128xf32, #tpu.memory_space<vmem>> -> memref<1x128x128xf32, #tpu.memory_space<vmem>>
    %dma_wait3A_587 = tpu.memref_squeeze %dma_wait3A_586 : memref<1x128x128xf32, #tpu.memory_space<vmem>> -> memref<128x128xf32, #tpu.memory_space<vmem>>
    %dma_wait3A_588 = arith.constant 128 : i32
    %dma_wait3A_589 = tpu.memref_slice %arg5[%dma_wait3A_581, %dma_wait3A_588] : memref<2x400xi32, #tpu.memory_space<vmem>> -> memref<1x128xi32, #tpu.memory_space<vmem>>
    %dma_wait3A_590 = tpu.memref_squeeze %dma_wait3A_589 : memref<1x128xi32, #tpu.memory_space<vmem>> -> memref<128xi32, #tpu.memory_space<vmem>>
    %dma_wait3A_591 = arith.constant 0 : i32
    %dma_wait3A_592 = arith.constant 0 : i32
    %dma_wait3A_593 = tpu.memref_slice %arg2[%dma_wait3A_591, %dma_wait3A_592] : memref<410000x128xf32, #tpu.memory_space<hbm>> -> memref<410000x128xf32, #tpu.memory_space<hbm>>
    %dma_wait3A_594 = tpu.memref_slice %arg7[%dma_wait3A_583] : memref<2x!tpu.dma_semaphore, #tpu.memory_space<semaphore_mem>> -> memref<1x!tpu.dma_semaphore, #tpu.memory_space<semaphore_mem>>
    %dma_wait3A_595 = tpu.memref_squeeze %dma_wait3A_594 : memref<1x!tpu.dma_semaphore, #tpu.memory_space<semaphore_mem>> -> memref<!tpu.dma_semaphore, #tpu.memory_space<semaphore_mem>>
    tpu.wait_indirect_dma semaphore(%dma_wait3A_595 : memref<!tpu.dma_semaphore, #tpu.memory_space<semaphore_mem>>) src(%dma_wait3A_593 : memref<410000x128xf32, #tpu.memory_space<hbm>>) dst(%dma_wait3A_587 : memref<128x128xf32, #tpu.memory_space<vmem>>)
    %dma_wait3A_596 = arith.constant 1 : i32
    %dma_wait3A_597 = arith.constant 1 : i32
    %dma_wait3A_598 = arith.constant 1 : i32
    %dma_wait3A_599 = arith.constant 256 : i32
    %dma_wait3A_600 = arith.constant 0 : i32
    %dma_wait3A_601 = tpu.memref_slice %arg6[%dma_wait3A_597, %dma_wait3A_599, %dma_wait3A_600] : memref<2x400x128xf32, #tpu.memory_space<vmem>> -> memref<1x128x128xf32, #tpu.memory_space<vmem>>
    %dma_wait3A_602 = tpu.memref_squeeze %dma_wait3A_601 : memref<1x128x128xf32, #tpu.memory_space<vmem>> -> memref<128x128xf32, #tpu.memory_space<vmem>>
    %dma_wait3A_603 = arith.constant 256 : i32
    %dma_wait3A_604 = tpu.memref_slice %arg5[%dma_wait3A_596, %dma_wait3A_603] : memref<2x400xi32, #tpu.memory_space<vmem>> -> memref<1x128xi32, #tpu.memory_space<vmem>>
    %dma_wait3A_605 = tpu.memref_squeeze %dma_wait3A_604 : memref<1x128xi32, #tpu.memory_space<vmem>> -> memref<128xi32, #tpu.memory_space<vmem>>
    %dma_wait3A_606 = arith.constant 0 : i32
    %dma_wait3A_607 = arith.constant 0 : i32
    %dma_wait3A_608 = tpu.memref_slice %arg2[%dma_wait3A_606, %dma_wait3A_607] : memref<410000x128xf32, #tpu.memory_space<hbm>> -> memref<410000x128xf32, #tpu.memory_space<hbm>>
    %dma_wait3A_609 = tpu.memref_slice %arg7[%dma_wait3A_598] : memref<2x!tpu.dma_semaphore, #tpu.memory_space<semaphore_mem>> -> memref<1x!tpu.dma_semaphore, #tpu.memory_space<semaphore_mem>>
    %dma_wait3A_610 = tpu.memref_squeeze %dma_wait3A_609 : memref<1x!tpu.dma_semaphore, #tpu.memory_space<semaphore_mem>> -> memref<!tpu.dma_semaphore, #tpu.memory_space<semaphore_mem>>
    tpu.wait_indirect_dma semaphore(%dma_wait3A_610 : memref<!tpu.dma_semaphore, #tpu.memory_space<semaphore_mem>>) src(%dma_wait3A_608 : memref<410000x128xf32, #tpu.memory_space<hbm>>) dst(%dma_wait3A_602 : memref<128x128xf32, #tpu.memory_space<vmem>>)
    %dma_wait3A_611 = arith.constant 1 : i32
    %dma_wait3A_612 = arith.constant 1 : i32
    %dma_wait3A_613 = arith.constant 1 : i32
    %dma_wait3A_614 = arith.constant 384 : i32
    %dma_wait3A_615 = arith.constant 0 : i32
    %dma_wait3A_616 = tpu.memref_slice %arg6[%dma_wait3A_612, %dma_wait3A_614, %dma_wait3A_615] : memref<2x400x128xf32, #tpu.memory_space<vmem>> -> memref<1x16x128xf32, #tpu.memory_space<vmem>>
    %dma_wait3A_617 = tpu.memref_squeeze %dma_wait3A_616 : memref<1x16x128xf32, #tpu.memory_space<vmem>> -> memref<16x128xf32, #tpu.memory_space<vmem>>
    %dma_wait3A_618 = arith.constant 384 : i32
    %dma_wait3A_619 = tpu.memref_slice %arg5[%dma_wait3A_611, %dma_wait3A_618] : memref<2x400xi32, #tpu.memory_space<vmem>> -> memref<1x16xi32, #tpu.memory_space<vmem>>
    %dma_wait3A_620 = tpu.memref_squeeze %dma_wait3A_619 : memref<1x16xi32, #tpu.memory_space<vmem>> -> memref<16xi32, #tpu.memory_space<vmem>>
    %dma_wait3A_621 = arith.constant 0 : i32
    %dma_wait3A_622 = arith.constant 0 : i32
    %dma_wait3A_623 = tpu.memref_slice %arg2[%dma_wait3A_621, %dma_wait3A_622] : memref<410000x128xf32, #tpu.memory_space<hbm>> -> memref<410000x128xf32, #tpu.memory_space<hbm>>
    %dma_wait3A_624 = tpu.memref_slice %arg7[%dma_wait3A_613] : memref<2x!tpu.dma_semaphore, #tpu.memory_space<semaphore_mem>> -> memref<1x!tpu.dma_semaphore, #tpu.memory_space<semaphore_mem>>
    %dma_wait3A_625 = tpu.memref_squeeze %dma_wait3A_624 : memref<1x!tpu.dma_semaphore, #tpu.memory_space<semaphore_mem>> -> memref<!tpu.dma_semaphore, #tpu.memory_space<semaphore_mem>>
    tpu.wait_indirect_dma semaphore(%dma_wait3A_625 : memref<!tpu.dma_semaphore, #tpu.memory_space<semaphore_mem>>) src(%dma_wait3A_623 : memref<410000x128xf32, #tpu.memory_space<hbm>>) dst(%dma_wait3A_617 : memref<16x128xf32, #tpu.memory_space<vmem>>)
    %mul3A_626 = arith.constant 4 : i32
    %mul3A_627 = arith.muli %add3A, %mul3A_626 : i32
    %add3A_628 = arith.constant 1 : i32
    %add3A_629 = arith.addi %mul3A_627, %add3A_628 : i32
    %mul3A_630 = arith.constant 8 : i32
    %mul3A_631 = arith.muli %add3A_629, %mul3A_630 : i32
    %lt3A_632 = arith.constant 1000 : i32
    %lt3A_633 = arith.cmpi slt, %mul3A_631, %lt3A_632 : i32
    %convert_element_type3A_634 = arith.extui %lt3A_633 : i1 to i32
    %cond3A_635 = arith.constant 0 : i32
    %cond3A_636 = arith.cmpi ne, %convert_element_type3A_634, %cond3A_635 : i32
    scf.if %cond3A_636 {
      %mul3A_1171 = arith.constant 4 : i32
      %mul3A_1172 = arith.muli %add3A, %mul3A_1171 : i32
      %add3A_1173 = arith.constant 1 : i32
      %add3A_1174 = arith.addi %mul3A_1172, %add3A_1173 : i32
      %mul3A_1175 = arith.constant 16 : i32
      %mul3A_1176 = arith.muli %add3A_1174, %mul3A_1175 : i32
      %add3A_1177 = arith.constant 50000 : i32
      %add3A_1178 = arith.addi %add3A_1177, %mul3A_1176 : i32
      %scan3A = arith.constant 0 : i32
      %scan3A_1179 = arith.constant 0 : i32
      %scan3A_1180 = arith.constant 48 : i32
      %scan3A_1181 = arith.addi %scan3A_1179, %scan3A_1180 : i32
      %scan3A_1182 = arith.constant 1 : i32
      scf.for %scan3A_1184 = %scan3A_1179 to %scan3A_1181 step %scan3A_1182  : i32 {
        %shift_right_arithmetic3A = arith.constant 1 : i32
        %shift_right_arithmetic3A_1185 = arith.shrsi %scan3A_1184, %shift_right_arithmetic3A : i32
        %mul3A_1186 = arith.constant 2000 : i32
        %mul3A_1187 = arith.muli %shift_right_arithmetic3A_1185, %mul3A_1186 : i32
        %add3A_1188 = arith.addi %add3A_1178, %mul3A_1187 : i32
        %and3A = arith.constant 1 : i32
        %and3A_1189 = arith.andi %scan3A_1184, %and3A : i32
        %mul3A_1190 = arith.constant 8 : i32
        %mul3A_1191 = arith.muli %and3A_1189, %mul3A_1190 : i32
        %add3A_1192 = arith.addi %add3A_1188, %mul3A_1191 : i32
        %mul3A_1193 = arith.constant 8 : i32
        %mul3A_1194 = arith.muli %scan3A_1184, %mul3A_1193 : i32
        %dma_start3A_1195 = arith.constant 1 : i32
        %dma_start3A_1196 = arith.constant 1 : i32
        %dma_start3A_1197 = arith.constant 0 : i32
        %dma_start3A_1198 = tpu.memref_slice %arg6[%dma_start3A_1195, %mul3A_1194, %dma_start3A_1197] : memref<2x400x128xf32, #tpu.memory_space<vmem>> -> memref<1x8x128xf32, #tpu.memory_space<vmem>>
        %dma_start3A_1199 = tpu.memref_squeeze %dma_start3A_1198 : memref<1x8x128xf32, #tpu.memory_space<vmem>> -> memref<8x128xf32, #tpu.memory_space<vmem>>
        %dma_start3A_1200 = arith.constant 0 : i32
        %dma_start3A_1201 = tpu.memref_slice %arg4[%add3A_1192, %dma_start3A_1200] : memref<98000x128xf32, #tpu.memory_space<hbm>> -> memref<8x128xf32, #tpu.memory_space<hbm>>
        %dma_start3A_1202 = tpu.memref_slice %arg8[%dma_start3A_1196] : memref<2x!tpu.dma_semaphore, #tpu.memory_space<semaphore_mem>> -> memref<1x!tpu.dma_semaphore, #tpu.memory_space<semaphore_mem>>
        %dma_start3A_1203 = tpu.memref_squeeze %dma_start3A_1202 : memref<1x!tpu.dma_semaphore, #tpu.memory_space<semaphore_mem>> -> memref<!tpu.dma_semaphore, #tpu.memory_space<semaphore_mem>>
        %dma_start3A_1204 = arith.constant 0 : i32
        %dma_start3A_1205 = tpu.memref_slice %arg4[%add3A_1192, %dma_start3A_1204] : memref<98000x128xf32, #tpu.memory_space<hbm>> -> memref<8x128xf32, #tpu.memory_space<hbm>>
        %dma_start3A_1206 = arith.constant 0 : i32
        %dma_start3A_1207 = tpu.memref_slice %arg6[%dma_start3A_1195, %mul3A_1194, %dma_start3A_1206] : memref<2x400x128xf32, #tpu.memory_space<vmem>> -> memref<1x8x128xf32, #tpu.memory_space<vmem>>
        %dma_start3A_1208 = tpu.memref_squeeze %dma_start3A_1207 : memref<1x8x128xf32, #tpu.memory_space<vmem>> -> memref<8x128xf32, #tpu.memory_space<vmem>>
        tpu.enqueue_dma source(%dma_start3A_1208 : memref<8x128xf32, #tpu.memory_space<vmem>>) target(%dma_start3A_1205 : memref<8x128xf32, #tpu.memory_space<hbm>>) target_semaphore(%dma_start3A_1203 : memref<!tpu.dma_semaphore, #tpu.memory_space<semaphore_mem>>)
      }
      %scan3A_1183 = arith.constant 48 : i32
    } else {
    }
    %mul3A_637 = arith.constant 4 : i32
    %mul3A_638 = arith.muli %add3A, %mul3A_637 : i32
    %add3A_639 = arith.constant 1 : i32
    %add3A_640 = arith.addi %mul3A_638, %add3A_639 : i32
    %mul3A_641 = arith.constant 8 : i32
    %mul3A_642 = arith.muli %add3A_640, %mul3A_641 : i32
    %lt3A_643 = arith.constant 1000 : i32
    %lt3A_644 = arith.cmpi slt, %mul3A_642, %lt3A_643 : i32
    %convert_element_type3A_645 = arith.extui %lt3A_644 : i1 to i32
    %cond3A_646 = arith.constant 0 : i32
    %cond3A_647 = arith.cmpi ne, %convert_element_type3A_645, %cond3A_646 : i32
    scf.if %cond3A_647 {
      %scan3A = arith.constant 0 : i32
      %scan3A_1171 = arith.constant 0 : i32
      %scan3A_1172 = arith.constant 48 : i32
      %scan3A_1173 = arith.addi %scan3A_1171, %scan3A_1172 : i32
      %scan3A_1174 = arith.constant 1 : i32
      scf.for %scan3A_1176 = %scan3A_1171 to %scan3A_1173 step %scan3A_1174  : i32 {
        %dma_wait3A_1177 = arith.constant 1 : i32
        %dma_wait3A_1178 = arith.constant 1 : i32
        %dma_wait3A_1179 = arith.constant 0 : i32
        %dma_wait3A_1180 = arith.constant 0 : i32
        %dma_wait3A_1181 = tpu.memref_slice %arg6[%dma_wait3A_1177, %dma_wait3A_1179, %dma_wait3A_1180] : memref<2x400x128xf32, #tpu.memory_space<vmem>> -> memref<1x8x128xf32, #tpu.memory_space<vmem>>
        %dma_wait3A_1182 = tpu.memref_squeeze %dma_wait3A_1181 : memref<1x8x128xf32, #tpu.memory_space<vmem>> -> memref<8x128xf32, #tpu.memory_space<vmem>>
        %dma_wait3A_1183 = arith.constant 0 : i32
        %dma_wait3A_1184 = arith.constant 0 : i32
        %dma_wait3A_1185 = tpu.memref_slice %arg4[%dma_wait3A_1183, %dma_wait3A_1184] : memref<98000x128xf32, #tpu.memory_space<hbm>> -> memref<8x128xf32, #tpu.memory_space<hbm>>
        %dma_wait3A_1186 = tpu.memref_slice %arg8[%dma_wait3A_1178] : memref<2x!tpu.dma_semaphore, #tpu.memory_space<semaphore_mem>> -> memref<1x!tpu.dma_semaphore, #tpu.memory_space<semaphore_mem>>
        %dma_wait3A_1187 = tpu.memref_squeeze %dma_wait3A_1186 : memref<1x!tpu.dma_semaphore, #tpu.memory_space<semaphore_mem>> -> memref<!tpu.dma_semaphore, #tpu.memory_space<semaphore_mem>>
        %dma_wait3A_1188 = arith.constant 0 : i32
        %dma_wait3A_1189 = arith.constant 0 : i32
        %dma_wait3A_1190 = tpu.memref_slice %arg4[%dma_wait3A_1188, %dma_wait3A_1189] : memref<98000x128xf32, #tpu.memory_space<hbm>> -> memref<8x128xf32, #tpu.memory_space<hbm>>
        %dma_wait3A_1191 = arith.constant 0 : i32
        %dma_wait3A_1192 = arith.constant 0 : i32
        %dma_wait3A_1193 = tpu.memref_slice %arg6[%dma_wait3A_1177, %dma_wait3A_1191, %dma_wait3A_1192] : memref<2x400x128xf32, #tpu.memory_space<vmem>> -> memref<1x8x128xf32, #tpu.memory_space<vmem>>
        %dma_wait3A_1194 = tpu.memref_squeeze %dma_wait3A_1193 : memref<1x8x128xf32, #tpu.memory_space<vmem>> -> memref<8x128xf32, #tpu.memory_space<vmem>>
        tpu.wait_dma2 semaphore(%dma_wait3A_1187 : memref<!tpu.dma_semaphore, #tpu.memory_space<semaphore_mem>>) src(%dma_wait3A_1194 : memref<8x128xf32, #tpu.memory_space<vmem>>) dst(%dma_wait3A_1190 : memref<8x128xf32, #tpu.memory_space<hbm>>)
      }
      %scan3A_1175 = arith.constant 48 : i32
    } else {
    }
    %mul3A_648 = arith.constant 8 : i32
    %mul3A_649 = arith.muli %add3A, %mul3A_648 : i32
    %add3A_650 = arith.constant 5 : i32
    %add3A_651 = arith.addi %mul3A_649, %add3A_650 : i32
    %run_scoped3A_652 = arith.constant 1 : i32
    "tpu.region"() ({
      %run_scoped3A_1171 = tpu.sem_alloc : memref<!tpu.dma_semaphore, #tpu.memory_space<semaphore_mem>>
      %dma_start3A_1172 = arith.constant 0 : i32
      %dma_start3A_1173 = tpu.memref_slice %arg5[%run_scoped3A_652, %dma_start3A_1172] : memref<2x400xi32, #tpu.memory_space<vmem>> -> memref<1x400xi32, #tpu.memory_space<vmem>>
      %dma_start3A_1174 = tpu.memref_squeeze %dma_start3A_1173 : memref<1x400xi32, #tpu.memory_space<vmem>> -> memref<400xi32, #tpu.memory_space<vmem>>
      %dma_start3A_1175 = arith.constant 0 : i32
      %dma_start3A_1176 = tpu.memref_slice %arg3[%add3A_651, %dma_start3A_1175] : memref<256x400xi32, #tpu.memory_space<hbm>> -> memref<1x400xi32, #tpu.memory_space<hbm>>
      %dma_start3A_1177 = tpu.memref_squeeze %dma_start3A_1176 : memref<1x400xi32, #tpu.memory_space<hbm>> -> memref<400xi32, #tpu.memory_space<hbm>>
      %dma_start3A_1178 = arith.constant 0 : i32
      %dma_start3A_1179 = tpu.memref_slice %arg5[%run_scoped3A_652, %dma_start3A_1178] : memref<2x400xi32, #tpu.memory_space<vmem>> -> memref<1x400xi32, #tpu.memory_space<vmem>>
      %dma_start3A_1180 = tpu.memref_squeeze %dma_start3A_1179 : memref<1x400xi32, #tpu.memory_space<vmem>> -> memref<400xi32, #tpu.memory_space<vmem>>
      %dma_start3A_1181 = arith.constant 0 : i32
      %dma_start3A_1182 = tpu.memref_slice %arg3[%add3A_651, %dma_start3A_1181] : memref<256x400xi32, #tpu.memory_space<hbm>> -> memref<1x400xi32, #tpu.memory_space<hbm>>
      %dma_start3A_1183 = tpu.memref_squeeze %dma_start3A_1182 : memref<1x400xi32, #tpu.memory_space<hbm>> -> memref<400xi32, #tpu.memory_space<hbm>>
      tpu.enqueue_dma source(%dma_start3A_1183 : memref<400xi32, #tpu.memory_space<hbm>>) target(%dma_start3A_1180 : memref<400xi32, #tpu.memory_space<vmem>>) target_semaphore(%run_scoped3A_1171 : memref<!tpu.dma_semaphore, #tpu.memory_space<semaphore_mem>>)
      %dma_wait3A_1184 = arith.constant 0 : i32
      %dma_wait3A_1185 = tpu.memref_slice %arg5[%run_scoped3A_652, %dma_wait3A_1184] : memref<2x400xi32, #tpu.memory_space<vmem>> -> memref<1x400xi32, #tpu.memory_space<vmem>>
      %dma_wait3A_1186 = tpu.memref_squeeze %dma_wait3A_1185 : memref<1x400xi32, #tpu.memory_space<vmem>> -> memref<400xi32, #tpu.memory_space<vmem>>
      %dma_wait3A_1187 = arith.constant 0 : i32
      %dma_wait3A_1188 = tpu.memref_slice %arg3[%add3A_651, %dma_wait3A_1187] : memref<256x400xi32, #tpu.memory_space<hbm>> -> memref<1x400xi32, #tpu.memory_space<hbm>>
      %dma_wait3A_1189 = tpu.memref_squeeze %dma_wait3A_1188 : memref<1x400xi32, #tpu.memory_space<hbm>> -> memref<400xi32, #tpu.memory_space<hbm>>
      %dma_wait3A_1190 = arith.constant 0 : i32
      %dma_wait3A_1191 = tpu.memref_slice %arg5[%run_scoped3A_652, %dma_wait3A_1190] : memref<2x400xi32, #tpu.memory_space<vmem>> -> memref<1x400xi32, #tpu.memory_space<vmem>>
      %dma_wait3A_1192 = tpu.memref_squeeze %dma_wait3A_1191 : memref<1x400xi32, #tpu.memory_space<vmem>> -> memref<400xi32, #tpu.memory_space<vmem>>
      %dma_wait3A_1193 = arith.constant 0 : i32
      %dma_wait3A_1194 = tpu.memref_slice %arg3[%add3A_651, %dma_wait3A_1193] : memref<256x400xi32, #tpu.memory_space<hbm>> -> memref<1x400xi32, #tpu.memory_space<hbm>>
      %dma_wait3A_1195 = tpu.memref_squeeze %dma_wait3A_1194 : memref<1x400xi32, #tpu.memory_space<hbm>> -> memref<400xi32, #tpu.memory_space<hbm>>
      tpu.wait_dma2 semaphore(%run_scoped3A_1171 : memref<!tpu.dma_semaphore, #tpu.memory_space<semaphore_mem>>) src(%dma_wait3A_1195 : memref<400xi32, #tpu.memory_space<hbm>>) dst(%dma_wait3A_1192 : memref<400xi32, #tpu.memory_space<vmem>>)
      tpu.yield
    }) : () -> ()
    %dma_start3A_653 = arith.constant 1 : i32
    %dma_start3A_654 = arith.constant 1 : i32
    %dma_start3A_655 = arith.constant 1 : i32
    %dma_start3A_656 = arith.constant 0 : i32
    %dma_start3A_657 = arith.constant 0 : i32
    %dma_start3A_658 = tpu.memref_slice %arg6[%dma_start3A_654, %dma_start3A_656, %dma_start3A_657] : memref<2x400x128xf32, #tpu.memory_space<vmem>> -> memref<1x128x128xf32, #tpu.memory_space<vmem>>
    %dma_start3A_659 = tpu.memref_squeeze %dma_start3A_658 : memref<1x128x128xf32, #tpu.memory_space<vmem>> -> memref<128x128xf32, #tpu.memory_space<vmem>>
    %dma_start3A_660 = arith.constant 0 : i32
    %dma_start3A_661 = tpu.memref_slice %arg5[%dma_start3A_653, %dma_start3A_660] : memref<2x400xi32, #tpu.memory_space<vmem>> -> memref<1x128xi32, #tpu.memory_space<vmem>>
    %dma_start3A_662 = tpu.memref_squeeze %dma_start3A_661 : memref<1x128xi32, #tpu.memory_space<vmem>> -> memref<128xi32, #tpu.memory_space<vmem>>
    %dma_start3A_663 = arith.constant 0 : i32
    %dma_start3A_664 = arith.constant 0 : i32
    %dma_start3A_665 = tpu.memref_slice %arg2[%dma_start3A_663, %dma_start3A_664] : memref<410000x128xf32, #tpu.memory_space<hbm>> -> memref<410000x128xf32, #tpu.memory_space<hbm>>
    %dma_start3A_666 = tpu.memref_slice %arg7[%dma_start3A_655] : memref<2x!tpu.dma_semaphore, #tpu.memory_space<semaphore_mem>> -> memref<1x!tpu.dma_semaphore, #tpu.memory_space<semaphore_mem>>
    %dma_start3A_667 = tpu.memref_squeeze %dma_start3A_666 : memref<1x!tpu.dma_semaphore, #tpu.memory_space<semaphore_mem>> -> memref<!tpu.dma_semaphore, #tpu.memory_space<semaphore_mem>>
    tpu.enqueue_indirect_dma source(%dma_start3A_665 : memref<410000x128xf32, #tpu.memory_space<hbm>>) target(%dma_start3A_659 : memref<128x128xf32, #tpu.memory_space<vmem>>) offsets(%dma_start3A_662 : memref<128xi32, #tpu.memory_space<vmem>>) semaphore(%dma_start3A_667 : memref<!tpu.dma_semaphore, #tpu.memory_space<semaphore_mem>>)
    %dma_start3A_668 = arith.constant 1 : i32
    %dma_start3A_669 = arith.constant 1 : i32
    %dma_start3A_670 = arith.constant 1 : i32
    %dma_start3A_671 = arith.constant 128 : i32
    %dma_start3A_672 = arith.constant 0 : i32
    %dma_start3A_673 = tpu.memref_slice %arg6[%dma_start3A_669, %dma_start3A_671, %dma_start3A_672] : memref<2x400x128xf32, #tpu.memory_space<vmem>> -> memref<1x128x128xf32, #tpu.memory_space<vmem>>
    %dma_start3A_674 = tpu.memref_squeeze %dma_start3A_673 : memref<1x128x128xf32, #tpu.memory_space<vmem>> -> memref<128x128xf32, #tpu.memory_space<vmem>>
    %dma_start3A_675 = arith.constant 128 : i32
    %dma_start3A_676 = tpu.memref_slice %arg5[%dma_start3A_668, %dma_start3A_675] : memref<2x400xi32, #tpu.memory_space<vmem>> -> memref<1x128xi32, #tpu.memory_space<vmem>>
    %dma_start3A_677 = tpu.memref_squeeze %dma_start3A_676 : memref<1x128xi32, #tpu.memory_space<vmem>> -> memref<128xi32, #tpu.memory_space<vmem>>
    %dma_start3A_678 = arith.constant 0 : i32
    %dma_start3A_679 = arith.constant 0 : i32
    %dma_start3A_680 = tpu.memref_slice %arg2[%dma_start3A_678, %dma_start3A_679] : memref<410000x128xf32, #tpu.memory_space<hbm>> -> memref<410000x128xf32, #tpu.memory_space<hbm>>
    %dma_start3A_681 = tpu.memref_slice %arg7[%dma_start3A_670] : memref<2x!tpu.dma_semaphore, #tpu.memory_space<semaphore_mem>> -> memref<1x!tpu.dma_semaphore, #tpu.memory_space<semaphore_mem>>
    %dma_start3A_682 = tpu.memref_squeeze %dma_start3A_681 : memref<1x!tpu.dma_semaphore, #tpu.memory_space<semaphore_mem>> -> memref<!tpu.dma_semaphore, #tpu.memory_space<semaphore_mem>>
    tpu.enqueue_indirect_dma source(%dma_start3A_680 : memref<410000x128xf32, #tpu.memory_space<hbm>>) target(%dma_start3A_674 : memref<128x128xf32, #tpu.memory_space<vmem>>) offsets(%dma_start3A_677 : memref<128xi32, #tpu.memory_space<vmem>>) semaphore(%dma_start3A_682 : memref<!tpu.dma_semaphore, #tpu.memory_space<semaphore_mem>>)
    %dma_start3A_683 = arith.constant 1 : i32
    %dma_start3A_684 = arith.constant 1 : i32
    %dma_start3A_685 = arith.constant 1 : i32
    %dma_start3A_686 = arith.constant 256 : i32
    %dma_start3A_687 = arith.constant 0 : i32
    %dma_start3A_688 = tpu.memref_slice %arg6[%dma_start3A_684, %dma_start3A_686, %dma_start3A_687] : memref<2x400x128xf32, #tpu.memory_space<vmem>> -> memref<1x128x128xf32, #tpu.memory_space<vmem>>
    %dma_start3A_689 = tpu.memref_squeeze %dma_start3A_688 : memref<1x128x128xf32, #tpu.memory_space<vmem>> -> memref<128x128xf32, #tpu.memory_space<vmem>>
    %dma_start3A_690 = arith.constant 256 : i32
    %dma_start3A_691 = tpu.memref_slice %arg5[%dma_start3A_683, %dma_start3A_690] : memref<2x400xi32, #tpu.memory_space<vmem>> -> memref<1x128xi32, #tpu.memory_space<vmem>>
    %dma_start3A_692 = tpu.memref_squeeze %dma_start3A_691 : memref<1x128xi32, #tpu.memory_space<vmem>> -> memref<128xi32, #tpu.memory_space<vmem>>
    %dma_start3A_693 = arith.constant 0 : i32
    %dma_start3A_694 = arith.constant 0 : i32
    %dma_start3A_695 = tpu.memref_slice %arg2[%dma_start3A_693, %dma_start3A_694] : memref<410000x128xf32, #tpu.memory_space<hbm>> -> memref<410000x128xf32, #tpu.memory_space<hbm>>
    %dma_start3A_696 = tpu.memref_slice %arg7[%dma_start3A_685] : memref<2x!tpu.dma_semaphore, #tpu.memory_space<semaphore_mem>> -> memref<1x!tpu.dma_semaphore, #tpu.memory_space<semaphore_mem>>
    %dma_start3A_697 = tpu.memref_squeeze %dma_start3A_696 : memref<1x!tpu.dma_semaphore, #tpu.memory_space<semaphore_mem>> -> memref<!tpu.dma_semaphore, #tpu.memory_space<semaphore_mem>>
    tpu.enqueue_indirect_dma source(%dma_start3A_695 : memref<410000x128xf32, #tpu.memory_space<hbm>>) target(%dma_start3A_689 : memref<128x128xf32, #tpu.memory_space<vmem>>) offsets(%dma_start3A_692 : memref<128xi32, #tpu.memory_space<vmem>>) semaphore(%dma_start3A_697 : memref<!tpu.dma_semaphore, #tpu.memory_space<semaphore_mem>>)
    %dma_start3A_698 = arith.constant 1 : i32
    %dma_start3A_699 = arith.constant 1 : i32
    %dma_start3A_700 = arith.constant 1 : i32
    %dma_start3A_701 = arith.constant 384 : i32
    %dma_start3A_702 = arith.constant 0 : i32
    %dma_start3A_703 = tpu.memref_slice %arg6[%dma_start3A_699, %dma_start3A_701, %dma_start3A_702] : memref<2x400x128xf32, #tpu.memory_space<vmem>> -> memref<1x16x128xf32, #tpu.memory_space<vmem>>
    %dma_start3A_704 = tpu.memref_squeeze %dma_start3A_703 : memref<1x16x128xf32, #tpu.memory_space<vmem>> -> memref<16x128xf32, #tpu.memory_space<vmem>>
    %dma_start3A_705 = arith.constant 384 : i32
    %dma_start3A_706 = tpu.memref_slice %arg5[%dma_start3A_698, %dma_start3A_705] : memref<2x400xi32, #tpu.memory_space<vmem>> -> memref<1x16xi32, #tpu.memory_space<vmem>>
    %dma_start3A_707 = tpu.memref_squeeze %dma_start3A_706 : memref<1x16xi32, #tpu.memory_space<vmem>> -> memref<16xi32, #tpu.memory_space<vmem>>
    %dma_start3A_708 = arith.constant 0 : i32
    %dma_start3A_709 = arith.constant 0 : i32
    %dma_start3A_710 = tpu.memref_slice %arg2[%dma_start3A_708, %dma_start3A_709] : memref<410000x128xf32, #tpu.memory_space<hbm>> -> memref<410000x128xf32, #tpu.memory_space<hbm>>
    %dma_start3A_711 = tpu.memref_slice %arg7[%dma_start3A_700] : memref<2x!tpu.dma_semaphore, #tpu.memory_space<semaphore_mem>> -> memref<1x!tpu.dma_semaphore, #tpu.memory_space<semaphore_mem>>
    %dma_start3A_712 = tpu.memref_squeeze %dma_start3A_711 : memref<1x!tpu.dma_semaphore, #tpu.memory_space<semaphore_mem>> -> memref<!tpu.dma_semaphore, #tpu.memory_space<semaphore_mem>>
    tpu.enqueue_indirect_dma source(%dma_start3A_710 : memref<410000x128xf32, #tpu.memory_space<hbm>>) target(%dma_start3A_704 : memref<16x128xf32, #tpu.memory_space<vmem>>) offsets(%dma_start3A_707 : memref<16xi32, #tpu.memory_space<vmem>>) semaphore(%dma_start3A_712 : memref<!tpu.dma_semaphore, #tpu.memory_space<semaphore_mem>>)
    %dma_wait3A_713 = arith.constant 0 : i32
    %dma_wait3A_714 = arith.constant 0 : i32
    %dma_wait3A_715 = arith.constant 0 : i32
    %dma_wait3A_716 = arith.constant 0 : i32
    %dma_wait3A_717 = arith.constant 0 : i32
    %dma_wait3A_718 = tpu.memref_slice %arg6[%dma_wait3A_714, %dma_wait3A_716, %dma_wait3A_717] : memref<2x400x128xf32, #tpu.memory_space<vmem>> -> memref<1x128x128xf32, #tpu.memory_space<vmem>>
    %dma_wait3A_719 = tpu.memref_squeeze %dma_wait3A_718 : memref<1x128x128xf32, #tpu.memory_space<vmem>> -> memref<128x128xf32, #tpu.memory_space<vmem>>
    %dma_wait3A_720 = arith.constant 0 : i32
    %dma_wait3A_721 = tpu.memref_slice %arg5[%dma_wait3A_713, %dma_wait3A_720] : memref<2x400xi32, #tpu.memory_space<vmem>> -> memref<1x128xi32, #tpu.memory_space<vmem>>
    %dma_wait3A_722 = tpu.memref_squeeze %dma_wait3A_721 : memref<1x128xi32, #tpu.memory_space<vmem>> -> memref<128xi32, #tpu.memory_space<vmem>>
    %dma_wait3A_723 = arith.constant 0 : i32
    %dma_wait3A_724 = arith.constant 0 : i32
    %dma_wait3A_725 = tpu.memref_slice %arg2[%dma_wait3A_723, %dma_wait3A_724] : memref<410000x128xf32, #tpu.memory_space<hbm>> -> memref<410000x128xf32, #tpu.memory_space<hbm>>
    %dma_wait3A_726 = tpu.memref_slice %arg7[%dma_wait3A_715] : memref<2x!tpu.dma_semaphore, #tpu.memory_space<semaphore_mem>> -> memref<1x!tpu.dma_semaphore, #tpu.memory_space<semaphore_mem>>
    %dma_wait3A_727 = tpu.memref_squeeze %dma_wait3A_726 : memref<1x!tpu.dma_semaphore, #tpu.memory_space<semaphore_mem>> -> memref<!tpu.dma_semaphore, #tpu.memory_space<semaphore_mem>>
    tpu.wait_indirect_dma semaphore(%dma_wait3A_727 : memref<!tpu.dma_semaphore, #tpu.memory_space<semaphore_mem>>) src(%dma_wait3A_725 : memref<410000x128xf32, #tpu.memory_space<hbm>>) dst(%dma_wait3A_719 : memref<128x128xf32, #tpu.memory_space<vmem>>)
    %dma_wait3A_728 = arith.constant 0 : i32
    %dma_wait3A_729 = arith.constant 0 : i32
    %dma_wait3A_730 = arith.constant 0 : i32
    %dma_wait3A_731 = arith.constant 128 : i32
    %dma_wait3A_732 = arith.constant 0 : i32
    %dma_wait3A_733 = tpu.memref_slice %arg6[%dma_wait3A_729, %dma_wait3A_731, %dma_wait3A_732] : memref<2x400x128xf32, #tpu.memory_space<vmem>> -> memref<1x128x128xf32, #tpu.memory_space<vmem>>
    %dma_wait3A_734 = tpu.memref_squeeze %dma_wait3A_733 : memref<1x128x128xf32, #tpu.memory_space<vmem>> -> memref<128x128xf32, #tpu.memory_space<vmem>>
    %dma_wait3A_735 = arith.constant 128 : i32
    %dma_wait3A_736 = tpu.memref_slice %arg5[%dma_wait3A_728, %dma_wait3A_735] : memref<2x400xi32, #tpu.memory_space<vmem>> -> memref<1x128xi32, #tpu.memory_space<vmem>>
    %dma_wait3A_737 = tpu.memref_squeeze %dma_wait3A_736 : memref<1x128xi32, #tpu.memory_space<vmem>> -> memref<128xi32, #tpu.memory_space<vmem>>
    %dma_wait3A_738 = arith.constant 0 : i32
    %dma_wait3A_739 = arith.constant 0 : i32
    %dma_wait3A_740 = tpu.memref_slice %arg2[%dma_wait3A_738, %dma_wait3A_739] : memref<410000x128xf32, #tpu.memory_space<hbm>> -> memref<410000x128xf32, #tpu.memory_space<hbm>>
    %dma_wait3A_741 = tpu.memref_slice %arg7[%dma_wait3A_730] : memref<2x!tpu.dma_semaphore, #tpu.memory_space<semaphore_mem>> -> memref<1x!tpu.dma_semaphore, #tpu.memory_space<semaphore_mem>>
    %dma_wait3A_742 = tpu.memref_squeeze %dma_wait3A_741 : memref<1x!tpu.dma_semaphore, #tpu.memory_space<semaphore_mem>> -> memref<!tpu.dma_semaphore, #tpu.memory_space<semaphore_mem>>
    tpu.wait_indirect_dma semaphore(%dma_wait3A_742 : memref<!tpu.dma_semaphore, #tpu.memory_space<semaphore_mem>>) src(%dma_wait3A_740 : memref<410000x128xf32, #tpu.memory_space<hbm>>) dst(%dma_wait3A_734 : memref<128x128xf32, #tpu.memory_space<vmem>>)
    %dma_wait3A_743 = arith.constant 0 : i32
    %dma_wait3A_744 = arith.constant 0 : i32
    %dma_wait3A_745 = arith.constant 0 : i32
    %dma_wait3A_746 = arith.constant 256 : i32
    %dma_wait3A_747 = arith.constant 0 : i32
    %dma_wait3A_748 = tpu.memref_slice %arg6[%dma_wait3A_744, %dma_wait3A_746, %dma_wait3A_747] : memref<2x400x128xf32, #tpu.memory_space<vmem>> -> memref<1x128x128xf32, #tpu.memory_space<vmem>>
    %dma_wait3A_749 = tpu.memref_squeeze %dma_wait3A_748 : memref<1x128x128xf32, #tpu.memory_space<vmem>> -> memref<128x128xf32, #tpu.memory_space<vmem>>
    %dma_wait3A_750 = arith.constant 256 : i32
    %dma_wait3A_751 = tpu.memref_slice %arg5[%dma_wait3A_743, %dma_wait3A_750] : memref<2x400xi32, #tpu.memory_space<vmem>> -> memref<1x128xi32, #tpu.memory_space<vmem>>
    %dma_wait3A_752 = tpu.memref_squeeze %dma_wait3A_751 : memref<1x128xi32, #tpu.memory_space<vmem>> -> memref<128xi32, #tpu.memory_space<vmem>>
    %dma_wait3A_753 = arith.constant 0 : i32
    %dma_wait3A_754 = arith.constant 0 : i32
    %dma_wait3A_755 = tpu.memref_slice %arg2[%dma_wait3A_753, %dma_wait3A_754] : memref<410000x128xf32, #tpu.memory_space<hbm>> -> memref<410000x128xf32, #tpu.memory_space<hbm>>
    %dma_wait3A_756 = tpu.memref_slice %arg7[%dma_wait3A_745] : memref<2x!tpu.dma_semaphore, #tpu.memory_space<semaphore_mem>> -> memref<1x!tpu.dma_semaphore, #tpu.memory_space<semaphore_mem>>
    %dma_wait3A_757 = tpu.memref_squeeze %dma_wait3A_756 : memref<1x!tpu.dma_semaphore, #tpu.memory_space<semaphore_mem>> -> memref<!tpu.dma_semaphore, #tpu.memory_space<semaphore_mem>>
    tpu.wait_indirect_dma semaphore(%dma_wait3A_757 : memref<!tpu.dma_semaphore, #tpu.memory_space<semaphore_mem>>) src(%dma_wait3A_755 : memref<410000x128xf32, #tpu.memory_space<hbm>>) dst(%dma_wait3A_749 : memref<128x128xf32, #tpu.memory_space<vmem>>)
    %dma_wait3A_758 = arith.constant 0 : i32
    %dma_wait3A_759 = arith.constant 0 : i32
    %dma_wait3A_760 = arith.constant 0 : i32
    %dma_wait3A_761 = arith.constant 384 : i32
    %dma_wait3A_762 = arith.constant 0 : i32
    %dma_wait3A_763 = tpu.memref_slice %arg6[%dma_wait3A_759, %dma_wait3A_761, %dma_wait3A_762] : memref<2x400x128xf32, #tpu.memory_space<vmem>> -> memref<1x16x128xf32, #tpu.memory_space<vmem>>
    %dma_wait3A_764 = tpu.memref_squeeze %dma_wait3A_763 : memref<1x16x128xf32, #tpu.memory_space<vmem>> -> memref<16x128xf32, #tpu.memory_space<vmem>>
    %dma_wait3A_765 = arith.constant 384 : i32
    %dma_wait3A_766 = tpu.memref_slice %arg5[%dma_wait3A_758, %dma_wait3A_765] : memref<2x400xi32, #tpu.memory_space<vmem>> -> memref<1x16xi32, #tpu.memory_space<vmem>>
    %dma_wait3A_767 = tpu.memref_squeeze %dma_wait3A_766 : memref<1x16xi32, #tpu.memory_space<vmem>> -> memref<16xi32, #tpu.memory_space<vmem>>
    %dma_wait3A_768 = arith.constant 0 : i32
    %dma_wait3A_769 = arith.constant 0 : i32
    %dma_wait3A_770 = tpu.memref_slice %arg2[%dma_wait3A_768, %dma_wait3A_769] : memref<410000x128xf32, #tpu.memory_space<hbm>> -> memref<410000x128xf32, #tpu.memory_space<hbm>>
    %dma_wait3A_771 = tpu.memref_slice %arg7[%dma_wait3A_760] : memref<2x!tpu.dma_semaphore, #tpu.memory_space<semaphore_mem>> -> memref<1x!tpu.dma_semaphore, #tpu.memory_space<semaphore_mem>>
    %dma_wait3A_772 = tpu.memref_squeeze %dma_wait3A_771 : memref<1x!tpu.dma_semaphore, #tpu.memory_space<semaphore_mem>> -> memref<!tpu.dma_semaphore, #tpu.memory_space<semaphore_mem>>
    tpu.wait_indirect_dma semaphore(%dma_wait3A_772 : memref<!tpu.dma_semaphore, #tpu.memory_space<semaphore_mem>>) src(%dma_wait3A_770 : memref<410000x128xf32, #tpu.memory_space<hbm>>) dst(%dma_wait3A_764 : memref<16x128xf32, #tpu.memory_space<vmem>>)
    %mul3A_773 = arith.constant 4 : i32
    %mul3A_774 = arith.muli %add3A, %mul3A_773 : i32
    %add3A_775 = arith.constant 2 : i32
    %add3A_776 = arith.addi %mul3A_774, %add3A_775 : i32
    %mul3A_777 = arith.constant 8 : i32
    %mul3A_778 = arith.muli %add3A_776, %mul3A_777 : i32
    %lt3A_779 = arith.constant 1000 : i32
    %lt3A_780 = arith.cmpi slt, %mul3A_778, %lt3A_779 : i32
    %convert_element_type3A_781 = arith.extui %lt3A_780 : i1 to i32
    %cond3A_782 = arith.constant 0 : i32
    %cond3A_783 = arith.cmpi ne, %convert_element_type3A_781, %cond3A_782 : i32
    scf.if %cond3A_783 {
      %mul3A_1171 = arith.constant 4 : i32
      %mul3A_1172 = arith.muli %add3A, %mul3A_1171 : i32
      %add3A_1173 = arith.constant 2 : i32
      %add3A_1174 = arith.addi %mul3A_1172, %add3A_1173 : i32
      %mul3A_1175 = arith.constant 16 : i32
      %mul3A_1176 = arith.muli %add3A_1174, %mul3A_1175 : i32
      %add3A_1177 = arith.constant 0 : i32
      %add3A_1178 = arith.addi %add3A_1177, %mul3A_1176 : i32
      %scan3A = arith.constant 0 : i32
      %scan3A_1179 = arith.constant 0 : i32
      %scan3A_1180 = arith.constant 50 : i32
      %scan3A_1181 = arith.addi %scan3A_1179, %scan3A_1180 : i32
      %scan3A_1182 = arith.constant 1 : i32
      scf.for %scan3A_1184 = %scan3A_1179 to %scan3A_1181 step %scan3A_1182  : i32 {
        %shift_right_arithmetic3A = arith.constant 1 : i32
        %shift_right_arithmetic3A_1185 = arith.shrsi %scan3A_1184, %shift_right_arithmetic3A : i32
        %mul3A_1186 = arith.constant 2000 : i32
        %mul3A_1187 = arith.muli %shift_right_arithmetic3A_1185, %mul3A_1186 : i32
        %add3A_1188 = arith.addi %add3A_1178, %mul3A_1187 : i32
        %and3A = arith.constant 1 : i32
        %and3A_1189 = arith.andi %scan3A_1184, %and3A : i32
        %mul3A_1190 = arith.constant 8 : i32
        %mul3A_1191 = arith.muli %and3A_1189, %mul3A_1190 : i32
        %add3A_1192 = arith.addi %add3A_1188, %mul3A_1191 : i32
        %mul3A_1193 = arith.constant 8 : i32
        %mul3A_1194 = arith.muli %scan3A_1184, %mul3A_1193 : i32
        %dma_start3A_1195 = arith.constant 0 : i32
        %dma_start3A_1196 = arith.constant 0 : i32
        %dma_start3A_1197 = arith.constant 0 : i32
        %dma_start3A_1198 = tpu.memref_slice %arg6[%dma_start3A_1195, %mul3A_1194, %dma_start3A_1197] : memref<2x400x128xf32, #tpu.memory_space<vmem>> -> memref<1x8x128xf32, #tpu.memory_space<vmem>>
        %dma_start3A_1199 = tpu.memref_squeeze %dma_start3A_1198 : memref<1x8x128xf32, #tpu.memory_space<vmem>> -> memref<8x128xf32, #tpu.memory_space<vmem>>
        %dma_start3A_1200 = arith.constant 0 : i32
        %dma_start3A_1201 = tpu.memref_slice %arg4[%add3A_1192, %dma_start3A_1200] : memref<98000x128xf32, #tpu.memory_space<hbm>> -> memref<8x128xf32, #tpu.memory_space<hbm>>
        %dma_start3A_1202 = tpu.memref_slice %arg8[%dma_start3A_1196] : memref<2x!tpu.dma_semaphore, #tpu.memory_space<semaphore_mem>> -> memref<1x!tpu.dma_semaphore, #tpu.memory_space<semaphore_mem>>
        %dma_start3A_1203 = tpu.memref_squeeze %dma_start3A_1202 : memref<1x!tpu.dma_semaphore, #tpu.memory_space<semaphore_mem>> -> memref<!tpu.dma_semaphore, #tpu.memory_space<semaphore_mem>>
        %dma_start3A_1204 = arith.constant 0 : i32
        %dma_start3A_1205 = tpu.memref_slice %arg4[%add3A_1192, %dma_start3A_1204] : memref<98000x128xf32, #tpu.memory_space<hbm>> -> memref<8x128xf32, #tpu.memory_space<hbm>>
        %dma_start3A_1206 = arith.constant 0 : i32
        %dma_start3A_1207 = tpu.memref_slice %arg6[%dma_start3A_1195, %mul3A_1194, %dma_start3A_1206] : memref<2x400x128xf32, #tpu.memory_space<vmem>> -> memref<1x8x128xf32, #tpu.memory_space<vmem>>
        %dma_start3A_1208 = tpu.memref_squeeze %dma_start3A_1207 : memref<1x8x128xf32, #tpu.memory_space<vmem>> -> memref<8x128xf32, #tpu.memory_space<vmem>>
        tpu.enqueue_dma source(%dma_start3A_1208 : memref<8x128xf32, #tpu.memory_space<vmem>>) target(%dma_start3A_1205 : memref<8x128xf32, #tpu.memory_space<hbm>>) target_semaphore(%dma_start3A_1203 : memref<!tpu.dma_semaphore, #tpu.memory_space<semaphore_mem>>)
      }
      %scan3A_1183 = arith.constant 50 : i32
    } else {
    }
    %mul3A_784 = arith.constant 4 : i32
    %mul3A_785 = arith.muli %add3A, %mul3A_784 : i32
    %add3A_786 = arith.constant 2 : i32
    %add3A_787 = arith.addi %mul3A_785, %add3A_786 : i32
    %mul3A_788 = arith.constant 8 : i32
    %mul3A_789 = arith.muli %add3A_787, %mul3A_788 : i32
    %lt3A_790 = arith.constant 1000 : i32
    %lt3A_791 = arith.cmpi slt, %mul3A_789, %lt3A_790 : i32
    %convert_element_type3A_792 = arith.extui %lt3A_791 : i1 to i32
    %cond3A_793 = arith.constant 0 : i32
    %cond3A_794 = arith.cmpi ne, %convert_element_type3A_792, %cond3A_793 : i32
    scf.if %cond3A_794 {
      %scan3A = arith.constant 0 : i32
      %scan3A_1171 = arith.constant 0 : i32
      %scan3A_1172 = arith.constant 50 : i32
      %scan3A_1173 = arith.addi %scan3A_1171, %scan3A_1172 : i32
      %scan3A_1174 = arith.constant 1 : i32
      scf.for %scan3A_1176 = %scan3A_1171 to %scan3A_1173 step %scan3A_1174  : i32 {
        %dma_wait3A_1177 = arith.constant 0 : i32
        %dma_wait3A_1178 = arith.constant 0 : i32
        %dma_wait3A_1179 = arith.constant 0 : i32
        %dma_wait3A_1180 = arith.constant 0 : i32
        %dma_wait3A_1181 = tpu.memref_slice %arg6[%dma_wait3A_1177, %dma_wait3A_1179, %dma_wait3A_1180] : memref<2x400x128xf32, #tpu.memory_space<vmem>> -> memref<1x8x128xf32, #tpu.memory_space<vmem>>
        %dma_wait3A_1182 = tpu.memref_squeeze %dma_wait3A_1181 : memref<1x8x128xf32, #tpu.memory_space<vmem>> -> memref<8x128xf32, #tpu.memory_space<vmem>>
        %dma_wait3A_1183 = arith.constant 0 : i32
        %dma_wait3A_1184 = arith.constant 0 : i32
        %dma_wait3A_1185 = tpu.memref_slice %arg4[%dma_wait3A_1183, %dma_wait3A_1184] : memref<98000x128xf32, #tpu.memory_space<hbm>> -> memref<8x128xf32, #tpu.memory_space<hbm>>
        %dma_wait3A_1186 = tpu.memref_slice %arg8[%dma_wait3A_1178] : memref<2x!tpu.dma_semaphore, #tpu.memory_space<semaphore_mem>> -> memref<1x!tpu.dma_semaphore, #tpu.memory_space<semaphore_mem>>
        %dma_wait3A_1187 = tpu.memref_squeeze %dma_wait3A_1186 : memref<1x!tpu.dma_semaphore, #tpu.memory_space<semaphore_mem>> -> memref<!tpu.dma_semaphore, #tpu.memory_space<semaphore_mem>>
        %dma_wait3A_1188 = arith.constant 0 : i32
        %dma_wait3A_1189 = arith.constant 0 : i32
        %dma_wait3A_1190 = tpu.memref_slice %arg4[%dma_wait3A_1188, %dma_wait3A_1189] : memref<98000x128xf32, #tpu.memory_space<hbm>> -> memref<8x128xf32, #tpu.memory_space<hbm>>
        %dma_wait3A_1191 = arith.constant 0 : i32
        %dma_wait3A_1192 = arith.constant 0 : i32
        %dma_wait3A_1193 = tpu.memref_slice %arg6[%dma_wait3A_1177, %dma_wait3A_1191, %dma_wait3A_1192] : memref<2x400x128xf32, #tpu.memory_space<vmem>> -> memref<1x8x128xf32, #tpu.memory_space<vmem>>
        %dma_wait3A_1194 = tpu.memref_squeeze %dma_wait3A_1193 : memref<1x8x128xf32, #tpu.memory_space<vmem>> -> memref<8x128xf32, #tpu.memory_space<vmem>>
        tpu.wait_dma2 semaphore(%dma_wait3A_1187 : memref<!tpu.dma_semaphore, #tpu.memory_space<semaphore_mem>>) src(%dma_wait3A_1194 : memref<8x128xf32, #tpu.memory_space<vmem>>) dst(%dma_wait3A_1190 : memref<8x128xf32, #tpu.memory_space<hbm>>)
      }
      %scan3A_1175 = arith.constant 50 : i32
    } else {
    }
    %mul3A_795 = arith.constant 8 : i32
    %mul3A_796 = arith.muli %add3A, %mul3A_795 : i32
    %add3A_797 = arith.constant 6 : i32
    %add3A_798 = arith.addi %mul3A_796, %add3A_797 : i32
    %run_scoped3A_799 = arith.constant 0 : i32
    "tpu.region"() ({
      %run_scoped3A_1171 = tpu.sem_alloc : memref<!tpu.dma_semaphore, #tpu.memory_space<semaphore_mem>>
      %dma_start3A_1172 = arith.constant 0 : i32
      %dma_start3A_1173 = tpu.memref_slice %arg5[%run_scoped3A_799, %dma_start3A_1172] : memref<2x400xi32, #tpu.memory_space<vmem>> -> memref<1x400xi32, #tpu.memory_space<vmem>>
      %dma_start3A_1174 = tpu.memref_squeeze %dma_start3A_1173 : memref<1x400xi32, #tpu.memory_space<vmem>> -> memref<400xi32, #tpu.memory_space<vmem>>
      %dma_start3A_1175 = arith.constant 0 : i32
      %dma_start3A_1176 = tpu.memref_slice %arg3[%add3A_798, %dma_start3A_1175] : memref<256x400xi32, #tpu.memory_space<hbm>> -> memref<1x400xi32, #tpu.memory_space<hbm>>
      %dma_start3A_1177 = tpu.memref_squeeze %dma_start3A_1176 : memref<1x400xi32, #tpu.memory_space<hbm>> -> memref<400xi32, #tpu.memory_space<hbm>>
      %dma_start3A_1178 = arith.constant 0 : i32
      %dma_start3A_1179 = tpu.memref_slice %arg5[%run_scoped3A_799, %dma_start3A_1178] : memref<2x400xi32, #tpu.memory_space<vmem>> -> memref<1x400xi32, #tpu.memory_space<vmem>>
      %dma_start3A_1180 = tpu.memref_squeeze %dma_start3A_1179 : memref<1x400xi32, #tpu.memory_space<vmem>> -> memref<400xi32, #tpu.memory_space<vmem>>
      %dma_start3A_1181 = arith.constant 0 : i32
      %dma_start3A_1182 = tpu.memref_slice %arg3[%add3A_798, %dma_start3A_1181] : memref<256x400xi32, #tpu.memory_space<hbm>> -> memref<1x400xi32, #tpu.memory_space<hbm>>
      %dma_start3A_1183 = tpu.memref_squeeze %dma_start3A_1182 : memref<1x400xi32, #tpu.memory_space<hbm>> -> memref<400xi32, #tpu.memory_space<hbm>>
      tpu.enqueue_dma source(%dma_start3A_1183 : memref<400xi32, #tpu.memory_space<hbm>>) target(%dma_start3A_1180 : memref<400xi32, #tpu.memory_space<vmem>>) target_semaphore(%run_scoped3A_1171 : memref<!tpu.dma_semaphore, #tpu.memory_space<semaphore_mem>>)
      %dma_wait3A_1184 = arith.constant 0 : i32
      %dma_wait3A_1185 = tpu.memref_slice %arg5[%run_scoped3A_799, %dma_wait3A_1184] : memref<2x400xi32, #tpu.memory_space<vmem>> -> memref<1x400xi32, #tpu.memory_space<vmem>>
      %dma_wait3A_1186 = tpu.memref_squeeze %dma_wait3A_1185 : memref<1x400xi32, #tpu.memory_space<vmem>> -> memref<400xi32, #tpu.memory_space<vmem>>
      %dma_wait3A_1187 = arith.constant 0 : i32
      %dma_wait3A_1188 = tpu.memref_slice %arg3[%add3A_798, %dma_wait3A_1187] : memref<256x400xi32, #tpu.memory_space<hbm>> -> memref<1x400xi32, #tpu.memory_space<hbm>>
      %dma_wait3A_1189 = tpu.memref_squeeze %dma_wait3A_1188 : memref<1x400xi32, #tpu.memory_space<hbm>> -> memref<400xi32, #tpu.memory_space<hbm>>
      %dma_wait3A_1190 = arith.constant 0 : i32
      %dma_wait3A_1191 = tpu.memref_slice %arg5[%run_scoped3A_799, %dma_wait3A_1190] : memref<2x400xi32, #tpu.memory_space<vmem>> -> memref<1x400xi32, #tpu.memory_space<vmem>>
      %dma_wait3A_1192 = tpu.memref_squeeze %dma_wait3A_1191 : memref<1x400xi32, #tpu.memory_space<vmem>> -> memref<400xi32, #tpu.memory_space<vmem>>
      %dma_wait3A_1193 = arith.constant 0 : i32
      %dma_wait3A_1194 = tpu.memref_slice %arg3[%add3A_798, %dma_wait3A_1193] : memref<256x400xi32, #tpu.memory_space<hbm>> -> memref<1x400xi32, #tpu.memory_space<hbm>>
      %dma_wait3A_1195 = tpu.memref_squeeze %dma_wait3A_1194 : memref<1x400xi32, #tpu.memory_space<hbm>> -> memref<400xi32, #tpu.memory_space<hbm>>
      tpu.wait_dma2 semaphore(%run_scoped3A_1171 : memref<!tpu.dma_semaphore, #tpu.memory_space<semaphore_mem>>) src(%dma_wait3A_1195 : memref<400xi32, #tpu.memory_space<hbm>>) dst(%dma_wait3A_1192 : memref<400xi32, #tpu.memory_space<vmem>>)
      tpu.yield
    }) : () -> ()
    %dma_start3A_800 = arith.constant 0 : i32
    %dma_start3A_801 = arith.constant 0 : i32
    %dma_start3A_802 = arith.constant 0 : i32
    %dma_start3A_803 = arith.constant 0 : i32
    %dma_start3A_804 = arith.constant 0 : i32
    %dma_start3A_805 = tpu.memref_slice %arg6[%dma_start3A_801, %dma_start3A_803, %dma_start3A_804] : memref<2x400x128xf32, #tpu.memory_space<vmem>> -> memref<1x128x128xf32, #tpu.memory_space<vmem>>
    %dma_start3A_806 = tpu.memref_squeeze %dma_start3A_805 : memref<1x128x128xf32, #tpu.memory_space<vmem>> -> memref<128x128xf32, #tpu.memory_space<vmem>>
    %dma_start3A_807 = arith.constant 0 : i32
    %dma_start3A_808 = tpu.memref_slice %arg5[%dma_start3A_800, %dma_start3A_807] : memref<2x400xi32, #tpu.memory_space<vmem>> -> memref<1x128xi32, #tpu.memory_space<vmem>>
    %dma_start3A_809 = tpu.memref_squeeze %dma_start3A_808 : memref<1x128xi32, #tpu.memory_space<vmem>> -> memref<128xi32, #tpu.memory_space<vmem>>
    %dma_start3A_810 = arith.constant 0 : i32
    %dma_start3A_811 = arith.constant 0 : i32
    %dma_start3A_812 = tpu.memref_slice %arg2[%dma_start3A_810, %dma_start3A_811] : memref<410000x128xf32, #tpu.memory_space<hbm>> -> memref<410000x128xf32, #tpu.memory_space<hbm>>
    %dma_start3A_813 = tpu.memref_slice %arg7[%dma_start3A_802] : memref<2x!tpu.dma_semaphore, #tpu.memory_space<semaphore_mem>> -> memref<1x!tpu.dma_semaphore, #tpu.memory_space<semaphore_mem>>
    %dma_start3A_814 = tpu.memref_squeeze %dma_start3A_813 : memref<1x!tpu.dma_semaphore, #tpu.memory_space<semaphore_mem>> -> memref<!tpu.dma_semaphore, #tpu.memory_space<semaphore_mem>>
    tpu.enqueue_indirect_dma source(%dma_start3A_812 : memref<410000x128xf32, #tpu.memory_space<hbm>>) target(%dma_start3A_806 : memref<128x128xf32, #tpu.memory_space<vmem>>) offsets(%dma_start3A_809 : memref<128xi32, #tpu.memory_space<vmem>>) semaphore(%dma_start3A_814 : memref<!tpu.dma_semaphore, #tpu.memory_space<semaphore_mem>>)
    %dma_start3A_815 = arith.constant 0 : i32
    %dma_start3A_816 = arith.constant 0 : i32
    %dma_start3A_817 = arith.constant 0 : i32
    %dma_start3A_818 = arith.constant 128 : i32
    %dma_start3A_819 = arith.constant 0 : i32
    %dma_start3A_820 = tpu.memref_slice %arg6[%dma_start3A_816, %dma_start3A_818, %dma_start3A_819] : memref<2x400x128xf32, #tpu.memory_space<vmem>> -> memref<1x128x128xf32, #tpu.memory_space<vmem>>
    %dma_start3A_821 = tpu.memref_squeeze %dma_start3A_820 : memref<1x128x128xf32, #tpu.memory_space<vmem>> -> memref<128x128xf32, #tpu.memory_space<vmem>>
    %dma_start3A_822 = arith.constant 128 : i32
    %dma_start3A_823 = tpu.memref_slice %arg5[%dma_start3A_815, %dma_start3A_822] : memref<2x400xi32, #tpu.memory_space<vmem>> -> memref<1x128xi32, #tpu.memory_space<vmem>>
    %dma_start3A_824 = tpu.memref_squeeze %dma_start3A_823 : memref<1x128xi32, #tpu.memory_space<vmem>> -> memref<128xi32, #tpu.memory_space<vmem>>
    %dma_start3A_825 = arith.constant 0 : i32
    %dma_start3A_826 = arith.constant 0 : i32
    %dma_start3A_827 = tpu.memref_slice %arg2[%dma_start3A_825, %dma_start3A_826] : memref<410000x128xf32, #tpu.memory_space<hbm>> -> memref<410000x128xf32, #tpu.memory_space<hbm>>
    %dma_start3A_828 = tpu.memref_slice %arg7[%dma_start3A_817] : memref<2x!tpu.dma_semaphore, #tpu.memory_space<semaphore_mem>> -> memref<1x!tpu.dma_semaphore, #tpu.memory_space<semaphore_mem>>
    %dma_start3A_829 = tpu.memref_squeeze %dma_start3A_828 : memref<1x!tpu.dma_semaphore, #tpu.memory_space<semaphore_mem>> -> memref<!tpu.dma_semaphore, #tpu.memory_space<semaphore_mem>>
    tpu.enqueue_indirect_dma source(%dma_start3A_827 : memref<410000x128xf32, #tpu.memory_space<hbm>>) target(%dma_start3A_821 : memref<128x128xf32, #tpu.memory_space<vmem>>) offsets(%dma_start3A_824 : memref<128xi32, #tpu.memory_space<vmem>>) semaphore(%dma_start3A_829 : memref<!tpu.dma_semaphore, #tpu.memory_space<semaphore_mem>>)
    %dma_start3A_830 = arith.constant 0 : i32
    %dma_start3A_831 = arith.constant 0 : i32
    %dma_start3A_832 = arith.constant 0 : i32
    %dma_start3A_833 = arith.constant 256 : i32
    %dma_start3A_834 = arith.constant 0 : i32
    %dma_start3A_835 = tpu.memref_slice %arg6[%dma_start3A_831, %dma_start3A_833, %dma_start3A_834] : memref<2x400x128xf32, #tpu.memory_space<vmem>> -> memref<1x128x128xf32, #tpu.memory_space<vmem>>
    %dma_start3A_836 = tpu.memref_squeeze %dma_start3A_835 : memref<1x128x128xf32, #tpu.memory_space<vmem>> -> memref<128x128xf32, #tpu.memory_space<vmem>>
    %dma_start3A_837 = arith.constant 256 : i32
    %dma_start3A_838 = tpu.memref_slice %arg5[%dma_start3A_830, %dma_start3A_837] : memref<2x400xi32, #tpu.memory_space<vmem>> -> memref<1x128xi32, #tpu.memory_space<vmem>>
    %dma_start3A_839 = tpu.memref_squeeze %dma_start3A_838 : memref<1x128xi32, #tpu.memory_space<vmem>> -> memref<128xi32, #tpu.memory_space<vmem>>
    %dma_start3A_840 = arith.constant 0 : i32
    %dma_start3A_841 = arith.constant 0 : i32
    %dma_start3A_842 = tpu.memref_slice %arg2[%dma_start3A_840, %dma_start3A_841] : memref<410000x128xf32, #tpu.memory_space<hbm>> -> memref<410000x128xf32, #tpu.memory_space<hbm>>
    %dma_start3A_843 = tpu.memref_slice %arg7[%dma_start3A_832] : memref<2x!tpu.dma_semaphore, #tpu.memory_space<semaphore_mem>> -> memref<1x!tpu.dma_semaphore, #tpu.memory_space<semaphore_mem>>
    %dma_start3A_844 = tpu.memref_squeeze %dma_start3A_843 : memref<1x!tpu.dma_semaphore, #tpu.memory_space<semaphore_mem>> -> memref<!tpu.dma_semaphore, #tpu.memory_space<semaphore_mem>>
    tpu.enqueue_indirect_dma source(%dma_start3A_842 : memref<410000x128xf32, #tpu.memory_space<hbm>>) target(%dma_start3A_836 : memref<128x128xf32, #tpu.memory_space<vmem>>) offsets(%dma_start3A_839 : memref<128xi32, #tpu.memory_space<vmem>>) semaphore(%dma_start3A_844 : memref<!tpu.dma_semaphore, #tpu.memory_space<semaphore_mem>>)
    %dma_start3A_845 = arith.constant 0 : i32
    %dma_start3A_846 = arith.constant 0 : i32
    %dma_start3A_847 = arith.constant 0 : i32
    %dma_start3A_848 = arith.constant 384 : i32
    %dma_start3A_849 = arith.constant 0 : i32
    %dma_start3A_850 = tpu.memref_slice %arg6[%dma_start3A_846, %dma_start3A_848, %dma_start3A_849] : memref<2x400x128xf32, #tpu.memory_space<vmem>> -> memref<1x16x128xf32, #tpu.memory_space<vmem>>
    %dma_start3A_851 = tpu.memref_squeeze %dma_start3A_850 : memref<1x16x128xf32, #tpu.memory_space<vmem>> -> memref<16x128xf32, #tpu.memory_space<vmem>>
    %dma_start3A_852 = arith.constant 384 : i32
    %dma_start3A_853 = tpu.memref_slice %arg5[%dma_start3A_845, %dma_start3A_852] : memref<2x400xi32, #tpu.memory_space<vmem>> -> memref<1x16xi32, #tpu.memory_space<vmem>>
    %dma_start3A_854 = tpu.memref_squeeze %dma_start3A_853 : memref<1x16xi32, #tpu.memory_space<vmem>> -> memref<16xi32, #tpu.memory_space<vmem>>
    %dma_start3A_855 = arith.constant 0 : i32
    %dma_start3A_856 = arith.constant 0 : i32
    %dma_start3A_857 = tpu.memref_slice %arg2[%dma_start3A_855, %dma_start3A_856] : memref<410000x128xf32, #tpu.memory_space<hbm>> -> memref<410000x128xf32, #tpu.memory_space<hbm>>
    %dma_start3A_858 = tpu.memref_slice %arg7[%dma_start3A_847] : memref<2x!tpu.dma_semaphore, #tpu.memory_space<semaphore_mem>> -> memref<1x!tpu.dma_semaphore, #tpu.memory_space<semaphore_mem>>
    %dma_start3A_859 = tpu.memref_squeeze %dma_start3A_858 : memref<1x!tpu.dma_semaphore, #tpu.memory_space<semaphore_mem>> -> memref<!tpu.dma_semaphore, #tpu.memory_space<semaphore_mem>>
    tpu.enqueue_indirect_dma source(%dma_start3A_857 : memref<410000x128xf32, #tpu.memory_space<hbm>>) target(%dma_start3A_851 : memref<16x128xf32, #tpu.memory_space<vmem>>) offsets(%dma_start3A_854 : memref<16xi32, #tpu.memory_space<vmem>>) semaphore(%dma_start3A_859 : memref<!tpu.dma_semaphore, #tpu.memory_space<semaphore_mem>>)
    %dma_wait3A_860 = arith.constant 1 : i32
    %dma_wait3A_861 = arith.constant 1 : i32
    %dma_wait3A_862 = arith.constant 1 : i32
    %dma_wait3A_863 = arith.constant 0 : i32
    %dma_wait3A_864 = arith.constant 0 : i32
    %dma_wait3A_865 = tpu.memref_slice %arg6[%dma_wait3A_861, %dma_wait3A_863, %dma_wait3A_864] : memref<2x400x128xf32, #tpu.memory_space<vmem>> -> memref<1x128x128xf32, #tpu.memory_space<vmem>>
    %dma_wait3A_866 = tpu.memref_squeeze %dma_wait3A_865 : memref<1x128x128xf32, #tpu.memory_space<vmem>> -> memref<128x128xf32, #tpu.memory_space<vmem>>
    %dma_wait3A_867 = arith.constant 0 : i32
    %dma_wait3A_868 = tpu.memref_slice %arg5[%dma_wait3A_860, %dma_wait3A_867] : memref<2x400xi32, #tpu.memory_space<vmem>> -> memref<1x128xi32, #tpu.memory_space<vmem>>
    %dma_wait3A_869 = tpu.memref_squeeze %dma_wait3A_868 : memref<1x128xi32, #tpu.memory_space<vmem>> -> memref<128xi32, #tpu.memory_space<vmem>>
    %dma_wait3A_870 = arith.constant 0 : i32
    %dma_wait3A_871 = arith.constant 0 : i32
    %dma_wait3A_872 = tpu.memref_slice %arg2[%dma_wait3A_870, %dma_wait3A_871] : memref<410000x128xf32, #tpu.memory_space<hbm>> -> memref<410000x128xf32, #tpu.memory_space<hbm>>
    %dma_wait3A_873 = tpu.memref_slice %arg7[%dma_wait3A_862] : memref<2x!tpu.dma_semaphore, #tpu.memory_space<semaphore_mem>> -> memref<1x!tpu.dma_semaphore, #tpu.memory_space<semaphore_mem>>
    %dma_wait3A_874 = tpu.memref_squeeze %dma_wait3A_873 : memref<1x!tpu.dma_semaphore, #tpu.memory_space<semaphore_mem>> -> memref<!tpu.dma_semaphore, #tpu.memory_space<semaphore_mem>>
    tpu.wait_indirect_dma semaphore(%dma_wait3A_874 : memref<!tpu.dma_semaphore, #tpu.memory_space<semaphore_mem>>) src(%dma_wait3A_872 : memref<410000x128xf32, #tpu.memory_space<hbm>>) dst(%dma_wait3A_866 : memref<128x128xf32, #tpu.memory_space<vmem>>)
    %dma_wait3A_875 = arith.constant 1 : i32
    %dma_wait3A_876 = arith.constant 1 : i32
    %dma_wait3A_877 = arith.constant 1 : i32
    %dma_wait3A_878 = arith.constant 128 : i32
    %dma_wait3A_879 = arith.constant 0 : i32
    %dma_wait3A_880 = tpu.memref_slice %arg6[%dma_wait3A_876, %dma_wait3A_878, %dma_wait3A_879] : memref<2x400x128xf32, #tpu.memory_space<vmem>> -> memref<1x128x128xf32, #tpu.memory_space<vmem>>
    %dma_wait3A_881 = tpu.memref_squeeze %dma_wait3A_880 : memref<1x128x128xf32, #tpu.memory_space<vmem>> -> memref<128x128xf32, #tpu.memory_space<vmem>>
    %dma_wait3A_882 = arith.constant 128 : i32
    %dma_wait3A_883 = tpu.memref_slice %arg5[%dma_wait3A_875, %dma_wait3A_882] : memref<2x400xi32, #tpu.memory_space<vmem>> -> memref<1x128xi32, #tpu.memory_space<vmem>>
    %dma_wait3A_884 = tpu.memref_squeeze %dma_wait3A_883 : memref<1x128xi32, #tpu.memory_space<vmem>> -> memref<128xi32, #tpu.memory_space<vmem>>
    %dma_wait3A_885 = arith.constant 0 : i32
    %dma_wait3A_886 = arith.constant 0 : i32
    %dma_wait3A_887 = tpu.memref_slice %arg2[%dma_wait3A_885, %dma_wait3A_886] : memref<410000x128xf32, #tpu.memory_space<hbm>> -> memref<410000x128xf32, #tpu.memory_space<hbm>>
    %dma_wait3A_888 = tpu.memref_slice %arg7[%dma_wait3A_877] : memref<2x!tpu.dma_semaphore, #tpu.memory_space<semaphore_mem>> -> memref<1x!tpu.dma_semaphore, #tpu.memory_space<semaphore_mem>>
    %dma_wait3A_889 = tpu.memref_squeeze %dma_wait3A_888 : memref<1x!tpu.dma_semaphore, #tpu.memory_space<semaphore_mem>> -> memref<!tpu.dma_semaphore, #tpu.memory_space<semaphore_mem>>
    tpu.wait_indirect_dma semaphore(%dma_wait3A_889 : memref<!tpu.dma_semaphore, #tpu.memory_space<semaphore_mem>>) src(%dma_wait3A_887 : memref<410000x128xf32, #tpu.memory_space<hbm>>) dst(%dma_wait3A_881 : memref<128x128xf32, #tpu.memory_space<vmem>>)
    %dma_wait3A_890 = arith.constant 1 : i32
    %dma_wait3A_891 = arith.constant 1 : i32
    %dma_wait3A_892 = arith.constant 1 : i32
    %dma_wait3A_893 = arith.constant 256 : i32
    %dma_wait3A_894 = arith.constant 0 : i32
    %dma_wait3A_895 = tpu.memref_slice %arg6[%dma_wait3A_891, %dma_wait3A_893, %dma_wait3A_894] : memref<2x400x128xf32, #tpu.memory_space<vmem>> -> memref<1x128x128xf32, #tpu.memory_space<vmem>>
    %dma_wait3A_896 = tpu.memref_squeeze %dma_wait3A_895 : memref<1x128x128xf32, #tpu.memory_space<vmem>> -> memref<128x128xf32, #tpu.memory_space<vmem>>
    %dma_wait3A_897 = arith.constant 256 : i32
    %dma_wait3A_898 = tpu.memref_slice %arg5[%dma_wait3A_890, %dma_wait3A_897] : memref<2x400xi32, #tpu.memory_space<vmem>> -> memref<1x128xi32, #tpu.memory_space<vmem>>
    %dma_wait3A_899 = tpu.memref_squeeze %dma_wait3A_898 : memref<1x128xi32, #tpu.memory_space<vmem>> -> memref<128xi32, #tpu.memory_space<vmem>>
    %dma_wait3A_900 = arith.constant 0 : i32
    %dma_wait3A_901 = arith.constant 0 : i32
    %dma_wait3A_902 = tpu.memref_slice %arg2[%dma_wait3A_900, %dma_wait3A_901] : memref<410000x128xf32, #tpu.memory_space<hbm>> -> memref<410000x128xf32, #tpu.memory_space<hbm>>
    %dma_wait3A_903 = tpu.memref_slice %arg7[%dma_wait3A_892] : memref<2x!tpu.dma_semaphore, #tpu.memory_space<semaphore_mem>> -> memref<1x!tpu.dma_semaphore, #tpu.memory_space<semaphore_mem>>
    %dma_wait3A_904 = tpu.memref_squeeze %dma_wait3A_903 : memref<1x!tpu.dma_semaphore, #tpu.memory_space<semaphore_mem>> -> memref<!tpu.dma_semaphore, #tpu.memory_space<semaphore_mem>>
    tpu.wait_indirect_dma semaphore(%dma_wait3A_904 : memref<!tpu.dma_semaphore, #tpu.memory_space<semaphore_mem>>) src(%dma_wait3A_902 : memref<410000x128xf32, #tpu.memory_space<hbm>>) dst(%dma_wait3A_896 : memref<128x128xf32, #tpu.memory_space<vmem>>)
    %dma_wait3A_905 = arith.constant 1 : i32
    %dma_wait3A_906 = arith.constant 1 : i32
    %dma_wait3A_907 = arith.constant 1 : i32
    %dma_wait3A_908 = arith.constant 384 : i32
    %dma_wait3A_909 = arith.constant 0 : i32
    %dma_wait3A_910 = tpu.memref_slice %arg6[%dma_wait3A_906, %dma_wait3A_908, %dma_wait3A_909] : memref<2x400x128xf32, #tpu.memory_space<vmem>> -> memref<1x16x128xf32, #tpu.memory_space<vmem>>
    %dma_wait3A_911 = tpu.memref_squeeze %dma_wait3A_910 : memref<1x16x128xf32, #tpu.memory_space<vmem>> -> memref<16x128xf32, #tpu.memory_space<vmem>>
    %dma_wait3A_912 = arith.constant 384 : i32
    %dma_wait3A_913 = tpu.memref_slice %arg5[%dma_wait3A_905, %dma_wait3A_912] : memref<2x400xi32, #tpu.memory_space<vmem>> -> memref<1x16xi32, #tpu.memory_space<vmem>>
    %dma_wait3A_914 = tpu.memref_squeeze %dma_wait3A_913 : memref<1x16xi32, #tpu.memory_space<vmem>> -> memref<16xi32, #tpu.memory_space<vmem>>
    %dma_wait3A_915 = arith.constant 0 : i32
    %dma_wait3A_916 = arith.constant 0 : i32
    %dma_wait3A_917 = tpu.memref_slice %arg2[%dma_wait3A_915, %dma_wait3A_916] : memref<410000x128xf32, #tpu.memory_space<hbm>> -> memref<410000x128xf32, #tpu.memory_space<hbm>>
    %dma_wait3A_918 = tpu.memref_slice %arg7[%dma_wait3A_907] : memref<2x!tpu.dma_semaphore, #tpu.memory_space<semaphore_mem>> -> memref<1x!tpu.dma_semaphore, #tpu.memory_space<semaphore_mem>>
    %dma_wait3A_919 = tpu.memref_squeeze %dma_wait3A_918 : memref<1x!tpu.dma_semaphore, #tpu.memory_space<semaphore_mem>> -> memref<!tpu.dma_semaphore, #tpu.memory_space<semaphore_mem>>
    tpu.wait_indirect_dma semaphore(%dma_wait3A_919 : memref<!tpu.dma_semaphore, #tpu.memory_space<semaphore_mem>>) src(%dma_wait3A_917 : memref<410000x128xf32, #tpu.memory_space<hbm>>) dst(%dma_wait3A_911 : memref<16x128xf32, #tpu.memory_space<vmem>>)
    %mul3A_920 = arith.constant 4 : i32
    %mul3A_921 = arith.muli %add3A, %mul3A_920 : i32
    %add3A_922 = arith.constant 2 : i32
    %add3A_923 = arith.addi %mul3A_921, %add3A_922 : i32
    %mul3A_924 = arith.constant 8 : i32
    %mul3A_925 = arith.muli %add3A_923, %mul3A_924 : i32
    %lt3A_926 = arith.constant 1000 : i32
    %lt3A_927 = arith.cmpi slt, %mul3A_925, %lt3A_926 : i32
    %convert_element_type3A_928 = arith.extui %lt3A_927 : i1 to i32
    %cond3A_929 = arith.constant 0 : i32
    %cond3A_930 = arith.cmpi ne, %convert_element_type3A_928, %cond3A_929 : i32
    scf.if %cond3A_930 {
      %mul3A_1171 = arith.constant 4 : i32
      %mul3A_1172 = arith.muli %add3A, %mul3A_1171 : i32
      %add3A_1173 = arith.constant 2 : i32
      %add3A_1174 = arith.addi %mul3A_1172, %add3A_1173 : i32
      %mul3A_1175 = arith.constant 16 : i32
      %mul3A_1176 = arith.muli %add3A_1174, %mul3A_1175 : i32
      %add3A_1177 = arith.constant 50000 : i32
      %add3A_1178 = arith.addi %add3A_1177, %mul3A_1176 : i32
      %scan3A = arith.constant 0 : i32
      %scan3A_1179 = arith.constant 0 : i32
      %scan3A_1180 = arith.constant 48 : i32
      %scan3A_1181 = arith.addi %scan3A_1179, %scan3A_1180 : i32
      %scan3A_1182 = arith.constant 1 : i32
      scf.for %scan3A_1184 = %scan3A_1179 to %scan3A_1181 step %scan3A_1182  : i32 {
        %shift_right_arithmetic3A = arith.constant 1 : i32
        %shift_right_arithmetic3A_1185 = arith.shrsi %scan3A_1184, %shift_right_arithmetic3A : i32
        %mul3A_1186 = arith.constant 2000 : i32
        %mul3A_1187 = arith.muli %shift_right_arithmetic3A_1185, %mul3A_1186 : i32
        %add3A_1188 = arith.addi %add3A_1178, %mul3A_1187 : i32
        %and3A = arith.constant 1 : i32
        %and3A_1189 = arith.andi %scan3A_1184, %and3A : i32
        %mul3A_1190 = arith.constant 8 : i32
        %mul3A_1191 = arith.muli %and3A_1189, %mul3A_1190 : i32
        %add3A_1192 = arith.addi %add3A_1188, %mul3A_1191 : i32
        %mul3A_1193 = arith.constant 8 : i32
        %mul3A_1194 = arith.muli %scan3A_1184, %mul3A_1193 : i32
        %dma_start3A_1195 = arith.constant 1 : i32
        %dma_start3A_1196 = arith.constant 1 : i32
        %dma_start3A_1197 = arith.constant 0 : i32
        %dma_start3A_1198 = tpu.memref_slice %arg6[%dma_start3A_1195, %mul3A_1194, %dma_start3A_1197] : memref<2x400x128xf32, #tpu.memory_space<vmem>> -> memref<1x8x128xf32, #tpu.memory_space<vmem>>
        %dma_start3A_1199 = tpu.memref_squeeze %dma_start3A_1198 : memref<1x8x128xf32, #tpu.memory_space<vmem>> -> memref<8x128xf32, #tpu.memory_space<vmem>>
        %dma_start3A_1200 = arith.constant 0 : i32
        %dma_start3A_1201 = tpu.memref_slice %arg4[%add3A_1192, %dma_start3A_1200] : memref<98000x128xf32, #tpu.memory_space<hbm>> -> memref<8x128xf32, #tpu.memory_space<hbm>>
        %dma_start3A_1202 = tpu.memref_slice %arg8[%dma_start3A_1196] : memref<2x!tpu.dma_semaphore, #tpu.memory_space<semaphore_mem>> -> memref<1x!tpu.dma_semaphore, #tpu.memory_space<semaphore_mem>>
        %dma_start3A_1203 = tpu.memref_squeeze %dma_start3A_1202 : memref<1x!tpu.dma_semaphore, #tpu.memory_space<semaphore_mem>> -> memref<!tpu.dma_semaphore, #tpu.memory_space<semaphore_mem>>
        %dma_start3A_1204 = arith.constant 0 : i32
        %dma_start3A_1205 = tpu.memref_slice %arg4[%add3A_1192, %dma_start3A_1204] : memref<98000x128xf32, #tpu.memory_space<hbm>> -> memref<8x128xf32, #tpu.memory_space<hbm>>
        %dma_start3A_1206 = arith.constant 0 : i32
        %dma_start3A_1207 = tpu.memref_slice %arg6[%dma_start3A_1195, %mul3A_1194, %dma_start3A_1206] : memref<2x400x128xf32, #tpu.memory_space<vmem>> -> memref<1x8x128xf32, #tpu.memory_space<vmem>>
        %dma_start3A_1208 = tpu.memref_squeeze %dma_start3A_1207 : memref<1x8x128xf32, #tpu.memory_space<vmem>> -> memref<8x128xf32, #tpu.memory_space<vmem>>
        tpu.enqueue_dma source(%dma_start3A_1208 : memref<8x128xf32, #tpu.memory_space<vmem>>) target(%dma_start3A_1205 : memref<8x128xf32, #tpu.memory_space<hbm>>) target_semaphore(%dma_start3A_1203 : memref<!tpu.dma_semaphore, #tpu.memory_space<semaphore_mem>>)
      }
      %scan3A_1183 = arith.constant 48 : i32
    } else {
    }
    %mul3A_931 = arith.constant 4 : i32
    %mul3A_932 = arith.muli %add3A, %mul3A_931 : i32
    %add3A_933 = arith.constant 2 : i32
    %add3A_934 = arith.addi %mul3A_932, %add3A_933 : i32
    %mul3A_935 = arith.constant 8 : i32
    %mul3A_936 = arith.muli %add3A_934, %mul3A_935 : i32
    %lt3A_937 = arith.constant 1000 : i32
    %lt3A_938 = arith.cmpi slt, %mul3A_936, %lt3A_937 : i32
    %convert_element_type3A_939 = arith.extui %lt3A_938 : i1 to i32
    %cond3A_940 = arith.constant 0 : i32
    %cond3A_941 = arith.cmpi ne, %convert_element_type3A_939, %cond3A_940 : i32
    scf.if %cond3A_941 {
      %scan3A = arith.constant 0 : i32
      %scan3A_1171 = arith.constant 0 : i32
      %scan3A_1172 = arith.constant 48 : i32
      %scan3A_1173 = arith.addi %scan3A_1171, %scan3A_1172 : i32
      %scan3A_1174 = arith.constant 1 : i32
      scf.for %scan3A_1176 = %scan3A_1171 to %scan3A_1173 step %scan3A_1174  : i32 {
        %dma_wait3A_1177 = arith.constant 1 : i32
        %dma_wait3A_1178 = arith.constant 1 : i32
        %dma_wait3A_1179 = arith.constant 0 : i32
        %dma_wait3A_1180 = arith.constant 0 : i32
        %dma_wait3A_1181 = tpu.memref_slice %arg6[%dma_wait3A_1177, %dma_wait3A_1179, %dma_wait3A_1180] : memref<2x400x128xf32, #tpu.memory_space<vmem>> -> memref<1x8x128xf32, #tpu.memory_space<vmem>>
        %dma_wait3A_1182 = tpu.memref_squeeze %dma_wait3A_1181 : memref<1x8x128xf32, #tpu.memory_space<vmem>> -> memref<8x128xf32, #tpu.memory_space<vmem>>
        %dma_wait3A_1183 = arith.constant 0 : i32
        %dma_wait3A_1184 = arith.constant 0 : i32
        %dma_wait3A_1185 = tpu.memref_slice %arg4[%dma_wait3A_1183, %dma_wait3A_1184] : memref<98000x128xf32, #tpu.memory_space<hbm>> -> memref<8x128xf32, #tpu.memory_space<hbm>>
        %dma_wait3A_1186 = tpu.memref_slice %arg8[%dma_wait3A_1178] : memref<2x!tpu.dma_semaphore, #tpu.memory_space<semaphore_mem>> -> memref<1x!tpu.dma_semaphore, #tpu.memory_space<semaphore_mem>>
        %dma_wait3A_1187 = tpu.memref_squeeze %dma_wait3A_1186 : memref<1x!tpu.dma_semaphore, #tpu.memory_space<semaphore_mem>> -> memref<!tpu.dma_semaphore, #tpu.memory_space<semaphore_mem>>
        %dma_wait3A_1188 = arith.constant 0 : i32
        %dma_wait3A_1189 = arith.constant 0 : i32
        %dma_wait3A_1190 = tpu.memref_slice %arg4[%dma_wait3A_1188, %dma_wait3A_1189] : memref<98000x128xf32, #tpu.memory_space<hbm>> -> memref<8x128xf32, #tpu.memory_space<hbm>>
        %dma_wait3A_1191 = arith.constant 0 : i32
        %dma_wait3A_1192 = arith.constant 0 : i32
        %dma_wait3A_1193 = tpu.memref_slice %arg6[%dma_wait3A_1177, %dma_wait3A_1191, %dma_wait3A_1192] : memref<2x400x128xf32, #tpu.memory_space<vmem>> -> memref<1x8x128xf32, #tpu.memory_space<vmem>>
        %dma_wait3A_1194 = tpu.memref_squeeze %dma_wait3A_1193 : memref<1x8x128xf32, #tpu.memory_space<vmem>> -> memref<8x128xf32, #tpu.memory_space<vmem>>
        tpu.wait_dma2 semaphore(%dma_wait3A_1187 : memref<!tpu.dma_semaphore, #tpu.memory_space<semaphore_mem>>) src(%dma_wait3A_1194 : memref<8x128xf32, #tpu.memory_space<vmem>>) dst(%dma_wait3A_1190 : memref<8x128xf32, #tpu.memory_space<hbm>>)
      }
      %scan3A_1175 = arith.constant 48 : i32
    } else {
    }
    %mul3A_942 = arith.constant 8 : i32
    %mul3A_943 = arith.muli %add3A, %mul3A_942 : i32
    %add3A_944 = arith.constant 7 : i32
    %add3A_945 = arith.addi %mul3A_943, %add3A_944 : i32
    %run_scoped3A_946 = arith.constant 1 : i32
    "tpu.region"() ({
      %run_scoped3A_1171 = tpu.sem_alloc : memref<!tpu.dma_semaphore, #tpu.memory_space<semaphore_mem>>
      %dma_start3A_1172 = arith.constant 0 : i32
      %dma_start3A_1173 = tpu.memref_slice %arg5[%run_scoped3A_946, %dma_start3A_1172] : memref<2x400xi32, #tpu.memory_space<vmem>> -> memref<1x400xi32, #tpu.memory_space<vmem>>
      %dma_start3A_1174 = tpu.memref_squeeze %dma_start3A_1173 : memref<1x400xi32, #tpu.memory_space<vmem>> -> memref<400xi32, #tpu.memory_space<vmem>>
      %dma_start3A_1175 = arith.constant 0 : i32
      %dma_start3A_1176 = tpu.memref_slice %arg3[%add3A_945, %dma_start3A_1175] : memref<256x400xi32, #tpu.memory_space<hbm>> -> memref<1x400xi32, #tpu.memory_space<hbm>>
      %dma_start3A_1177 = tpu.memref_squeeze %dma_start3A_1176 : memref<1x400xi32, #tpu.memory_space<hbm>> -> memref<400xi32, #tpu.memory_space<hbm>>
      %dma_start3A_1178 = arith.constant 0 : i32
      %dma_start3A_1179 = tpu.memref_slice %arg5[%run_scoped3A_946, %dma_start3A_1178] : memref<2x400xi32, #tpu.memory_space<vmem>> -> memref<1x400xi32, #tpu.memory_space<vmem>>
      %dma_start3A_1180 = tpu.memref_squeeze %dma_start3A_1179 : memref<1x400xi32, #tpu.memory_space<vmem>> -> memref<400xi32, #tpu.memory_space<vmem>>
      %dma_start3A_1181 = arith.constant 0 : i32
      %dma_start3A_1182 = tpu.memref_slice %arg3[%add3A_945, %dma_start3A_1181] : memref<256x400xi32, #tpu.memory_space<hbm>> -> memref<1x400xi32, #tpu.memory_space<hbm>>
      %dma_start3A_1183 = tpu.memref_squeeze %dma_start3A_1182 : memref<1x400xi32, #tpu.memory_space<hbm>> -> memref<400xi32, #tpu.memory_space<hbm>>
      tpu.enqueue_dma source(%dma_start3A_1183 : memref<400xi32, #tpu.memory_space<hbm>>) target(%dma_start3A_1180 : memref<400xi32, #tpu.memory_space<vmem>>) target_semaphore(%run_scoped3A_1171 : memref<!tpu.dma_semaphore, #tpu.memory_space<semaphore_mem>>)
      %dma_wait3A_1184 = arith.constant 0 : i32
      %dma_wait3A_1185 = tpu.memref_slice %arg5[%run_scoped3A_946, %dma_wait3A_1184] : memref<2x400xi32, #tpu.memory_space<vmem>> -> memref<1x400xi32, #tpu.memory_space<vmem>>
      %dma_wait3A_1186 = tpu.memref_squeeze %dma_wait3A_1185 : memref<1x400xi32, #tpu.memory_space<vmem>> -> memref<400xi32, #tpu.memory_space<vmem>>
      %dma_wait3A_1187 = arith.constant 0 : i32
      %dma_wait3A_1188 = tpu.memref_slice %arg3[%add3A_945, %dma_wait3A_1187] : memref<256x400xi32, #tpu.memory_space<hbm>> -> memref<1x400xi32, #tpu.memory_space<hbm>>
      %dma_wait3A_1189 = tpu.memref_squeeze %dma_wait3A_1188 : memref<1x400xi32, #tpu.memory_space<hbm>> -> memref<400xi32, #tpu.memory_space<hbm>>
      %dma_wait3A_1190 = arith.constant 0 : i32
      %dma_wait3A_1191 = tpu.memref_slice %arg5[%run_scoped3A_946, %dma_wait3A_1190] : memref<2x400xi32, #tpu.memory_space<vmem>> -> memref<1x400xi32, #tpu.memory_space<vmem>>
      %dma_wait3A_1192 = tpu.memref_squeeze %dma_wait3A_1191 : memref<1x400xi32, #tpu.memory_space<vmem>> -> memref<400xi32, #tpu.memory_space<vmem>>
      %dma_wait3A_1193 = arith.constant 0 : i32
      %dma_wait3A_1194 = tpu.memref_slice %arg3[%add3A_945, %dma_wait3A_1193] : memref<256x400xi32, #tpu.memory_space<hbm>> -> memref<1x400xi32, #tpu.memory_space<hbm>>
      %dma_wait3A_1195 = tpu.memref_squeeze %dma_wait3A_1194 : memref<1x400xi32, #tpu.memory_space<hbm>> -> memref<400xi32, #tpu.memory_space<hbm>>
      tpu.wait_dma2 semaphore(%run_scoped3A_1171 : memref<!tpu.dma_semaphore, #tpu.memory_space<semaphore_mem>>) src(%dma_wait3A_1195 : memref<400xi32, #tpu.memory_space<hbm>>) dst(%dma_wait3A_1192 : memref<400xi32, #tpu.memory_space<vmem>>)
      tpu.yield
    }) : () -> ()
    %dma_start3A_947 = arith.constant 1 : i32
    %dma_start3A_948 = arith.constant 1 : i32
    %dma_start3A_949 = arith.constant 1 : i32
    %dma_start3A_950 = arith.constant 0 : i32
    %dma_start3A_951 = arith.constant 0 : i32
    %dma_start3A_952 = tpu.memref_slice %arg6[%dma_start3A_948, %dma_start3A_950, %dma_start3A_951] : memref<2x400x128xf32, #tpu.memory_space<vmem>> -> memref<1x128x128xf32, #tpu.memory_space<vmem>>
    %dma_start3A_953 = tpu.memref_squeeze %dma_start3A_952 : memref<1x128x128xf32, #tpu.memory_space<vmem>> -> memref<128x128xf32, #tpu.memory_space<vmem>>
    %dma_start3A_954 = arith.constant 0 : i32
    %dma_start3A_955 = tpu.memref_slice %arg5[%dma_start3A_947, %dma_start3A_954] : memref<2x400xi32, #tpu.memory_space<vmem>> -> memref<1x128xi32, #tpu.memory_space<vmem>>
    %dma_start3A_956 = tpu.memref_squeeze %dma_start3A_955 : memref<1x128xi32, #tpu.memory_space<vmem>> -> memref<128xi32, #tpu.memory_space<vmem>>
    %dma_start3A_957 = arith.constant 0 : i32
    %dma_start3A_958 = arith.constant 0 : i32
    %dma_start3A_959 = tpu.memref_slice %arg2[%dma_start3A_957, %dma_start3A_958] : memref<410000x128xf32, #tpu.memory_space<hbm>> -> memref<410000x128xf32, #tpu.memory_space<hbm>>
    %dma_start3A_960 = tpu.memref_slice %arg7[%dma_start3A_949] : memref<2x!tpu.dma_semaphore, #tpu.memory_space<semaphore_mem>> -> memref<1x!tpu.dma_semaphore, #tpu.memory_space<semaphore_mem>>
    %dma_start3A_961 = tpu.memref_squeeze %dma_start3A_960 : memref<1x!tpu.dma_semaphore, #tpu.memory_space<semaphore_mem>> -> memref<!tpu.dma_semaphore, #tpu.memory_space<semaphore_mem>>
    tpu.enqueue_indirect_dma source(%dma_start3A_959 : memref<410000x128xf32, #tpu.memory_space<hbm>>) target(%dma_start3A_953 : memref<128x128xf32, #tpu.memory_space<vmem>>) offsets(%dma_start3A_956 : memref<128xi32, #tpu.memory_space<vmem>>) semaphore(%dma_start3A_961 : memref<!tpu.dma_semaphore, #tpu.memory_space<semaphore_mem>>)
    %dma_start3A_962 = arith.constant 1 : i32
    %dma_start3A_963 = arith.constant 1 : i32
    %dma_start3A_964 = arith.constant 1 : i32
    %dma_start3A_965 = arith.constant 128 : i32
    %dma_start3A_966 = arith.constant 0 : i32
    %dma_start3A_967 = tpu.memref_slice %arg6[%dma_start3A_963, %dma_start3A_965, %dma_start3A_966] : memref<2x400x128xf32, #tpu.memory_space<vmem>> -> memref<1x128x128xf32, #tpu.memory_space<vmem>>
    %dma_start3A_968 = tpu.memref_squeeze %dma_start3A_967 : memref<1x128x128xf32, #tpu.memory_space<vmem>> -> memref<128x128xf32, #tpu.memory_space<vmem>>
    %dma_start3A_969 = arith.constant 128 : i32
    %dma_start3A_970 = tpu.memref_slice %arg5[%dma_start3A_962, %dma_start3A_969] : memref<2x400xi32, #tpu.memory_space<vmem>> -> memref<1x128xi32, #tpu.memory_space<vmem>>
    %dma_start3A_971 = tpu.memref_squeeze %dma_start3A_970 : memref<1x128xi32, #tpu.memory_space<vmem>> -> memref<128xi32, #tpu.memory_space<vmem>>
    %dma_start3A_972 = arith.constant 0 : i32
    %dma_start3A_973 = arith.constant 0 : i32
    %dma_start3A_974 = tpu.memref_slice %arg2[%dma_start3A_972, %dma_start3A_973] : memref<410000x128xf32, #tpu.memory_space<hbm>> -> memref<410000x128xf32, #tpu.memory_space<hbm>>
    %dma_start3A_975 = tpu.memref_slice %arg7[%dma_start3A_964] : memref<2x!tpu.dma_semaphore, #tpu.memory_space<semaphore_mem>> -> memref<1x!tpu.dma_semaphore, #tpu.memory_space<semaphore_mem>>
    %dma_start3A_976 = tpu.memref_squeeze %dma_start3A_975 : memref<1x!tpu.dma_semaphore, #tpu.memory_space<semaphore_mem>> -> memref<!tpu.dma_semaphore, #tpu.memory_space<semaphore_mem>>
    tpu.enqueue_indirect_dma source(%dma_start3A_974 : memref<410000x128xf32, #tpu.memory_space<hbm>>) target(%dma_start3A_968 : memref<128x128xf32, #tpu.memory_space<vmem>>) offsets(%dma_start3A_971 : memref<128xi32, #tpu.memory_space<vmem>>) semaphore(%dma_start3A_976 : memref<!tpu.dma_semaphore, #tpu.memory_space<semaphore_mem>>)
    %dma_start3A_977 = arith.constant 1 : i32
    %dma_start3A_978 = arith.constant 1 : i32
    %dma_start3A_979 = arith.constant 1 : i32
    %dma_start3A_980 = arith.constant 256 : i32
    %dma_start3A_981 = arith.constant 0 : i32
    %dma_start3A_982 = tpu.memref_slice %arg6[%dma_start3A_978, %dma_start3A_980, %dma_start3A_981] : memref<2x400x128xf32, #tpu.memory_space<vmem>> -> memref<1x128x128xf32, #tpu.memory_space<vmem>>
    %dma_start3A_983 = tpu.memref_squeeze %dma_start3A_982 : memref<1x128x128xf32, #tpu.memory_space<vmem>> -> memref<128x128xf32, #tpu.memory_space<vmem>>
    %dma_start3A_984 = arith.constant 256 : i32
    %dma_start3A_985 = tpu.memref_slice %arg5[%dma_start3A_977, %dma_start3A_984] : memref<2x400xi32, #tpu.memory_space<vmem>> -> memref<1x128xi32, #tpu.memory_space<vmem>>
    %dma_start3A_986 = tpu.memref_squeeze %dma_start3A_985 : memref<1x128xi32, #tpu.memory_space<vmem>> -> memref<128xi32, #tpu.memory_space<vmem>>
    %dma_start3A_987 = arith.constant 0 : i32
    %dma_start3A_988 = arith.constant 0 : i32
    %dma_start3A_989 = tpu.memref_slice %arg2[%dma_start3A_987, %dma_start3A_988] : memref<410000x128xf32, #tpu.memory_space<hbm>> -> memref<410000x128xf32, #tpu.memory_space<hbm>>
    %dma_start3A_990 = tpu.memref_slice %arg7[%dma_start3A_979] : memref<2x!tpu.dma_semaphore, #tpu.memory_space<semaphore_mem>> -> memref<1x!tpu.dma_semaphore, #tpu.memory_space<semaphore_mem>>
    %dma_start3A_991 = tpu.memref_squeeze %dma_start3A_990 : memref<1x!tpu.dma_semaphore, #tpu.memory_space<semaphore_mem>> -> memref<!tpu.dma_semaphore, #tpu.memory_space<semaphore_mem>>
    tpu.enqueue_indirect_dma source(%dma_start3A_989 : memref<410000x128xf32, #tpu.memory_space<hbm>>) target(%dma_start3A_983 : memref<128x128xf32, #tpu.memory_space<vmem>>) offsets(%dma_start3A_986 : memref<128xi32, #tpu.memory_space<vmem>>) semaphore(%dma_start3A_991 : memref<!tpu.dma_semaphore, #tpu.memory_space<semaphore_mem>>)
    %dma_start3A_992 = arith.constant 1 : i32
    %dma_start3A_993 = arith.constant 1 : i32
    %dma_start3A_994 = arith.constant 1 : i32
    %dma_start3A_995 = arith.constant 384 : i32
    %dma_start3A_996 = arith.constant 0 : i32
    %dma_start3A_997 = tpu.memref_slice %arg6[%dma_start3A_993, %dma_start3A_995, %dma_start3A_996] : memref<2x400x128xf32, #tpu.memory_space<vmem>> -> memref<1x16x128xf32, #tpu.memory_space<vmem>>
    %dma_start3A_998 = tpu.memref_squeeze %dma_start3A_997 : memref<1x16x128xf32, #tpu.memory_space<vmem>> -> memref<16x128xf32, #tpu.memory_space<vmem>>
    %dma_start3A_999 = arith.constant 384 : i32
    %dma_start3A_1000 = tpu.memref_slice %arg5[%dma_start3A_992, %dma_start3A_999] : memref<2x400xi32, #tpu.memory_space<vmem>> -> memref<1x16xi32, #tpu.memory_space<vmem>>
    %dma_start3A_1001 = tpu.memref_squeeze %dma_start3A_1000 : memref<1x16xi32, #tpu.memory_space<vmem>> -> memref<16xi32, #tpu.memory_space<vmem>>
    %dma_start3A_1002 = arith.constant 0 : i32
    %dma_start3A_1003 = arith.constant 0 : i32
    %dma_start3A_1004 = tpu.memref_slice %arg2[%dma_start3A_1002, %dma_start3A_1003] : memref<410000x128xf32, #tpu.memory_space<hbm>> -> memref<410000x128xf32, #tpu.memory_space<hbm>>
    %dma_start3A_1005 = tpu.memref_slice %arg7[%dma_start3A_994] : memref<2x!tpu.dma_semaphore, #tpu.memory_space<semaphore_mem>> -> memref<1x!tpu.dma_semaphore, #tpu.memory_space<semaphore_mem>>
    %dma_start3A_1006 = tpu.memref_squeeze %dma_start3A_1005 : memref<1x!tpu.dma_semaphore, #tpu.memory_space<semaphore_mem>> -> memref<!tpu.dma_semaphore, #tpu.memory_space<semaphore_mem>>
    tpu.enqueue_indirect_dma source(%dma_start3A_1004 : memref<410000x128xf32, #tpu.memory_space<hbm>>) target(%dma_start3A_998 : memref<16x128xf32, #tpu.memory_space<vmem>>) offsets(%dma_start3A_1001 : memref<16xi32, #tpu.memory_space<vmem>>) semaphore(%dma_start3A_1006 : memref<!tpu.dma_semaphore, #tpu.memory_space<semaphore_mem>>)
    %dma_wait3A_1007 = arith.constant 0 : i32
    %dma_wait3A_1008 = arith.constant 0 : i32
    %dma_wait3A_1009 = arith.constant 0 : i32
    %dma_wait3A_1010 = arith.constant 0 : i32
    %dma_wait3A_1011 = arith.constant 0 : i32
    %dma_wait3A_1012 = tpu.memref_slice %arg6[%dma_wait3A_1008, %dma_wait3A_1010, %dma_wait3A_1011] : memref<2x400x128xf32, #tpu.memory_space<vmem>> -> memref<1x128x128xf32, #tpu.memory_space<vmem>>
    %dma_wait3A_1013 = tpu.memref_squeeze %dma_wait3A_1012 : memref<1x128x128xf32, #tpu.memory_space<vmem>> -> memref<128x128xf32, #tpu.memory_space<vmem>>
    %dma_wait3A_1014 = arith.constant 0 : i32
    %dma_wait3A_1015 = tpu.memref_slice %arg5[%dma_wait3A_1007, %dma_wait3A_1014] : memref<2x400xi32, #tpu.memory_space<vmem>> -> memref<1x128xi32, #tpu.memory_space<vmem>>
    %dma_wait3A_1016 = tpu.memref_squeeze %dma_wait3A_1015 : memref<1x128xi32, #tpu.memory_space<vmem>> -> memref<128xi32, #tpu.memory_space<vmem>>
    %dma_wait3A_1017 = arith.constant 0 : i32
    %dma_wait3A_1018 = arith.constant 0 : i32
    %dma_wait3A_1019 = tpu.memref_slice %arg2[%dma_wait3A_1017, %dma_wait3A_1018] : memref<410000x128xf32, #tpu.memory_space<hbm>> -> memref<410000x128xf32, #tpu.memory_space<hbm>>
    %dma_wait3A_1020 = tpu.memref_slice %arg7[%dma_wait3A_1009] : memref<2x!tpu.dma_semaphore, #tpu.memory_space<semaphore_mem>> -> memref<1x!tpu.dma_semaphore, #tpu.memory_space<semaphore_mem>>
    %dma_wait3A_1021 = tpu.memref_squeeze %dma_wait3A_1020 : memref<1x!tpu.dma_semaphore, #tpu.memory_space<semaphore_mem>> -> memref<!tpu.dma_semaphore, #tpu.memory_space<semaphore_mem>>
    tpu.wait_indirect_dma semaphore(%dma_wait3A_1021 : memref<!tpu.dma_semaphore, #tpu.memory_space<semaphore_mem>>) src(%dma_wait3A_1019 : memref<410000x128xf32, #tpu.memory_space<hbm>>) dst(%dma_wait3A_1013 : memref<128x128xf32, #tpu.memory_space<vmem>>)
    %dma_wait3A_1022 = arith.constant 0 : i32
    %dma_wait3A_1023 = arith.constant 0 : i32
    %dma_wait3A_1024 = arith.constant 0 : i32
    %dma_wait3A_1025 = arith.constant 128 : i32
    %dma_wait3A_1026 = arith.constant 0 : i32
    %dma_wait3A_1027 = tpu.memref_slice %arg6[%dma_wait3A_1023, %dma_wait3A_1025, %dma_wait3A_1026] : memref<2x400x128xf32, #tpu.memory_space<vmem>> -> memref<1x128x128xf32, #tpu.memory_space<vmem>>
    %dma_wait3A_1028 = tpu.memref_squeeze %dma_wait3A_1027 : memref<1x128x128xf32, #tpu.memory_space<vmem>> -> memref<128x128xf32, #tpu.memory_space<vmem>>
    %dma_wait3A_1029 = arith.constant 128 : i32
    %dma_wait3A_1030 = tpu.memref_slice %arg5[%dma_wait3A_1022, %dma_wait3A_1029] : memref<2x400xi32, #tpu.memory_space<vmem>> -> memref<1x128xi32, #tpu.memory_space<vmem>>
    %dma_wait3A_1031 = tpu.memref_squeeze %dma_wait3A_1030 : memref<1x128xi32, #tpu.memory_space<vmem>> -> memref<128xi32, #tpu.memory_space<vmem>>
    %dma_wait3A_1032 = arith.constant 0 : i32
    %dma_wait3A_1033 = arith.constant 0 : i32
    %dma_wait3A_1034 = tpu.memref_slice %arg2[%dma_wait3A_1032, %dma_wait3A_1033] : memref<410000x128xf32, #tpu.memory_space<hbm>> -> memref<410000x128xf32, #tpu.memory_space<hbm>>
    %dma_wait3A_1035 = tpu.memref_slice %arg7[%dma_wait3A_1024] : memref<2x!tpu.dma_semaphore, #tpu.memory_space<semaphore_mem>> -> memref<1x!tpu.dma_semaphore, #tpu.memory_space<semaphore_mem>>
    %dma_wait3A_1036 = tpu.memref_squeeze %dma_wait3A_1035 : memref<1x!tpu.dma_semaphore, #tpu.memory_space<semaphore_mem>> -> memref<!tpu.dma_semaphore, #tpu.memory_space<semaphore_mem>>
    tpu.wait_indirect_dma semaphore(%dma_wait3A_1036 : memref<!tpu.dma_semaphore, #tpu.memory_space<semaphore_mem>>) src(%dma_wait3A_1034 : memref<410000x128xf32, #tpu.memory_space<hbm>>) dst(%dma_wait3A_1028 : memref<128x128xf32, #tpu.memory_space<vmem>>)
    %dma_wait3A_1037 = arith.constant 0 : i32
    %dma_wait3A_1038 = arith.constant 0 : i32
    %dma_wait3A_1039 = arith.constant 0 : i32
    %dma_wait3A_1040 = arith.constant 256 : i32
    %dma_wait3A_1041 = arith.constant 0 : i32
    %dma_wait3A_1042 = tpu.memref_slice %arg6[%dma_wait3A_1038, %dma_wait3A_1040, %dma_wait3A_1041] : memref<2x400x128xf32, #tpu.memory_space<vmem>> -> memref<1x128x128xf32, #tpu.memory_space<vmem>>
    %dma_wait3A_1043 = tpu.memref_squeeze %dma_wait3A_1042 : memref<1x128x128xf32, #tpu.memory_space<vmem>> -> memref<128x128xf32, #tpu.memory_space<vmem>>
    %dma_wait3A_1044 = arith.constant 256 : i32
    %dma_wait3A_1045 = tpu.memref_slice %arg5[%dma_wait3A_1037, %dma_wait3A_1044] : memref<2x400xi32, #tpu.memory_space<vmem>> -> memref<1x128xi32, #tpu.memory_space<vmem>>
    %dma_wait3A_1046 = tpu.memref_squeeze %dma_wait3A_1045 : memref<1x128xi32, #tpu.memory_space<vmem>> -> memref<128xi32, #tpu.memory_space<vmem>>
    %dma_wait3A_1047 = arith.constant 0 : i32
    %dma_wait3A_1048 = arith.constant 0 : i32
    %dma_wait3A_1049 = tpu.memref_slice %arg2[%dma_wait3A_1047, %dma_wait3A_1048] : memref<410000x128xf32, #tpu.memory_space<hbm>> -> memref<410000x128xf32, #tpu.memory_space<hbm>>
    %dma_wait3A_1050 = tpu.memref_slice %arg7[%dma_wait3A_1039] : memref<2x!tpu.dma_semaphore, #tpu.memory_space<semaphore_mem>> -> memref<1x!tpu.dma_semaphore, #tpu.memory_space<semaphore_mem>>
    %dma_wait3A_1051 = tpu.memref_squeeze %dma_wait3A_1050 : memref<1x!tpu.dma_semaphore, #tpu.memory_space<semaphore_mem>> -> memref<!tpu.dma_semaphore, #tpu.memory_space<semaphore_mem>>
    tpu.wait_indirect_dma semaphore(%dma_wait3A_1051 : memref<!tpu.dma_semaphore, #tpu.memory_space<semaphore_mem>>) src(%dma_wait3A_1049 : memref<410000x128xf32, #tpu.memory_space<hbm>>) dst(%dma_wait3A_1043 : memref<128x128xf32, #tpu.memory_space<vmem>>)
    %dma_wait3A_1052 = arith.constant 0 : i32
    %dma_wait3A_1053 = arith.constant 0 : i32
    %dma_wait3A_1054 = arith.constant 0 : i32
    %dma_wait3A_1055 = arith.constant 384 : i32
    %dma_wait3A_1056 = arith.constant 0 : i32
    %dma_wait3A_1057 = tpu.memref_slice %arg6[%dma_wait3A_1053, %dma_wait3A_1055, %dma_wait3A_1056] : memref<2x400x128xf32, #tpu.memory_space<vmem>> -> memref<1x16x128xf32, #tpu.memory_space<vmem>>
    %dma_wait3A_1058 = tpu.memref_squeeze %dma_wait3A_1057 : memref<1x16x128xf32, #tpu.memory_space<vmem>> -> memref<16x128xf32, #tpu.memory_space<vmem>>
    %dma_wait3A_1059 = arith.constant 384 : i32
    %dma_wait3A_1060 = tpu.memref_slice %arg5[%dma_wait3A_1052, %dma_wait3A_1059] : memref<2x400xi32, #tpu.memory_space<vmem>> -> memref<1x16xi32, #tpu.memory_space<vmem>>
    %dma_wait3A_1061 = tpu.memref_squeeze %dma_wait3A_1060 : memref<1x16xi32, #tpu.memory_space<vmem>> -> memref<16xi32, #tpu.memory_space<vmem>>
    %dma_wait3A_1062 = arith.constant 0 : i32
    %dma_wait3A_1063 = arith.constant 0 : i32
    %dma_wait3A_1064 = tpu.memref_slice %arg2[%dma_wait3A_1062, %dma_wait3A_1063] : memref<410000x128xf32, #tpu.memory_space<hbm>> -> memref<410000x128xf32, #tpu.memory_space<hbm>>
    %dma_wait3A_1065 = tpu.memref_slice %arg7[%dma_wait3A_1054] : memref<2x!tpu.dma_semaphore, #tpu.memory_space<semaphore_mem>> -> memref<1x!tpu.dma_semaphore, #tpu.memory_space<semaphore_mem>>
    %dma_wait3A_1066 = tpu.memref_squeeze %dma_wait3A_1065 : memref<1x!tpu.dma_semaphore, #tpu.memory_space<semaphore_mem>> -> memref<!tpu.dma_semaphore, #tpu.memory_space<semaphore_mem>>
    tpu.wait_indirect_dma semaphore(%dma_wait3A_1066 : memref<!tpu.dma_semaphore, #tpu.memory_space<semaphore_mem>>) src(%dma_wait3A_1064 : memref<410000x128xf32, #tpu.memory_space<hbm>>) dst(%dma_wait3A_1058 : memref<16x128xf32, #tpu.memory_space<vmem>>)
    %mul3A_1067 = arith.constant 4 : i32
    %mul3A_1068 = arith.muli %add3A, %mul3A_1067 : i32
    %add3A_1069 = arith.constant 3 : i32
    %add3A_1070 = arith.addi %mul3A_1068, %add3A_1069 : i32
    %mul3A_1071 = arith.constant 8 : i32
    %mul3A_1072 = arith.muli %add3A_1070, %mul3A_1071 : i32
    %lt3A_1073 = arith.constant 1000 : i32
    %lt3A_1074 = arith.cmpi slt, %mul3A_1072, %lt3A_1073 : i32
    %convert_element_type3A_1075 = arith.extui %lt3A_1074 : i1 to i32
    %cond3A_1076 = arith.constant 0 : i32
    %cond3A_1077 = arith.cmpi ne, %convert_element_type3A_1075, %cond3A_1076 : i32
    scf.if %cond3A_1077 {
      %mul3A_1171 = arith.constant 4 : i32
      %mul3A_1172 = arith.muli %add3A, %mul3A_1171 : i32
      %add3A_1173 = arith.constant 3 : i32
      %add3A_1174 = arith.addi %mul3A_1172, %add3A_1173 : i32
      %mul3A_1175 = arith.constant 16 : i32
      %mul3A_1176 = arith.muli %add3A_1174, %mul3A_1175 : i32
      %add3A_1177 = arith.constant 0 : i32
      %add3A_1178 = arith.addi %add3A_1177, %mul3A_1176 : i32
      %scan3A = arith.constant 0 : i32
      %scan3A_1179 = arith.constant 0 : i32
      %scan3A_1180 = arith.constant 50 : i32
      %scan3A_1181 = arith.addi %scan3A_1179, %scan3A_1180 : i32
      %scan3A_1182 = arith.constant 1 : i32
      scf.for %scan3A_1184 = %scan3A_1179 to %scan3A_1181 step %scan3A_1182  : i32 {
        %shift_right_arithmetic3A = arith.constant 1 : i32
        %shift_right_arithmetic3A_1185 = arith.shrsi %scan3A_1184, %shift_right_arithmetic3A : i32
        %mul3A_1186 = arith.constant 2000 : i32
        %mul3A_1187 = arith.muli %shift_right_arithmetic3A_1185, %mul3A_1186 : i32
        %add3A_1188 = arith.addi %add3A_1178, %mul3A_1187 : i32
        %and3A = arith.constant 1 : i32
        %and3A_1189 = arith.andi %scan3A_1184, %and3A : i32
        %mul3A_1190 = arith.constant 8 : i32
        %mul3A_1191 = arith.muli %and3A_1189, %mul3A_1190 : i32
        %add3A_1192 = arith.addi %add3A_1188, %mul3A_1191 : i32
        %mul3A_1193 = arith.constant 8 : i32
        %mul3A_1194 = arith.muli %scan3A_1184, %mul3A_1193 : i32
        %dma_start3A_1195 = arith.constant 0 : i32
        %dma_start3A_1196 = arith.constant 0 : i32
        %dma_start3A_1197 = arith.constant 0 : i32
        %dma_start3A_1198 = tpu.memref_slice %arg6[%dma_start3A_1195, %mul3A_1194, %dma_start3A_1197] : memref<2x400x128xf32, #tpu.memory_space<vmem>> -> memref<1x8x128xf32, #tpu.memory_space<vmem>>
        %dma_start3A_1199 = tpu.memref_squeeze %dma_start3A_1198 : memref<1x8x128xf32, #tpu.memory_space<vmem>> -> memref<8x128xf32, #tpu.memory_space<vmem>>
        %dma_start3A_1200 = arith.constant 0 : i32
        %dma_start3A_1201 = tpu.memref_slice %arg4[%add3A_1192, %dma_start3A_1200] : memref<98000x128xf32, #tpu.memory_space<hbm>> -> memref<8x128xf32, #tpu.memory_space<hbm>>
        %dma_start3A_1202 = tpu.memref_slice %arg8[%dma_start3A_1196] : memref<2x!tpu.dma_semaphore, #tpu.memory_space<semaphore_mem>> -> memref<1x!tpu.dma_semaphore, #tpu.memory_space<semaphore_mem>>
        %dma_start3A_1203 = tpu.memref_squeeze %dma_start3A_1202 : memref<1x!tpu.dma_semaphore, #tpu.memory_space<semaphore_mem>> -> memref<!tpu.dma_semaphore, #tpu.memory_space<semaphore_mem>>
        %dma_start3A_1204 = arith.constant 0 : i32
        %dma_start3A_1205 = tpu.memref_slice %arg4[%add3A_1192, %dma_start3A_1204] : memref<98000x128xf32, #tpu.memory_space<hbm>> -> memref<8x128xf32, #tpu.memory_space<hbm>>
        %dma_start3A_1206 = arith.constant 0 : i32
        %dma_start3A_1207 = tpu.memref_slice %arg6[%dma_start3A_1195, %mul3A_1194, %dma_start3A_1206] : memref<2x400x128xf32, #tpu.memory_space<vmem>> -> memref<1x8x128xf32, #tpu.memory_space<vmem>>
        %dma_start3A_1208 = tpu.memref_squeeze %dma_start3A_1207 : memref<1x8x128xf32, #tpu.memory_space<vmem>> -> memref<8x128xf32, #tpu.memory_space<vmem>>
        tpu.enqueue_dma source(%dma_start3A_1208 : memref<8x128xf32, #tpu.memory_space<vmem>>) target(%dma_start3A_1205 : memref<8x128xf32, #tpu.memory_space<hbm>>) target_semaphore(%dma_start3A_1203 : memref<!tpu.dma_semaphore, #tpu.memory_space<semaphore_mem>>)
      }
      %scan3A_1183 = arith.constant 50 : i32
    } else {
    }
    %dma_wait3A_1078 = arith.constant 1 : i32
    %dma_wait3A_1079 = arith.constant 1 : i32
    %dma_wait3A_1080 = arith.constant 1 : i32
    %dma_wait3A_1081 = arith.constant 0 : i32
    %dma_wait3A_1082 = arith.constant 0 : i32
    %dma_wait3A_1083 = tpu.memref_slice %arg6[%dma_wait3A_1079, %dma_wait3A_1081, %dma_wait3A_1082] : memref<2x400x128xf32, #tpu.memory_space<vmem>> -> memref<1x128x128xf32, #tpu.memory_space<vmem>>
    %dma_wait3A_1084 = tpu.memref_squeeze %dma_wait3A_1083 : memref<1x128x128xf32, #tpu.memory_space<vmem>> -> memref<128x128xf32, #tpu.memory_space<vmem>>
    %dma_wait3A_1085 = arith.constant 0 : i32
    %dma_wait3A_1086 = tpu.memref_slice %arg5[%dma_wait3A_1078, %dma_wait3A_1085] : memref<2x400xi32, #tpu.memory_space<vmem>> -> memref<1x128xi32, #tpu.memory_space<vmem>>
    %dma_wait3A_1087 = tpu.memref_squeeze %dma_wait3A_1086 : memref<1x128xi32, #tpu.memory_space<vmem>> -> memref<128xi32, #tpu.memory_space<vmem>>
    %dma_wait3A_1088 = arith.constant 0 : i32
    %dma_wait3A_1089 = arith.constant 0 : i32
    %dma_wait3A_1090 = tpu.memref_slice %arg2[%dma_wait3A_1088, %dma_wait3A_1089] : memref<410000x128xf32, #tpu.memory_space<hbm>> -> memref<410000x128xf32, #tpu.memory_space<hbm>>
    %dma_wait3A_1091 = tpu.memref_slice %arg7[%dma_wait3A_1080] : memref<2x!tpu.dma_semaphore, #tpu.memory_space<semaphore_mem>> -> memref<1x!tpu.dma_semaphore, #tpu.memory_space<semaphore_mem>>
    %dma_wait3A_1092 = tpu.memref_squeeze %dma_wait3A_1091 : memref<1x!tpu.dma_semaphore, #tpu.memory_space<semaphore_mem>> -> memref<!tpu.dma_semaphore, #tpu.memory_space<semaphore_mem>>
    tpu.wait_indirect_dma semaphore(%dma_wait3A_1092 : memref<!tpu.dma_semaphore, #tpu.memory_space<semaphore_mem>>) src(%dma_wait3A_1090 : memref<410000x128xf32, #tpu.memory_space<hbm>>) dst(%dma_wait3A_1084 : memref<128x128xf32, #tpu.memory_space<vmem>>)
    %dma_wait3A_1093 = arith.constant 1 : i32
    %dma_wait3A_1094 = arith.constant 1 : i32
    %dma_wait3A_1095 = arith.constant 1 : i32
    %dma_wait3A_1096 = arith.constant 128 : i32
    %dma_wait3A_1097 = arith.constant 0 : i32
    %dma_wait3A_1098 = tpu.memref_slice %arg6[%dma_wait3A_1094, %dma_wait3A_1096, %dma_wait3A_1097] : memref<2x400x128xf32, #tpu.memory_space<vmem>> -> memref<1x128x128xf32, #tpu.memory_space<vmem>>
    %dma_wait3A_1099 = tpu.memref_squeeze %dma_wait3A_1098 : memref<1x128x128xf32, #tpu.memory_space<vmem>> -> memref<128x128xf32, #tpu.memory_space<vmem>>
    %dma_wait3A_1100 = arith.constant 128 : i32
    %dma_wait3A_1101 = tpu.memref_slice %arg5[%dma_wait3A_1093, %dma_wait3A_1100] : memref<2x400xi32, #tpu.memory_space<vmem>> -> memref<1x128xi32, #tpu.memory_space<vmem>>
    %dma_wait3A_1102 = tpu.memref_squeeze %dma_wait3A_1101 : memref<1x128xi32, #tpu.memory_space<vmem>> -> memref<128xi32, #tpu.memory_space<vmem>>
    %dma_wait3A_1103 = arith.constant 0 : i32
    %dma_wait3A_1104 = arith.constant 0 : i32
    %dma_wait3A_1105 = tpu.memref_slice %arg2[%dma_wait3A_1103, %dma_wait3A_1104] : memref<410000x128xf32, #tpu.memory_space<hbm>> -> memref<410000x128xf32, #tpu.memory_space<hbm>>
    %dma_wait3A_1106 = tpu.memref_slice %arg7[%dma_wait3A_1095] : memref<2x!tpu.dma_semaphore, #tpu.memory_space<semaphore_mem>> -> memref<1x!tpu.dma_semaphore, #tpu.memory_space<semaphore_mem>>
    %dma_wait3A_1107 = tpu.memref_squeeze %dma_wait3A_1106 : memref<1x!tpu.dma_semaphore, #tpu.memory_space<semaphore_mem>> -> memref<!tpu.dma_semaphore, #tpu.memory_space<semaphore_mem>>
    tpu.wait_indirect_dma semaphore(%dma_wait3A_1107 : memref<!tpu.dma_semaphore, #tpu.memory_space<semaphore_mem>>) src(%dma_wait3A_1105 : memref<410000x128xf32, #tpu.memory_space<hbm>>) dst(%dma_wait3A_1099 : memref<128x128xf32, #tpu.memory_space<vmem>>)
    %dma_wait3A_1108 = arith.constant 1 : i32
    %dma_wait3A_1109 = arith.constant 1 : i32
    %dma_wait3A_1110 = arith.constant 1 : i32
    %dma_wait3A_1111 = arith.constant 256 : i32
    %dma_wait3A_1112 = arith.constant 0 : i32
    %dma_wait3A_1113 = tpu.memref_slice %arg6[%dma_wait3A_1109, %dma_wait3A_1111, %dma_wait3A_1112] : memref<2x400x128xf32, #tpu.memory_space<vmem>> -> memref<1x128x128xf32, #tpu.memory_space<vmem>>
    %dma_wait3A_1114 = tpu.memref_squeeze %dma_wait3A_1113 : memref<1x128x128xf32, #tpu.memory_space<vmem>> -> memref<128x128xf32, #tpu.memory_space<vmem>>
    %dma_wait3A_1115 = arith.constant 256 : i32
    %dma_wait3A_1116 = tpu.memref_slice %arg5[%dma_wait3A_1108, %dma_wait3A_1115] : memref<2x400xi32, #tpu.memory_space<vmem>> -> memref<1x128xi32, #tpu.memory_space<vmem>>
    %dma_wait3A_1117 = tpu.memref_squeeze %dma_wait3A_1116 : memref<1x128xi32, #tpu.memory_space<vmem>> -> memref<128xi32, #tpu.memory_space<vmem>>
    %dma_wait3A_1118 = arith.constant 0 : i32
    %dma_wait3A_1119 = arith.constant 0 : i32
    %dma_wait3A_1120 = tpu.memref_slice %arg2[%dma_wait3A_1118, %dma_wait3A_1119] : memref<410000x128xf32, #tpu.memory_space<hbm>> -> memref<410000x128xf32, #tpu.memory_space<hbm>>
    %dma_wait3A_1121 = tpu.memref_slice %arg7[%dma_wait3A_1110] : memref<2x!tpu.dma_semaphore, #tpu.memory_space<semaphore_mem>> -> memref<1x!tpu.dma_semaphore, #tpu.memory_space<semaphore_mem>>
    %dma_wait3A_1122 = tpu.memref_squeeze %dma_wait3A_1121 : memref<1x!tpu.dma_semaphore, #tpu.memory_space<semaphore_mem>> -> memref<!tpu.dma_semaphore, #tpu.memory_space<semaphore_mem>>
    tpu.wait_indirect_dma semaphore(%dma_wait3A_1122 : memref<!tpu.dma_semaphore, #tpu.memory_space<semaphore_mem>>) src(%dma_wait3A_1120 : memref<410000x128xf32, #tpu.memory_space<hbm>>) dst(%dma_wait3A_1114 : memref<128x128xf32, #tpu.memory_space<vmem>>)
    %dma_wait3A_1123 = arith.constant 1 : i32
    %dma_wait3A_1124 = arith.constant 1 : i32
    %dma_wait3A_1125 = arith.constant 1 : i32
    %dma_wait3A_1126 = arith.constant 384 : i32
    %dma_wait3A_1127 = arith.constant 0 : i32
    %dma_wait3A_1128 = tpu.memref_slice %arg6[%dma_wait3A_1124, %dma_wait3A_1126, %dma_wait3A_1127] : memref<2x400x128xf32, #tpu.memory_space<vmem>> -> memref<1x16x128xf32, #tpu.memory_space<vmem>>
    %dma_wait3A_1129 = tpu.memref_squeeze %dma_wait3A_1128 : memref<1x16x128xf32, #tpu.memory_space<vmem>> -> memref<16x128xf32, #tpu.memory_space<vmem>>
    %dma_wait3A_1130 = arith.constant 384 : i32
    %dma_wait3A_1131 = tpu.memref_slice %arg5[%dma_wait3A_1123, %dma_wait3A_1130] : memref<2x400xi32, #tpu.memory_space<vmem>> -> memref<1x16xi32, #tpu.memory_space<vmem>>
    %dma_wait3A_1132 = tpu.memref_squeeze %dma_wait3A_1131 : memref<1x16xi32, #tpu.memory_space<vmem>> -> memref<16xi32, #tpu.memory_space<vmem>>
    %dma_wait3A_1133 = arith.constant 0 : i32
    %dma_wait3A_1134 = arith.constant 0 : i32
    %dma_wait3A_1135 = tpu.memref_slice %arg2[%dma_wait3A_1133, %dma_wait3A_1134] : memref<410000x128xf32, #tpu.memory_space<hbm>> -> memref<410000x128xf32, #tpu.memory_space<hbm>>
    %dma_wait3A_1136 = tpu.memref_slice %arg7[%dma_wait3A_1125] : memref<2x!tpu.dma_semaphore, #tpu.memory_space<semaphore_mem>> -> memref<1x!tpu.dma_semaphore, #tpu.memory_space<semaphore_mem>>
    %dma_wait3A_1137 = tpu.memref_squeeze %dma_wait3A_1136 : memref<1x!tpu.dma_semaphore, #tpu.memory_space<semaphore_mem>> -> memref<!tpu.dma_semaphore, #tpu.memory_space<semaphore_mem>>
    tpu.wait_indirect_dma semaphore(%dma_wait3A_1137 : memref<!tpu.dma_semaphore, #tpu.memory_space<semaphore_mem>>) src(%dma_wait3A_1135 : memref<410000x128xf32, #tpu.memory_space<hbm>>) dst(%dma_wait3A_1129 : memref<16x128xf32, #tpu.memory_space<vmem>>)
    %mul3A_1138 = arith.constant 4 : i32
    %mul3A_1139 = arith.muli %add3A, %mul3A_1138 : i32
    %add3A_1140 = arith.constant 3 : i32
    %add3A_1141 = arith.addi %mul3A_1139, %add3A_1140 : i32
    %mul3A_1142 = arith.constant 8 : i32
    %mul3A_1143 = arith.muli %add3A_1141, %mul3A_1142 : i32
    %lt3A_1144 = arith.constant 1000 : i32
    %lt3A_1145 = arith.cmpi slt, %mul3A_1143, %lt3A_1144 : i32
    %convert_element_type3A_1146 = arith.extui %lt3A_1145 : i1 to i32
    %cond3A_1147 = arith.constant 0 : i32
    %cond3A_1148 = arith.cmpi ne, %convert_element_type3A_1146, %cond3A_1147 : i32
    scf.if %cond3A_1148 {
      %mul3A_1171 = arith.constant 4 : i32
      %mul3A_1172 = arith.muli %add3A, %mul3A_1171 : i32
      %add3A_1173 = arith.constant 3 : i32
      %add3A_1174 = arith.addi %mul3A_1172, %add3A_1173 : i32
      %mul3A_1175 = arith.constant 16 : i32
      %mul3A_1176 = arith.muli %add3A_1174, %mul3A_1175 : i32
      %add3A_1177 = arith.constant 50000 : i32
      %add3A_1178 = arith.addi %add3A_1177, %mul3A_1176 : i32
      %scan3A = arith.constant 0 : i32
      %scan3A_1179 = arith.constant 0 : i32
      %scan3A_1180 = arith.constant 48 : i32
      %scan3A_1181 = arith.addi %scan3A_1179, %scan3A_1180 : i32
      %scan3A_1182 = arith.constant 1 : i32
      scf.for %scan3A_1184 = %scan3A_1179 to %scan3A_1181 step %scan3A_1182  : i32 {
        %shift_right_arithmetic3A = arith.constant 1 : i32
        %shift_right_arithmetic3A_1185 = arith.shrsi %scan3A_1184, %shift_right_arithmetic3A : i32
        %mul3A_1186 = arith.constant 2000 : i32
        %mul3A_1187 = arith.muli %shift_right_arithmetic3A_1185, %mul3A_1186 : i32
        %add3A_1188 = arith.addi %add3A_1178, %mul3A_1187 : i32
        %and3A = arith.constant 1 : i32
        %and3A_1189 = arith.andi %scan3A_1184, %and3A : i32
        %mul3A_1190 = arith.constant 8 : i32
        %mul3A_1191 = arith.muli %and3A_1189, %mul3A_1190 : i32
        %add3A_1192 = arith.addi %add3A_1188, %mul3A_1191 : i32
        %mul3A_1193 = arith.constant 8 : i32
        %mul3A_1194 = arith.muli %scan3A_1184, %mul3A_1193 : i32
        %dma_start3A_1195 = arith.constant 1 : i32
        %dma_start3A_1196 = arith.constant 1 : i32
        %dma_start3A_1197 = arith.constant 0 : i32
        %dma_start3A_1198 = tpu.memref_slice %arg6[%dma_start3A_1195, %mul3A_1194, %dma_start3A_1197] : memref<2x400x128xf32, #tpu.memory_space<vmem>> -> memref<1x8x128xf32, #tpu.memory_space<vmem>>
        %dma_start3A_1199 = tpu.memref_squeeze %dma_start3A_1198 : memref<1x8x128xf32, #tpu.memory_space<vmem>> -> memref<8x128xf32, #tpu.memory_space<vmem>>
        %dma_start3A_1200 = arith.constant 0 : i32
        %dma_start3A_1201 = tpu.memref_slice %arg4[%add3A_1192, %dma_start3A_1200] : memref<98000x128xf32, #tpu.memory_space<hbm>> -> memref<8x128xf32, #tpu.memory_space<hbm>>
        %dma_start3A_1202 = tpu.memref_slice %arg8[%dma_start3A_1196] : memref<2x!tpu.dma_semaphore, #tpu.memory_space<semaphore_mem>> -> memref<1x!tpu.dma_semaphore, #tpu.memory_space<semaphore_mem>>
        %dma_start3A_1203 = tpu.memref_squeeze %dma_start3A_1202 : memref<1x!tpu.dma_semaphore, #tpu.memory_space<semaphore_mem>> -> memref<!tpu.dma_semaphore, #tpu.memory_space<semaphore_mem>>
        %dma_start3A_1204 = arith.constant 0 : i32
        %dma_start3A_1205 = tpu.memref_slice %arg4[%add3A_1192, %dma_start3A_1204] : memref<98000x128xf32, #tpu.memory_space<hbm>> -> memref<8x128xf32, #tpu.memory_space<hbm>>
        %dma_start3A_1206 = arith.constant 0 : i32
        %dma_start3A_1207 = tpu.memref_slice %arg6[%dma_start3A_1195, %mul3A_1194, %dma_start3A_1206] : memref<2x400x128xf32, #tpu.memory_space<vmem>> -> memref<1x8x128xf32, #tpu.memory_space<vmem>>
        %dma_start3A_1208 = tpu.memref_squeeze %dma_start3A_1207 : memref<1x8x128xf32, #tpu.memory_space<vmem>> -> memref<8x128xf32, #tpu.memory_space<vmem>>
        tpu.enqueue_dma source(%dma_start3A_1208 : memref<8x128xf32, #tpu.memory_space<vmem>>) target(%dma_start3A_1205 : memref<8x128xf32, #tpu.memory_space<hbm>>) target_semaphore(%dma_start3A_1203 : memref<!tpu.dma_semaphore, #tpu.memory_space<semaphore_mem>>)
      }
      %scan3A_1183 = arith.constant 48 : i32
    } else {
    }
    %mul3A_1149 = arith.constant 4 : i32
    %mul3A_1150 = arith.muli %add3A, %mul3A_1149 : i32
    %add3A_1151 = arith.constant 3 : i32
    %add3A_1152 = arith.addi %mul3A_1150, %add3A_1151 : i32
    %mul3A_1153 = arith.constant 8 : i32
    %mul3A_1154 = arith.muli %add3A_1152, %mul3A_1153 : i32
    %lt3A_1155 = arith.constant 1000 : i32
    %lt3A_1156 = arith.cmpi slt, %mul3A_1154, %lt3A_1155 : i32
    %convert_element_type3A_1157 = arith.extui %lt3A_1156 : i1 to i32
    %cond3A_1158 = arith.constant 0 : i32
    %cond3A_1159 = arith.cmpi ne, %convert_element_type3A_1157, %cond3A_1158 : i32
    scf.if %cond3A_1159 {
      %scan3A = arith.constant 0 : i32
      %scan3A_1171 = arith.constant 0 : i32
      %scan3A_1172 = arith.constant 50 : i32
      %scan3A_1173 = arith.addi %scan3A_1171, %scan3A_1172 : i32
      %scan3A_1174 = arith.constant 1 : i32
      scf.for %scan3A_1176 = %scan3A_1171 to %scan3A_1173 step %scan3A_1174  : i32 {
        %dma_wait3A_1177 = arith.constant 0 : i32
        %dma_wait3A_1178 = arith.constant 0 : i32
        %dma_wait3A_1179 = arith.constant 0 : i32
        %dma_wait3A_1180 = arith.constant 0 : i32
        %dma_wait3A_1181 = tpu.memref_slice %arg6[%dma_wait3A_1177, %dma_wait3A_1179, %dma_wait3A_1180] : memref<2x400x128xf32, #tpu.memory_space<vmem>> -> memref<1x8x128xf32, #tpu.memory_space<vmem>>
        %dma_wait3A_1182 = tpu.memref_squeeze %dma_wait3A_1181 : memref<1x8x128xf32, #tpu.memory_space<vmem>> -> memref<8x128xf32, #tpu.memory_space<vmem>>
        %dma_wait3A_1183 = arith.constant 0 : i32
        %dma_wait3A_1184 = arith.constant 0 : i32
        %dma_wait3A_1185 = tpu.memref_slice %arg4[%dma_wait3A_1183, %dma_wait3A_1184] : memref<98000x128xf32, #tpu.memory_space<hbm>> -> memref<8x128xf32, #tpu.memory_space<hbm>>
        %dma_wait3A_1186 = tpu.memref_slice %arg8[%dma_wait3A_1178] : memref<2x!tpu.dma_semaphore, #tpu.memory_space<semaphore_mem>> -> memref<1x!tpu.dma_semaphore, #tpu.memory_space<semaphore_mem>>
        %dma_wait3A_1187 = tpu.memref_squeeze %dma_wait3A_1186 : memref<1x!tpu.dma_semaphore, #tpu.memory_space<semaphore_mem>> -> memref<!tpu.dma_semaphore, #tpu.memory_space<semaphore_mem>>
        %dma_wait3A_1188 = arith.constant 0 : i32
        %dma_wait3A_1189 = arith.constant 0 : i32
        %dma_wait3A_1190 = tpu.memref_slice %arg4[%dma_wait3A_1188, %dma_wait3A_1189] : memref<98000x128xf32, #tpu.memory_space<hbm>> -> memref<8x128xf32, #tpu.memory_space<hbm>>
        %dma_wait3A_1191 = arith.constant 0 : i32
        %dma_wait3A_1192 = arith.constant 0 : i32
        %dma_wait3A_1193 = tpu.memref_slice %arg6[%dma_wait3A_1177, %dma_wait3A_1191, %dma_wait3A_1192] : memref<2x400x128xf32, #tpu.memory_space<vmem>> -> memref<1x8x128xf32, #tpu.memory_space<vmem>>
        %dma_wait3A_1194 = tpu.memref_squeeze %dma_wait3A_1193 : memref<1x8x128xf32, #tpu.memory_space<vmem>> -> memref<8x128xf32, #tpu.memory_space<vmem>>
        tpu.wait_dma2 semaphore(%dma_wait3A_1187 : memref<!tpu.dma_semaphore, #tpu.memory_space<semaphore_mem>>) src(%dma_wait3A_1194 : memref<8x128xf32, #tpu.memory_space<vmem>>) dst(%dma_wait3A_1190 : memref<8x128xf32, #tpu.memory_space<hbm>>)
      }
      %scan3A_1175 = arith.constant 50 : i32
    } else {
    }
    %mul3A_1160 = arith.constant 4 : i32
    %mul3A_1161 = arith.muli %add3A, %mul3A_1160 : i32
    %add3A_1162 = arith.constant 3 : i32
    %add3A_1163 = arith.addi %mul3A_1161, %add3A_1162 : i32
    %mul3A_1164 = arith.constant 8 : i32
    %mul3A_1165 = arith.muli %add3A_1163, %mul3A_1164 : i32
    %lt3A_1166 = arith.constant 1000 : i32
    %lt3A_1167 = arith.cmpi slt, %mul3A_1165, %lt3A_1166 : i32
    %convert_element_type3A_1168 = arith.extui %lt3A_1167 : i1 to i32
    %cond3A_1169 = arith.constant 0 : i32
    %cond3A_1170 = arith.cmpi ne, %convert_element_type3A_1168, %cond3A_1169 : i32
    scf.if %cond3A_1170 {
      %scan3A = arith.constant 0 : i32
      %scan3A_1171 = arith.constant 0 : i32
      %scan3A_1172 = arith.constant 48 : i32
      %scan3A_1173 = arith.addi %scan3A_1171, %scan3A_1172 : i32
      %scan3A_1174 = arith.constant 1 : i32
      scf.for %scan3A_1176 = %scan3A_1171 to %scan3A_1173 step %scan3A_1174  : i32 {
        %dma_wait3A_1177 = arith.constant 1 : i32
        %dma_wait3A_1178 = arith.constant 1 : i32
        %dma_wait3A_1179 = arith.constant 0 : i32
        %dma_wait3A_1180 = arith.constant 0 : i32
        %dma_wait3A_1181 = tpu.memref_slice %arg6[%dma_wait3A_1177, %dma_wait3A_1179, %dma_wait3A_1180] : memref<2x400x128xf32, #tpu.memory_space<vmem>> -> memref<1x8x128xf32, #tpu.memory_space<vmem>>
        %dma_wait3A_1182 = tpu.memref_squeeze %dma_wait3A_1181 : memref<1x8x128xf32, #tpu.memory_space<vmem>> -> memref<8x128xf32, #tpu.memory_space<vmem>>
        %dma_wait3A_1183 = arith.constant 0 : i32
        %dma_wait3A_1184 = arith.constant 0 : i32
        %dma_wait3A_1185 = tpu.memref_slice %arg4[%dma_wait3A_1183, %dma_wait3A_1184] : memref<98000x128xf32, #tpu.memory_space<hbm>> -> memref<8x128xf32, #tpu.memory_space<hbm>>
        %dma_wait3A_1186 = tpu.memref_slice %arg8[%dma_wait3A_1178] : memref<2x!tpu.dma_semaphore, #tpu.memory_space<semaphore_mem>> -> memref<1x!tpu.dma_semaphore, #tpu.memory_space<semaphore_mem>>
        %dma_wait3A_1187 = tpu.memref_squeeze %dma_wait3A_1186 : memref<1x!tpu.dma_semaphore, #tpu.memory_space<semaphore_mem>> -> memref<!tpu.dma_semaphore, #tpu.memory_space<semaphore_mem>>
        %dma_wait3A_1188 = arith.constant 0 : i32
        %dma_wait3A_1189 = arith.constant 0 : i32
        %dma_wait3A_1190 = tpu.memref_slice %arg4[%dma_wait3A_1188, %dma_wait3A_1189] : memref<98000x128xf32, #tpu.memory_space<hbm>> -> memref<8x128xf32, #tpu.memory_space<hbm>>
        %dma_wait3A_1191 = arith.constant 0 : i32
        %dma_wait3A_1192 = arith.constant 0 : i32
        %dma_wait3A_1193 = tpu.memref_slice %arg6[%dma_wait3A_1177, %dma_wait3A_1191, %dma_wait3A_1192] : memref<2x400x128xf32, #tpu.memory_space<vmem>> -> memref<1x8x128xf32, #tpu.memory_space<vmem>>
        %dma_wait3A_1194 = tpu.memref_squeeze %dma_wait3A_1193 : memref<1x8x128xf32, #tpu.memory_space<vmem>> -> memref<8x128xf32, #tpu.memory_space<vmem>>
        tpu.wait_dma2 semaphore(%dma_wait3A_1187 : memref<!tpu.dma_semaphore, #tpu.memory_space<semaphore_mem>>) src(%dma_wait3A_1194 : memref<8x128xf32, #tpu.memory_space<vmem>>) dst(%dma_wait3A_1190 : memref<8x128xf32, #tpu.memory_space<hbm>>)
      }
      %scan3A_1175 = arith.constant 48 : i32
    } else {
    }
    return
  }
}

module attributes {stable_mosaic.version = 14 : i64} {
  func.func @_idx_kernel(%arg0: memref<8x1000xf32, #tpu.memory_space<vmem>>, %arg1: memref<256x400xi32, #tpu.memory_space<vmem>>) attributes {dimension_semantics = [], scalar_prefetch = 0 : i64, scratch_operands = 0 : i64, tpu.core_type = #tpu.core_type<tc>} {
    %get3A = arith.constant 1 : index
    %get3A_0 = arith.constant 0 : index
    %get3A_1 = vector.load %arg0[%get3A, %get3A_0] : memref<8x1000xf32, #tpu.memory_space<vmem>>, vector<1x1000xf32>
    %get3A_2 = arith.constant 2 : index
    %get3A_3 = arith.constant 0 : index
    %get3A_4 = vector.load %arg0[%get3A_2, %get3A_3] : memref<8x1000xf32, #tpu.memory_space<vmem>>, vector<1x1000xf32>
    %get3A_5 = arith.constant 3 : index
    %get3A_6 = arith.constant 0 : index
    %get3A_7 = vector.load %arg0[%get3A_5, %get3A_6] : memref<8x1000xf32, #tpu.memory_space<vmem>>, vector<1x1000xf32>
    %get3A_8 = arith.constant 4 : index
    %get3A_9 = arith.constant 0 : index
    %get3A_10 = vector.load %arg0[%get3A_8, %get3A_9] : memref<8x1000xf32, #tpu.memory_space<vmem>>, vector<1x1000xf32>
    %mul3A = arith.constant 6.250000e-02 : f32
    %mul3A_11 = vector.broadcast %mul3A : f32 to vector<1x1000xf32>
    %mul3A_12 = arith.mulf %get3A_4, %mul3A_11 : vector<1x1000xf32>
    %round3A = math.roundeven %mul3A_12 : vector<1x1000xf32>
    %convert_element_type3A = arith.fptosi %round3A : vector<1x1000xf32> to vector<1x1000xi32>
    %mul3A_13 = arith.constant 6.250000e-02 : f32
    %mul3A_14 = vector.broadcast %mul3A_13 : f32 to vector<1x1000xf32>
    %mul3A_15 = arith.mulf %get3A_10, %mul3A_14 : vector<1x1000xf32>
    %round3A_16 = math.roundeven %mul3A_15 : vector<1x1000xf32>
    %convert_element_type3A_17 = arith.fptosi %round3A_16 : vector<1x1000xf32> to vector<1x1000xi32>
    %sub3A = arith.subi %convert_element_type3A_17, %convert_element_type3A : vector<1x1000xi32>
    %add3A = arith.constant 1 : i32
    %add3A_18 = vector.broadcast %add3A : i32 to vector<1x1000xi32>
    %add3A_19 = arith.addi %sub3A, %add3A_18 : vector<1x1000xi32>
    %max3A = arith.constant 1 : i32
    %max3A_20 = vector.broadcast %max3A : i32 to vector<1x1000xi32>
    %max3A_21 = arith.maxsi %add3A_19, %max3A_20 : vector<1x1000xi32>
    %convert_element_type3A_22 = arith.sitofp %max3A_21 : vector<1x1000xi32> to vector<1x1000xf32>
    %div3A = arith.constant 7.000000e+00 : f32
    %div3A_23 = vector.broadcast %div3A : f32 to vector<1x1000xf32>
    %div3A_24 = arith.divf %convert_element_type3A_22, %div3A_23 : vector<1x1000xf32>
    %iota3A = tpu.iota {dimensions = array<i32: 0>} : vector<7x1xi32>
    %convert_element_type3A_25 = arith.sitofp %iota3A : vector<7x1xi32> to vector<7x1xf32>
    %mul3A_26 = vector.broadcast %convert_element_type3A_25 : vector<7x1xf32> to vector<7x1000xf32>
    %mul3A_27 = vector.broadcast %div3A_24 : vector<1x1000xf32> to vector<7x1000xf32>
    %mul3A_28 = arith.mulf %mul3A_26, %mul3A_27 : vector<7x1000xf32>
    %floor3A = math.floor %mul3A_28 : vector<7x1000xf32>
    %convert_element_type3A_29 = arith.fptosi %floor3A : vector<7x1000xf32> to vector<7x1000xi32>
    %add3A_30 = vector.broadcast %convert_element_type3A : vector<1x1000xi32> to vector<7x1000xi32>
    %add3A_31 = arith.addi %convert_element_type3A_29, %add3A_30 : vector<7x1000xi32>
    %jit3A = arith.constant 0 : i32
    %jit3A_32 = arith.constant 50 : i32
    %max3A_33 = vector.broadcast %jit3A : i32 to vector<7x1000xi32>
    %max3A_34 = arith.maxsi %max3A_33, %add3A_31 : vector<7x1000xi32>
    %min3A = vector.broadcast %jit3A_32 : i32 to vector<7x1000xi32>
    %min3A_35 = arith.minsi %min3A, %max3A_34 : vector<7x1000xi32>
    %add3A_36 = arith.constant 1.000000e+00 : f32
    %add3A_37 = vector.broadcast %add3A_36 : f32 to vector<7x1xf32>
    %add3A_38 = arith.addf %convert_element_type3A_25, %add3A_37 : vector<7x1xf32>
    %mul3A_39 = vector.broadcast %add3A_38 : vector<7x1xf32> to vector<7x1000xf32>
    %mul3A_40 = vector.broadcast %div3A_24 : vector<1x1000xf32> to vector<7x1000xf32>
    %mul3A_41 = arith.mulf %mul3A_39, %mul3A_40 : vector<7x1000xf32>
    %ceil3A = math.ceil %mul3A_41 : vector<7x1000xf32>
    %convert_element_type3A_42 = arith.fptosi %ceil3A : vector<7x1000xf32> to vector<7x1000xi32>
    %add3A_43 = vector.broadcast %convert_element_type3A : vector<1x1000xi32> to vector<7x1000xi32>
    %add3A_44 = arith.addi %convert_element_type3A_42, %add3A_43 : vector<7x1000xi32>
    %jit3A_45 = arith.constant 0 : i32
    %jit3A_46 = arith.constant 50 : i32
    %max3A_47 = vector.broadcast %jit3A_45 : i32 to vector<7x1000xi32>
    %max3A_48 = arith.maxsi %max3A_47, %add3A_44 : vector<7x1000xi32>
    %min3A_49 = vector.broadcast %jit3A_46 : i32 to vector<7x1000xi32>
    %min3A_50 = arith.minsi %min3A_49, %max3A_48 : vector<7x1000xi32>
    %sub3A_51 = arith.subi %min3A_50, %min3A_35 : vector<7x1000xi32>
    %mul3A_52 = arith.constant 6.250000e-02 : f32
    %mul3A_53 = vector.broadcast %mul3A_52 : f32 to vector<1x1000xf32>
    %mul3A_54 = arith.mulf %get3A_1, %mul3A_53 : vector<1x1000xf32>
    %round3A_55 = math.roundeven %mul3A_54 : vector<1x1000xf32>
    %convert_element_type3A_56 = arith.fptosi %round3A_55 : vector<1x1000xf32> to vector<1x1000xi32>
    %mul3A_57 = arith.constant 6.250000e-02 : f32
    %mul3A_58 = vector.broadcast %mul3A_57 : f32 to vector<1x1000xf32>
    %mul3A_59 = arith.mulf %get3A_7, %mul3A_58 : vector<1x1000xf32>
    %round3A_60 = math.roundeven %mul3A_59 : vector<1x1000xf32>
    %convert_element_type3A_61 = arith.fptosi %round3A_60 : vector<1x1000xf32> to vector<1x1000xi32>
    %sub3A_62 = arith.subi %convert_element_type3A_61, %convert_element_type3A_56 : vector<1x1000xi32>
    %add3A_63 = arith.constant 1 : i32
    %add3A_64 = vector.broadcast %add3A_63 : i32 to vector<1x1000xi32>
    %add3A_65 = arith.addi %sub3A_62, %add3A_64 : vector<1x1000xi32>
    %max3A_66 = arith.constant 1 : i32
    %max3A_67 = vector.broadcast %max3A_66 : i32 to vector<1x1000xi32>
    %max3A_68 = arith.maxsi %add3A_65, %max3A_67 : vector<1x1000xi32>
    %convert_element_type3A_69 = arith.sitofp %max3A_68 : vector<1x1000xi32> to vector<1x1000xf32>
    %div3A_70 = arith.constant 7.000000e+00 : f32
    %div3A_71 = vector.broadcast %div3A_70 : f32 to vector<1x1000xf32>
    %div3A_72 = arith.divf %convert_element_type3A_69, %div3A_71 : vector<1x1000xf32>
    %iota3A_73 = tpu.iota {dimensions = array<i32: 0>} : vector<7x1xi32>
    %convert_element_type3A_74 = arith.sitofp %iota3A_73 : vector<7x1xi32> to vector<7x1xf32>
    %mul3A_75 = vector.broadcast %convert_element_type3A_74 : vector<7x1xf32> to vector<7x1000xf32>
    %mul3A_76 = vector.broadcast %div3A_72 : vector<1x1000xf32> to vector<7x1000xf32>
    %mul3A_77 = arith.mulf %mul3A_75, %mul3A_76 : vector<7x1000xf32>
    %floor3A_78 = math.floor %mul3A_77 : vector<7x1000xf32>
    %convert_element_type3A_79 = arith.fptosi %floor3A_78 : vector<7x1000xf32> to vector<7x1000xi32>
    %add3A_80 = vector.broadcast %convert_element_type3A_56 : vector<1x1000xi32> to vector<7x1000xi32>
    %add3A_81 = arith.addi %convert_element_type3A_79, %add3A_80 : vector<7x1000xi32>
    %jit3A_82 = arith.constant 0 : i32
    %jit3A_83 = arith.constant 50 : i32
    %max3A_84 = vector.broadcast %jit3A_82 : i32 to vector<7x1000xi32>
    %max3A_85 = arith.maxsi %max3A_84, %add3A_81 : vector<7x1000xi32>
    %min3A_86 = vector.broadcast %jit3A_83 : i32 to vector<7x1000xi32>
    %min3A_87 = arith.minsi %min3A_86, %max3A_85 : vector<7x1000xi32>
    %add3A_88 = arith.constant 1.000000e+00 : f32
    %add3A_89 = vector.broadcast %add3A_88 : f32 to vector<7x1xf32>
    %add3A_90 = arith.addf %convert_element_type3A_74, %add3A_89 : vector<7x1xf32>
    %mul3A_91 = vector.broadcast %add3A_90 : vector<7x1xf32> to vector<7x1000xf32>
    %mul3A_92 = vector.broadcast %div3A_72 : vector<1x1000xf32> to vector<7x1000xf32>
    %mul3A_93 = arith.mulf %mul3A_91, %mul3A_92 : vector<7x1000xf32>
    %ceil3A_94 = math.ceil %mul3A_93 : vector<7x1000xf32>
    %convert_element_type3A_95 = arith.fptosi %ceil3A_94 : vector<7x1000xf32> to vector<7x1000xi32>
    %add3A_96 = vector.broadcast %convert_element_type3A_56 : vector<1x1000xi32> to vector<7x1000xi32>
    %add3A_97 = arith.addi %convert_element_type3A_95, %add3A_96 : vector<7x1000xi32>
    %jit3A_98 = arith.constant 0 : i32
    %jit3A_99 = arith.constant 50 : i32
    %max3A_100 = vector.broadcast %jit3A_98 : i32 to vector<7x1000xi32>
    %max3A_101 = arith.maxsi %max3A_100, %add3A_97 : vector<7x1000xi32>
    %min3A_102 = vector.broadcast %jit3A_99 : i32 to vector<7x1000xi32>
    %min3A_103 = arith.minsi %min3A_102, %max3A_101 : vector<7x1000xi32>
    %sub3A_104 = arith.subi %min3A_103, %min3A_87 : vector<7x1000xi32>
    %broadcast_in_dim3A = vector.shape_cast %sub3A_51 : vector<7x1000xi32> to vector<7x1x1000xi32>
    %sub3A_105 = arith.constant 1 : i32
    %sub3A_106 = vector.broadcast %sub3A_105 : i32 to vector<7x1x1000xi32>
    %sub3A_107 = arith.subi %broadcast_in_dim3A, %sub3A_106 : vector<7x1x1000xi32>
    %mul3A_108 = arith.constant 9 : i32
    %mul3A_109 = vector.broadcast %mul3A_108 : i32 to vector<7x1x1000xi32>
    %mul3A_110 = arith.muli %sub3A_107, %mul3A_109 : vector<7x1x1000xi32>
    %broadcast_in_dim3A_111 = vector.shape_cast %sub3A_104 : vector<7x1000xi32> to vector<1x7x1000xi32>
    %sub3A_112 = arith.constant 1 : i32
    %sub3A_113 = vector.broadcast %sub3A_112 : i32 to vector<1x7x1000xi32>
    %sub3A_114 = arith.subi %broadcast_in_dim3A_111, %sub3A_113 : vector<1x7x1000xi32>
    %add3A_115 = vector.broadcast %mul3A_110 : vector<7x1x1000xi32> to vector<7x7x1000xi32>
    %add3A_116 = vector.broadcast %sub3A_114 : vector<1x7x1000xi32> to vector<7x7x1000xi32>
    %add3A_117 = arith.addi %add3A_115, %add3A_116 : vector<7x7x1000xi32>
    %mul3A_118 = arith.constant 2500 : i32
    %mul3A_119 = vector.broadcast %mul3A_118 : i32 to vector<7x7x1000xi32>
    %mul3A_120 = arith.muli %add3A_117, %mul3A_119 : vector<7x7x1000xi32>
    %broadcast_in_dim3A_121 = vector.shape_cast %min3A_35 : vector<7x1000xi32> to vector<7x1x1000xi32>
    %mul3A_122 = arith.constant 50 : i32
    %mul3A_123 = vector.broadcast %mul3A_122 : i32 to vector<7x1x1000xi32>
    %mul3A_124 = arith.muli %broadcast_in_dim3A_121, %mul3A_123 : vector<7x1x1000xi32>
    %add3A_125 = vector.broadcast %mul3A_124 : vector<7x1x1000xi32> to vector<7x7x1000xi32>
    %add3A_126 = arith.addi %mul3A_120, %add3A_125 : vector<7x7x1000xi32>
    %broadcast_in_dim3A_127 = vector.shape_cast %min3A_87 : vector<7x1000xi32> to vector<1x7x1000xi32>
    %add3A_128 = vector.broadcast %broadcast_in_dim3A_127 : vector<1x7x1000xi32> to vector<7x7x1000xi32>
    %add3A_129 = arith.addi %add3A_126, %add3A_128 : vector<7x7x1000xi32>
    %broadcast_in_dim3A_130 = vector.shape_cast %sub3A_51 : vector<7x1000xi32> to vector<7x1x1000xi32>
    %le3A = arith.constant 0 : i32
    %le3A_131 = vector.broadcast %le3A : i32 to vector<7x1x1000xi32>
    %le3A_132 = arith.cmpi sle, %broadcast_in_dim3A_130, %le3A_131 : vector<7x1x1000xi32>
    %broadcast_in_dim3A_133 = vector.shape_cast %sub3A_104 : vector<7x1000xi32> to vector<1x7x1000xi32>
    %le3A_134 = arith.constant 0 : i32
    %le3A_135 = vector.broadcast %le3A_134 : i32 to vector<1x7x1000xi32>
    %le3A_136 = arith.cmpi sle, %broadcast_in_dim3A_133, %le3A_135 : vector<1x7x1000xi32>
    %or3A = vector.broadcast %le3A_132 : vector<7x1x1000xi1> to vector<7x7x1000xi1>
    %or3A_137 = vector.broadcast %le3A_136 : vector<1x7x1000xi1> to vector<7x7x1000xi1>
    %or3A_138 = arith.ori %or3A, %or3A_137 : vector<7x7x1000xi1>
    %jit3A_139 = arith.constant 202500 : i32
    %broadcast_in_dim3A_140 = vector.broadcast %jit3A_139 : i32 to vector<7x7x1000xi32>
    %select_n3A = arith.select %or3A_138, %broadcast_in_dim3A_140, %add3A_129 : vector<7x7x1000xi1>, vector<7x7x1000xi32>
    %reshape3A = vector.shape_cast %select_n3A : vector<7x7x1000xi32> to vector<49x1000xi32>
    %broadcast_in_dim3A_141 = arith.constant 202500 : i32
    %broadcast_in_dim3A_142 = vector.broadcast %broadcast_in_dim3A_141 : i32 to vector<49x24xi32>
    %concatenate3A = tpu.concatenate %reshape3A, %broadcast_in_dim3A_142 in 1 : vector<49x1000xi32>, vector<49x24xi32> -> vector<49x1024xi32>
    %reshape3A_143 = vector.shape_cast %concatenate3A : vector<49x1024xi32> to vector<49x128x8xi32>
    %iota3A_144 = tpu.iota {dimensions = array<i32: 2>} : vector<1x1x2x1xi32>
    %broadcast_in_dim3A_145 = vector.shape_cast %reshape3A_143 : vector<49x128x8xi32> to vector<49x128x1x8xi32>
    %mul3A_146 = arith.constant 2 : i32
    %mul3A_147 = vector.broadcast %mul3A_146 : i32 to vector<49x128x1x8xi32>
    %mul3A_148 = arith.muli %broadcast_in_dim3A_145, %mul3A_147 : vector<49x128x1x8xi32>
    %add3A_149 = vector.broadcast %mul3A_148 : vector<49x128x1x8xi32> to vector<49x128x2x8xi32>
    %add3A_150 = vector.broadcast %iota3A_144 : vector<1x1x2x1xi32> to vector<49x128x2x8xi32>
    %add3A_151 = arith.addi %add3A_149, %add3A_150 : vector<49x128x2x8xi32>
    %transpose3A = tpu.transpose %add3A_151, [1, 0, 2, 3] : vector<49x128x2x8xi32> -> vector<128x49x2x8xi32>
    %slice3A = vector.extract_strided_slice %transpose3A {offsets = [0, 0, 0, 0], sizes = [128, 25, 2, 8], strides = [1, 1, 1, 1]} : vector<128x49x2x8xi32> to vector<128x25x2x8xi32>
    %reshape3A_152 = vector.shape_cast %slice3A : vector<128x25x2x8xi32> to vector<128x400xi32>
    %slice3A_153 = vector.extract_strided_slice %transpose3A {offsets = [0, 25, 0, 0], sizes = [128, 24, 2, 8], strides = [1, 1, 1, 1]} : vector<128x49x2x8xi32> to vector<128x24x2x8xi32>
    %reshape3A_154 = vector.shape_cast %slice3A_153 : vector<128x24x2x8xi32> to vector<128x384xi32>
    %broadcast_in_dim3A_155 = arith.constant 405000 : i32
    %broadcast_in_dim3A_156 = vector.broadcast %broadcast_in_dim3A_155 : i32 to vector<128x16xi32>
    %concatenate3A_157 = tpu.concatenate %reshape3A_154, %broadcast_in_dim3A_156 in 1 : vector<128x384xi32>, vector<128x16xi32> -> vector<128x400xi32>
    %stack3A = vector.shape_cast %reshape3A_152 : vector<128x400xi32> to vector<128x1x400xi32>
    %stack3A_158 = vector.shape_cast %concatenate3A_157 : vector<128x400xi32> to vector<128x1x400xi32>
    %stack3A_159 = tpu.concatenate %stack3A, %stack3A_158 in 1 : vector<128x1x400xi32>, vector<128x1x400xi32> -> vector<128x2x400xi32>
    %reshape3A_160 = vector.shape_cast %stack3A_159 : vector<128x2x400xi32> to vector<256x400xi32>
    %swap3A = arith.constant 0 : index
    %swap3A_161 = arith.constant 0 : index
    %swap3A_162 = vector.load %arg1[%swap3A, %swap3A_161] : memref<256x400xi32, #tpu.memory_space<vmem>>, vector<256x400xi32>
    tpu.vector_store %arg1[%swap3A, %swap3A_161], %reshape3A_160 {strides = array<i32>} : memref<256x400xi32, #tpu.memory_space<vmem>>, vector<256x400xi32>,
    return
  }
}

module attributes {stable_mosaic.version = 14 : i64} {
  func.func @_table_kernel(%arg0: i32, %arg1: memref<58x116x128xf32, #tpu.memory_space<vmem>>, %arg2: memref<10000x128xf32, #tpu.memory_space<vmem>>, %arg3: memref<58x116x128xf32, #tpu.memory_space<vmem>>, %arg4: memref<50x116x128xf32, #tpu.memory_space<vmem>>) attributes {dimension_semantics = [#tpu.dimension_semantics<arbitrary>], iteration_bounds = array<i64: 41>, scalar_prefetch = 0 : i64, scratch_operands = 2 : i64, tpu.core_type = #tpu.core_type<tc>, window_params = [{pipeline_mode = #tpu.pipeline_mode<synchronous>, transform_indices = @transform_0, window_bounds = array<i64: 58, 116, 128>}, {transform_indices = @transform_1, window_bounds = array<i64: 10000, 128>}]} {
    %mul3A = arith.constant 2 : i32
    %mul3A_0 = arith.muli %mul3A, %arg0 : i32
    %jit3A = arith.constant 9 : i32
    %eq3A = arith.constant 0 : i32
    %eq3A_1 = arith.cmpi eq, %jit3A, %eq3A : i32
    %jit3A_2 = arith.constant 1 : i32
    %select_n3A = arith.select %eq3A_1, %jit3A_2, %jit3A : i32
    %rem3A = arith.remsi %mul3A_0, %select_n3A : i32
    %ne3A = arith.constant 0 : i32
    %ne3A_3 = arith.cmpi ne, %rem3A, %ne3A : i32
    %lt3A = arith.constant 0 : i32
    %lt3A_4 = arith.cmpi slt, %rem3A, %lt3A : i32
    %lt3A_5 = arith.constant 0 : i32
    %lt3A_6 = arith.cmpi slt, %select_n3A, %lt3A_5 : i32
    %ne3A_7 = arith.xori %lt3A_4, %lt3A_6 : i1
    %and3A = arith.andi %ne3A_7, %ne3A_3 : i1
    %add3A = arith.addi %rem3A, %select_n3A : i32
    %select_n3A_8 = arith.select %and3A, %add3A, %rem3A : i32
    %eq3A_9 = arith.constant 0 : i32
    %eq3A_10 = arith.cmpi eq, %mul3A_0, %eq3A_9 : i32
    %convert_element_type3A = arith.extui %eq3A_10 : i1 to i32
    %cond3A = arith.constant 0 : i32
    %cond3A_11 = arith.cmpi ne, %convert_element_type3A, %cond3A : i32
    scf.if %cond3A_11 {
      %get3A_100 = arith.constant 0 : index
      %get3A_101 = arith.constant 0 : index
      %get3A_102 = arith.constant 0 : index
      %get3A_103 = vector.load %arg1[%get3A_100, %get3A_101, %get3A_102] : memref<58x116x128xf32, #tpu.memory_space<vmem>>, vector<58x116x128xf32>
      %swap3A_104 = arith.constant 0 : index
      %swap3A_105 = arith.constant 0 : index
      %swap3A_106 = arith.constant 0 : index
      %swap3A_107 = vector.load %arg3[%swap3A_104, %swap3A_105, %swap3A_106] : memref<58x116x128xf32, #tpu.memory_space<vmem>>, vector<58x116x128xf32>
      tpu.vector_store %arg3[%swap3A_104, %swap3A_105, %swap3A_106], %get3A_103 {strides = array<i32>} : memref<58x116x128xf32, #tpu.memory_space<vmem>>, vector<58x116x128xf32>,
    } else {
    }
    %eq3A_12 = arith.constant 0 : i32
    %eq3A_13 = arith.cmpi eq, %select_n3A_8, %eq3A_12 : i32
    %gt3A = arith.constant 0 : i32
    %gt3A_14 = arith.cmpi sgt, %mul3A_0, %gt3A : i32
    %and3A_15 = arith.andi %eq3A_13, %gt3A_14 : i1
    %convert_element_type3A_16 = arith.extui %and3A_15 : i1 to i32
    %cond3A_17 = arith.constant 0 : i32
    %cond3A_18 = arith.cmpi ne, %convert_element_type3A_16, %cond3A_17 : i32
    scf.if %cond3A_18 {
      %get3A_100 = arith.constant 0 : index
      %get3A_101 = arith.constant 0 : index
      %get3A_102 = arith.constant 0 : index
      %get3A_103 = vector.load %arg3[%get3A_100, %get3A_101, %get3A_102] : memref<58x116x128xf32, #tpu.memory_space<vmem>>, vector<58x116x128xf32>
      %slice3A_104 = vector.extract_strided_slice %get3A_103 {offsets = [1, 0, 0], sizes = [57, 116, 128], strides = [1, 1, 1]} : vector<58x116x128xf32> to vector<57x116x128xf32>
      %slice3A_105 = vector.extract_strided_slice %get3A_103 {offsets = [57, 0, 0], sizes = [1, 116, 128], strides = [1, 1, 1]} : vector<58x116x128xf32> to vector<1x116x128xf32>
      %concatenate3A_106 = tpu.concatenate %slice3A_104, %slice3A_105 in 0 : vector<57x116x128xf32>, vector<1x116x128xf32> -> vector<58x116x128xf32>
      %max3A_107 = arith.maximumf %get3A_103, %concatenate3A_106 : vector<58x116x128xf32>
      %swap3A_108 = arith.constant 0 : index
      %swap3A_109 = arith.constant 0 : index
      %swap3A_110 = arith.constant 0 : index
      %swap3A_111 = vector.load %arg3[%swap3A_108, %swap3A_109, %swap3A_110] : memref<58x116x128xf32, #tpu.memory_space<vmem>>, vector<58x116x128xf32>
      tpu.vector_store %arg3[%swap3A_108, %swap3A_109, %swap3A_110], %max3A_107 {strides = array<i32>} : memref<58x116x128xf32, #tpu.memory_space<vmem>>, vector<58x116x128xf32>,
    } else {
    }
    %get3A = arith.constant 0 : index
    %get3A_19 = arith.constant 0 : index
    %get3A_20 = arith.constant 0 : index
    %get3A_21 = vector.load %arg4[%get3A, %get3A_19, %get3A_20] : memref<50x116x128xf32, #tpu.memory_space<vmem>>, vector<50x116x128xf32>
    %slice3A = vector.extract_strided_slice %get3A_21 {offsets = [0, 2, 0], sizes = [50, 114, 128], strides = [1, 1, 1]} : vector<50x116x128xf32> to vector<50x114x128xf32>
    %slice3A_22 = vector.extract_strided_slice %get3A_21 {offsets = [0, 114, 0], sizes = [50, 2, 128], strides = [1, 1, 1]} : vector<50x116x128xf32> to vector<50x2x128xf32>
    %concatenate3A = tpu.concatenate %slice3A, %slice3A_22 in 1 : vector<50x114x128xf32>, vector<50x2x128xf32> -> vector<50x116x128xf32>
    %eq3A_23 = arith.constant 0 : i32
    %eq3A_24 = arith.cmpi eq, %select_n3A_8, %eq3A_23 : i32
    %get3A_25 = arith.constant 0 : index
    %get3A_26 = arith.constant 0 : index
    %get3A_27 = arith.constant 0 : index
    %get3A_28 = vector.load %arg3[%get3A_25, %get3A_26, %get3A_27] : memref<58x116x128xf32, #tpu.memory_space<vmem>>, vector<50x116x128xf32>
    %max3A = arith.maximumf %get3A_21, %concatenate3A : vector<50x116x128xf32>
    %select_n3A_29 = arith.select %eq3A_24, %get3A_28, %max3A : vector<50x116x128xf32>
    %swap3A = arith.constant 0 : index
    %swap3A_30 = arith.constant 0 : index
    %swap3A_31 = arith.constant 0 : index
    %swap3A_32 = vector.load %arg4[%swap3A, %swap3A_30, %swap3A_31] : memref<50x116x128xf32, #tpu.memory_space<vmem>>, vector<50x116x128xf32>
    tpu.vector_store %arg4[%swap3A, %swap3A_30, %swap3A_31], %select_n3A_29 {strides = array<i32>} : memref<50x116x128xf32, #tpu.memory_space<vmem>>, vector<50x116x128xf32>,
    %ge3A = arith.constant 81 : i32
    %ge3A_33 = arith.cmpi sge, %mul3A_0, %ge3A : i32
    %slice3A_34 = vector.extract_strided_slice %select_n3A_29 {offsets = [0, 0, 0], sizes = [50, 100, 128], strides = [1, 1, 1]} : vector<50x116x128xf32> to vector<50x100x128xf32>
    %jit3A_35 = arith.constant 0.000000e+00 : f32
    %broadcast_in_dim3A = vector.broadcast %jit3A_35 : f32 to vector<50x100x128xf32>
    %select_n3A_36 = arith.select %ge3A_33, %broadcast_in_dim3A, %slice3A_34 : vector<50x100x128xf32>
    %reshape3A = vector.shape_cast %select_n3A_36 : vector<50x100x128xf32> to vector<5000x128xf32>
    %mul3A_37 = arith.constant 2 : i32
    %mul3A_38 = arith.muli %mul3A_37, %arg0 : i32
    %add3A_39 = arith.constant 1 : i32
    %add3A_40 = arith.addi %mul3A_38, %add3A_39 : i32
    %jit3A_41 = arith.constant 9 : i32
    %eq3A_42 = arith.constant 0 : i32
    %eq3A_43 = arith.cmpi eq, %jit3A_41, %eq3A_42 : i32
    %jit3A_44 = arith.constant 1 : i32
    %select_n3A_45 = arith.select %eq3A_43, %jit3A_44, %jit3A_41 : i32
    %rem3A_46 = arith.remsi %add3A_40, %select_n3A_45 : i32
    %ne3A_47 = arith.constant 0 : i32
    %ne3A_48 = arith.cmpi ne, %rem3A_46, %ne3A_47 : i32
    %lt3A_49 = arith.constant 0 : i32
    %lt3A_50 = arith.cmpi slt, %rem3A_46, %lt3A_49 : i32
    %lt3A_51 = arith.constant 0 : i32
    %lt3A_52 = arith.cmpi slt, %select_n3A_45, %lt3A_51 : i32
    %ne3A_53 = arith.xori %lt3A_50, %lt3A_52 : i1
    %and3A_54 = arith.andi %ne3A_53, %ne3A_48 : i1
    %add3A_55 = arith.addi %rem3A_46, %select_n3A_45 : i32
    %select_n3A_56 = arith.select %and3A_54, %add3A_55, %rem3A_46 : i32
    %eq3A_57 = arith.constant 0 : i32
    %eq3A_58 = arith.cmpi eq, %add3A_40, %eq3A_57 : i32
    %convert_element_type3A_59 = arith.extui %eq3A_58 : i1 to i32
    %cond3A_60 = arith.constant 0 : i32
    %cond3A_61 = arith.cmpi ne, %convert_element_type3A_59, %cond3A_60 : i32
    scf.if %cond3A_61 {
      %get3A_100 = arith.constant 0 : index
      %get3A_101 = arith.constant 0 : index
      %get3A_102 = arith.constant 0 : index
      %get3A_103 = vector.load %arg1[%get3A_100, %get3A_101, %get3A_102] : memref<58x116x128xf32, #tpu.memory_space<vmem>>, vector<58x116x128xf32>
      %swap3A_104 = arith.constant 0 : index
      %swap3A_105 = arith.constant 0 : index
      %swap3A_106 = arith.constant 0 : index
      %swap3A_107 = vector.load %arg3[%swap3A_104, %swap3A_105, %swap3A_106] : memref<58x116x128xf32, #tpu.memory_space<vmem>>, vector<58x116x128xf32>
      tpu.vector_store %arg3[%swap3A_104, %swap3A_105, %swap3A_106], %get3A_103 {strides = array<i32>} : memref<58x116x128xf32, #tpu.memory_space<vmem>>, vector<58x116x128xf32>,
    } else {
    }
    %eq3A_62 = arith.constant 0 : i32
    %eq3A_63 = arith.cmpi eq, %select_n3A_56, %eq3A_62 : i32
    %gt3A_64 = arith.constant 0 : i32
    %gt3A_65 = arith.cmpi sgt, %add3A_40, %gt3A_64 : i32
    %and3A_66 = arith.andi %eq3A_63, %gt3A_65 : i1
    %convert_element_type3A_67 = arith.extui %and3A_66 : i1 to i32
    %cond3A_68 = arith.constant 0 : i32
    %cond3A_69 = arith.cmpi ne, %convert_element_type3A_67, %cond3A_68 : i32
    scf.if %cond3A_69 {
      %get3A_100 = arith.constant 0 : index
      %get3A_101 = arith.constant 0 : index
      %get3A_102 = arith.constant 0 : index
      %get3A_103 = vector.load %arg3[%get3A_100, %get3A_101, %get3A_102] : memref<58x116x128xf32, #tpu.memory_space<vmem>>, vector<58x116x128xf32>
      %slice3A_104 = vector.extract_strided_slice %get3A_103 {offsets = [1, 0, 0], sizes = [57, 116, 128], strides = [1, 1, 1]} : vector<58x116x128xf32> to vector<57x116x128xf32>
      %slice3A_105 = vector.extract_strided_slice %get3A_103 {offsets = [57, 0, 0], sizes = [1, 116, 128], strides = [1, 1, 1]} : vector<58x116x128xf32> to vector<1x116x128xf32>
      %concatenate3A_106 = tpu.concatenate %slice3A_104, %slice3A_105 in 0 : vector<57x116x128xf32>, vector<1x116x128xf32> -> vector<58x116x128xf32>
      %max3A_107 = arith.maximumf %get3A_103, %concatenate3A_106 : vector<58x116x128xf32>
      %swap3A_108 = arith.constant 0 : index
      %swap3A_109 = arith.constant 0 : index
      %swap3A_110 = arith.constant 0 : index
      %swap3A_111 = vector.load %arg3[%swap3A_108, %swap3A_109, %swap3A_110] : memref<58x116x128xf32, #tpu.memory_space<vmem>>, vector<58x116x128xf32>
      tpu.vector_store %arg3[%swap3A_108, %swap3A_109, %swap3A_110], %max3A_107 {strides = array<i32>} : memref<58x116x128xf32, #tpu.memory_space<vmem>>, vector<58x116x128xf32>,
    } else {
    }
    %get3A_70 = arith.constant 0 : index
    %get3A_71 = arith.constant 0 : index
    %get3A_72 = arith.constant 0 : index
    %get3A_73 = vector.load %arg4[%get3A_70, %get3A_71, %get3A_72] : memref<50x116x128xf32, #tpu.memory_space<vmem>>, vector<50x116x128xf32>
    %slice3A_74 = vector.extract_strided_slice %get3A_73 {offsets = [0, 2, 0], sizes = [50, 114, 128], strides = [1, 1, 1]} : vector<50x116x128xf32> to vector<50x114x128xf32>
    %slice3A_75 = vector.extract_strided_slice %get3A_73 {offsets = [0, 114, 0], sizes = [50, 2, 128], strides = [1, 1, 1]} : vector<50x116x128xf32> to vector<50x2x128xf32>
    %concatenate3A_76 = tpu.concatenate %slice3A_74, %slice3A_75 in 1 : vector<50x114x128xf32>, vector<50x2x128xf32> -> vector<50x116x128xf32>
    %eq3A_77 = arith.constant 0 : i32
    %eq3A_78 = arith.cmpi eq, %select_n3A_56, %eq3A_77 : i32
    %get3A_79 = arith.constant 0 : index
    %get3A_80 = arith.constant 0 : index
    %get3A_81 = arith.constant 0 : index
    %get3A_82 = vector.load %arg3[%get3A_79, %get3A_80, %get3A_81] : memref<58x116x128xf32, #tpu.memory_space<vmem>>, vector<50x116x128xf32>
    %max3A_83 = arith.maximumf %get3A_73, %concatenate3A_76 : vector<50x116x128xf32>
    %select_n3A_84 = arith.select %eq3A_78, %get3A_82, %max3A_83 : vector<50x116x128xf32>
    %swap3A_85 = arith.constant 0 : index
    %swap3A_86 = arith.constant 0 : index
    %swap3A_87 = arith.constant 0 : index
    %swap3A_88 = vector.load %arg4[%swap3A_85, %swap3A_86, %swap3A_87] : memref<50x116x128xf32, #tpu.memory_space<vmem>>, vector<50x116x128xf32>
    tpu.vector_store %arg4[%swap3A_85, %swap3A_86, %swap3A_87], %select_n3A_84 {strides = array<i32>} : memref<50x116x128xf32, #tpu.memory_space<vmem>>, vector<50x116x128xf32>,
    %ge3A_89 = arith.constant 81 : i32
    %ge3A_90 = arith.cmpi sge, %add3A_40, %ge3A_89 : i32
    %slice3A_91 = vector.extract_strided_slice %select_n3A_84 {offsets = [0, 0, 0], sizes = [50, 100, 128], strides = [1, 1, 1]} : vector<50x116x128xf32> to vector<50x100x128xf32>
    %jit3A_92 = arith.constant 0.000000e+00 : f32
    %broadcast_in_dim3A_93 = vector.broadcast %jit3A_92 : f32 to vector<50x100x128xf32>
    %select_n3A_94 = arith.select %ge3A_90, %broadcast_in_dim3A_93, %slice3A_91 : vector<50x100x128xf32>
    %reshape3A_95 = vector.shape_cast %select_n3A_94 : vector<50x100x128xf32> to vector<5000x128xf32>
    %concatenate3A_96 = tpu.concatenate %reshape3A, %reshape3A_95 in 0 : vector<5000x128xf32>, vector<5000x128xf32> -> vector<10000x128xf32>
    %swap3A_97 = arith.constant 0 : index
    %swap3A_98 = arith.constant 0 : index
    %swap3A_99 = vector.load %arg2[%swap3A_97, %swap3A_98] : memref<10000x128xf32, #tpu.memory_space<vmem>>, vector<10000x128xf32>
    tpu.vector_store %arg2[%swap3A_97, %swap3A_98], %concatenate3A_96 {strides = array<i32>} : memref<10000x128xf32, #tpu.memory_space<vmem>>, vector<10000x128xf32>,
    return
  }
  func.func @transform_0(%arg0: i32) -> (i32, i32, i32) {
    %c0_i32 = arith.constant 0 : i32
    %c0_i32_0 = arith.constant 0 : i32
    %c0_i32_1 = arith.constant 0 : i32
    %c0_i32_2 = arith.constant 0 : i32
    return %c0_i32, %c0_i32_0, %c0_i32_1 : i32, i32, i32
  }
  func.func @transform_1(%arg0: i32) -> (i32, i32) {
    %c0_i32 = arith.constant 0 : i32
    %c0_i32_0 = arith.constant 0 : i32
    return %arg0, %c0_i32 : i32, i32
  }
}

</mosaic_0001>

<sc_bundles>
// kernel: kernel.5.cloned.1.call-start
scs
__scs_entry_jumppad:
0x0: {  	(pc) =	sbr.rel $0x88, $3  }
0x1: {  	(tag) =	ssettag $0x0;
	lr =	simm.s32 $0x1  }
0x2: {  	[smem:$0x3F9F] =	sst lr;
	_ =	strace $0xD0000000  }
0x3: {  	_ = 	snop  }
0x4: {  	_ = 	snop  }
0x5: {  	_ = 	snop  }
0x6: {  	_ = 	snop  }
0x7: {  	_ = 	snop  }
__scs_overlays_trampoline_lowered:
0x8: {  	[smem:$0x3FAE] =	sst s0  }
0x9: {  	[smem:$0x3FAF] =	sst s1  }
0xa: {  	[smem:$0x3FB0] =	sst s2  }
0xb: {  	[smem:$0x3FB1] =	sst s3  }
0xc: {  	[smem:$0x3FB2] =	sst s4  }
0xd: {  	[smem:$0x3FB3] =	sst s5  }
0xe: {  	[smem:$0x3FB4] =	sst s6  }
0xf: {  	[smem:$0x3FB5] =	sst s7  }
0x10: {  	[smem:$0x3FB6] =	sst s8  }
0x11: {  	[smem:$0x3FB7] =	sst s9;
	s0 =	simm.s32 @!p0 $0x0  }
0x12: {  	s1 =	sld [smem:$0x3F9D];
	s0 =	simm.s32 @p0 $0x1  }
0x13: {  	[smem:$0x3FB8] =	sst s0;
	s0 =	simm.s32 @!p1 $0x0  }
0x14: {  	s2 =	sld [smem:$0x3F9C];
	s0 =	simm.s32 @p1 $0x1  }
0x15: {  	[smem:$0x3FB9] =	sst s0;
	s0 =	simm.s32 @!p2 $0x0  }
0x16: {  	s3 =	sld [smem:$0x3FDB];
	s0 =	simm.s32 @p2 $0x1  }
0x17: {  	s4 =	simm.s32 $0x1BF5;
	[smem:$0x3FBB] =	sst s0  }
0x18: {  	s0 =	sld [smem:$0x3F9E];
	_ =	swait.ge [sflag:s4], $0x0  }
0x19: {  	s7 =	sld [smem:$0x3F9F]  }
0x1a: {  	s8 =	sadd.s32 $0xFFFFE003, lr  }
0x1b: {  	s9 =	sadd.s32 $0xFFFFFEF7, lr;
	s5 =	simm.s32 $0xFFFFFFFF;
	p2 =	slt.u32 s8, $0xFFFFF086  }
0x1c: {  	p1 =	slt.u32 s9, $0xF7A;
	s5 =	simm.s32 @!p2 $0x0  }
0x1d: {  	s5 =	simm.s32 @p1 $0x1;
	p0 =	seq.s32 s7, s2  }
0x1e: {  	s7 =	smul.u32 @!p0 $0xF7A, s2;
	p2 =	seq.s32 @!p0 s5, $0x0  }
0x1f: {  	s9 =	smul.u32 $0xF7A, s1;
	s8 =	simm.s32 @!p0 $0x1BF5;
	p2 =	por !p2, p0  }
0x20: {  	[sflag:s8] =	ssyncset.s32 @!p0 $0xFFFFF086;
	s6 =	sadd.s32 @!p0 s3, s7;
	s7 =	simm.s32 @!p0 $0x108  }
0x21: {  	s3 =	sadd.s32 s3, s9;
	s6 =	sadd.s32 @!p0 $0x88, s6;
	s7 =	simm.s32 @p2 $0x1082  }
0x22: {  	[simem:s7], [sflag:s8] =	dma.local @!p0 [hbm:s6], $0xF7A  }
0x23: {  	s9 =	sor.u32 $0xD0000000, s2;
	s6 =	simm.s32 $0x108;
	_ =	swait.ge @!p0 [sflag:s8], $0x0  }
0x24: {  	s3 =	sadd.s32 $0x88, s3;
	s6 =	simm.s32 @!p1 $0x1082;
	[sflag:s4] =	ssyncset.s32 $0xFFFFF086  }
0x25: {  	[simem:s6], [sflag:s4] =	dma.local [hbm:s3], $0xF7A  }
0x26: {  	[smem:$0x3F9F] =	sst s1;
	(tag) =	ssettag s2;
	_ =	strace s9  }
0x27: {  	s1 =	sld [smem:$0x3FAF]  }
0x28: {  	s2 =	sld [smem:$0x3FB0]  }
0x29: {  	s4 =	sld [smem:$0x3FB2]  }
0x2a: {  	p0 =	seq.s32 s5, $0x0;
	s5 =	sld [smem:$0x3FB3]  }
0x2b: {  	s6 =	sld [smem:$0x3FB4]  }
0x2c: {  	s7 =	sld [smem:$0x3FB5]  }
0x2d: {  	s3 =	simm.s32 $0x108;
	s8 =	sld [smem:$0x3FB6]  }
0x2e: {  	s3 =	simm.s32 @!p0 $0x1082;
	s9 =	sld [smem:$0x3FB7]  }
0x2f: {  	lr =	sadd.s32 s0, s3;
	s0 =	sld [smem:$0x3FAE]  }
0x30: {  	s3 =	sld [smem:$0x3FB1]  }
0x31: {  	[smem:$0x3FBA] =	sst s10  }
0x32: {  	s10 =	sld [smem:$0x3FB8];
	_ =	sdelay $0x3  }
0x33: {  	p0 =	seq.s32 s10, $0x1;
	s10 =	sld [smem:$0x3FBA];
	_ =	sdelay $0x3  }
0x34: {  	[smem:$0x3FBA] =	sst s10  }
0x35: {  	s10 =	sld [smem:$0x3FB9];
	_ =	sdelay $0x3  }
0x36: {  	p1 =	seq.s32 s10, $0x1;
	s10 =	sld [smem:$0x3FBA];
	_ =	sdelay $0x3  }
0x37: {  	[smem:$0x3FBA] =	sst s10  }
0x38: {  	s10 =	sld [smem:$0x3FBB]  }
0x39: {  	_ = 	snop;
	(pc) =	sbr.ind lr, $3  }
0x3a: {  	_ = 	snop  }
0x3b: {  	_ = 	snop  }
0x3c: {  	p2 =	seq.s32 s10, $0x1;
	s10 =	sld [smem:$0x3FBA]  }
0x3d: {  	_ =	shalt  }
0x3e: {  	_ =	shalt  }
0x3f: {  	_ =	shalt  }
0x40: {  	_ =	shalt  }
0x41: {  	_ =	shalt  }
0x42: {  	_ =	shalt  }
0x43: {  	_ =	shalt  }
0x44: {  	_ =	shalt  }
0x45: {  	_ =	shalt  }
0x46: {  	_ =	shalt  }
0x47: {  	_ =	shalt  }
0x48: {  	_ =	shalt  }
0x49: {  	_ =	shalt  }
0x4a: {  	_ =	shalt  }
0x4b: {  	_ =	shalt  }
0x4c: {  	_ =	shalt  }
0x4d: {  	_ =	shalt  }
0x4e: {  	_ =	shalt  }
0x4f: {  	_ =	shalt  }
0x50: {  	_ =	shalt  }
0x51: {  	_ =	shalt  }
0x52: {  	_ =	shalt  }
0x53: {  	_ =	shalt  }
0x54: {  	_ =	shalt  }
0x55: {  	_ =	shalt  }
0x56: {  	_ =	shalt  }
0x57: {  	_ =	shalt  }
0x58: {  	_ =	shalt  }
0x59: {  	_ =	shalt  }
0x5a: {  	_ =	shalt  }
0x5b: {  	_ =	shalt  }
0x5c: {  	_ =	shalt  }
0x5d: {  	_ =	shalt  }
0x5e: {  	_ =	shalt  }
0x5f: {  	_ =	shalt  }
0x60: {  	_ =	shalt  }
0x61: {  	_ =	shalt  }
0x62: {  	_ =	shalt  }
0x63: {  	_ =	shalt  }
0x64: {  	_ =	shalt  }
0x65: {  	_ =	shalt  }
0x66: {  	_ =	shalt  }
0x67: {  	_ =	shalt  }
0x68: {  	_ =	shalt  }
0x69: {  	_ =	shalt  }
0x6a: {  	_ =	shalt  }
0x6b: {  	_ =	shalt  }
0x6c: {  	_ =	shalt  }
0x6d: {  	_ =	shalt  }
0x6e: {  	_ =	shalt  }
0x6f: {  	_ =	shalt  }
0x70: {  	_ =	shalt  }
0x71: {  	_ =	shalt  }
0x72: {  	_ =	shalt  }
0x73: {  	_ =	shalt  }
0x74: {  	_ =	shalt  }
0x75: {  	_ =	shalt  }
0x76: {  	_ =	shalt  }
0x77: {  	_ =	shalt  }
0x78: {  	_ =	shalt  }
0x79: {  	_ =	shalt  }
0x7a: {  	_ =	shalt  }
0x7b: {  	_ =	shalt  }
0x7c: {  	_ =	shalt  }
0x7d: {  	_ =	shalt  }
0x7e: {  	_ =	shalt  }
0x7f: {  	_ =	shalt  }
0x80: {  	_ =	shalt  }
0x81: {  	_ =	shalt  }
0x82: {  	_ =	shalt  }
0x83: {  	_ =	shalt  }
0x84: {  	_ =	shalt  }
0x85: {  	_ =	shalt  }
0x86: {  	_ =	shalt  }
0x87: {  	_ =	shalt  }
.Lfunc_end0:
.L_simem_size_0:
called_computation_lowered:
.L_overlay_start_0:
0x88: {  	s2 =	sld [smem:$0x3FD9]  }
0x89: {  	s3 =	sld [smem:$0x3FFE];
	_ =	sdelay $0x1  }
0x8a: {  	s1 =	srdreg.scid  }
0x8b: {  	s0 =	sand.u32 $0x1, s1  }
0x8c: {  	s17 =	sshll.u32 s0, $0xA;
	s2 =	sadd.s32 s3, s2  }
0x8d: {  	s2 =	sadd.s32 s2, s17  }
0x8e: {  	[smem:$0x3FC6] =	sst s2  }
0x8f: {  	_ = 	snop  }
0x90: {  	s2 =	sld [smem:$0x3FD0];
	(tm) =	ssettm $0x1  }
0x91: {  	s18 =	sld [smem:$0x3FFB];
	_ =	sdelay $0x3  }
0x92: {  	_ =	strace s18  }
0x93: {  	s3 =	sld [smem:$0x3FFC];
	_ =	sdelay $0x3  }
0x94: {  	_ =	strace s3  }
0x95: {  	s3 =	sld [smem:$0x3FFD];
	_ =	sdelay $0x3  }
0x96: {  	_ =	strace s3  }
0x97: {  	_ =	strace $0x8FFFFFFF  }
0x98: {  	s19 =	sld [smem:$0x3FDB];
	_ =	sdelay $0x1  }
0x99: {  	s4 =	simm.s32 $_scs_section_size  }
0x9a: {  	s5 =	simm.s32 $_size__tile_overlayer_lowered;
	s6 =	simm.s32 $_tile_overlayer_lowered  }
0x9b: {  	s22 =	simm.s32 $0x1BFF;
	s21 =	sshll.u32 s6, $0x1;
	s3 =	sadd.s32 s4, s19  }
0x9c: {  	s7 =	simm.s32 $0x0;
	s20 =	sshll.u32 s5, $0x1;
	s5 =	sadd.s32 s21, s3  }
0x9d: {  	[timem:s7], [sflag:s22] =	dma.local [hbm:s5], s20  }
0x9e: {  	_ =	swait.ge [sflag:s22], s20  }
0x9f: {  	s4 =	ssub.s32 $0x0, s20;
	[sflag:s22] =	ssyncset.done $0x0  }
0xa0: {  	[sflag:s22] =	ssyncadd.s32 s4;
	_ =	sdelay $0x1  }
0xa1: {  	s23 =	simm.s32 $0x1B8B  }
0xa2: {  	_ =	swait.ge [sflag:s23], $0x1  }
0xa3: {  	[sflag:s23] =	ssyncset.done $0x0  }
0xa4: {  	s25 =	simm.s32 $0x1B8E;
	s24 =	sld [smem:$0x3FFE];
	[sflag:s23] =	ssyncadd.s32 $0xFFFFFFFF  }
0xa5: {  	s26 =	simm.s32 $execute0_lowered;
	[smem:$0x3FD2] =	sst s25  }
0xa6: {  	s5 =	sshll.u32 s26, $0x1;
	_ =	strace $0x80000046;
	[dreg:$0x1] =	wrdreg $0xFFFFFFFF  }
0xa7: {  	s28 =	simm.s32 $_size_execute0_lowered;
	s3 =	sadd.s32 s3, s5;
	[dreg:$0x0] =	wrdreg $0x0  }
0xa8: {  	s5 =	sshll.u32 s28, $0x1;
	[dreg:$0x2] =	wrdreg s3  }
0xa9: {  	[dreg:$0x3] =	wrdreg s5  }
0xaa: {  	[dreg:$0x4] =	wrdreg $0xC0  }
0xab: {  	_ =	task [dreg:s7], $0x5FFFF  }
0xac: {  	[dreg:$0x1] =	wrdreg $0xFFFFFFFF  }
0xad: {  	[dreg:$0x0] =	wrdreg $0x60  }
0xae: {  	[dreg:$0x2] =	wrdreg s24  }
0xaf: {  	[dreg:$0x3] =	wrdreg s2  }
0xb0: {  	[dreg:$0x4] =	wrdreg $0x9  }
0xb1: {  	_ =	task.clear_ibuf [dreg:s7], $0x5FFFF;
	_ =	strace $0x90000046  }
0xb2: {  	s29 =	simm.s32 $0x9;
	_ =	strace $0x80000048  }
0xb3: {  	_ =	swait.ge [sflag:s29], $0x1  }
0xb4: {  	[sflag:s29] =	ssyncadd.s32 $0xFFFFFFFF  }
0xb5: {  	_ =	strace $0x90000048  }
0xb6: {  	_ =	sfence  }
0xb7: {  	s30 =	sld [smem:$0x0];
	_ =	sdelay $0x2  }
0xb8: {  	s31 =	sshll.u32 s1, $0xD;
	s1 =	sshrl.u32 s1, $0x2  }
0xb9: {  	s3 =	sand.u32 $0x4000, s31;
	s1 =	sadd.s32 s1, s30  }
0xba: {  	s0 =	sor.u32 s3, s0;
	s1 =	sshll.u32 s1, $0x11  }
0xbb: {  	s0 =	sor.u32 s1, s0  }
0xbc: {  	s0 =	sadd.s32 $0x8F2B, s0  }
0xbd: {  	[sflag:s0] =	ssyncadd.remote.s32 $0x1  }
0xbe: {  	_ =	sfence.sel $0xFFFF  }
0xbf: {  	[dreg:$0x0] =	wrdreg $0xFFFFFFFF;
	(pc) =	sbr.abs _section_cstart, $3  }
0xc0: {  	[dreg:$0x1] =	wrdreg $0xFFFFFFFF  }
0xc1: {  	_ =	task.clear_ibuf [dreg:s7], $0x2FFFF;
	_ =	strace $0x9FFFFFFF  }
0xc2: {  	(tm) =	ssettm $0x7FFFFFFF  }
0xc3: {  	_ =	shalt  }
tec
execute0_lowered:
.L_overlay_start_1:
0x0: {  	(tag) =	ssettag $0x1  }
0x1: {  	s0 =	rddreg [dreg:$0x0]  }
0x2: {  	s2 =	rddreg [dreg:$0x1];
	s1 =	srdreg.scid  }
0x3: {  	s4 =	stileid.u32;
	s3 =	simm.s32 $0x0;
	s28 =	simm.s32 $0x300  }
0x4: {  	s29 =	simm.s32 $0x5;
	s1 =	sand.u32 $0x1, s1;
	s4 =	sshll.u32 s4, $0x1  }
0x5: {  	s30 =	simm.s32 $0x80;
	s31 =	simm.s32 $0x3;
	s5 =	sor.u32 s1, s4  }
0x6: {  	[smem:$0x7FF] =	sst s3;
	s1 =	ssub.s32 $0x2, s1;
	s6 =	sshll.u32 s5, $0x9  }
0x7: {  	_ =	strace $0x80000047;
	s4 =	sadd.s32 $0x4600, s0;
	s0 =	sadd.s32 s6, s0  }
0x8: {  	s7 =	sshrl.u32 s1, $0x1;
	s21 =	sshll.u32 s5, $0x2;
	s6 =	sadd.s32 $0x600, s0  }
0x9: {  	s24 =	sshllo.u32 s5, $0x2;
	s18 =	sadd.s32 $0x610, s0;
	[dreg:$0x3] =	wrdreg s6  }
0xa: {  	p0 =	seq.s32 s5, $0x1F;
	s19 =	sadd.s32 $0x620, s0;
	[dreg:$0x4] =	wrdreg s18  }
0xb: {  	s1 =	ssub.s32 s1, s7;
	s20 =	sadd.s32 $0x630, s0;
	[dreg:$0x5] =	wrdreg s19  }
0xc: {  	s7 =	sshll.u32 s5, $0x6;
	s8 =	sadd.s32 $0x640, s0;
	[dreg:$0x6] =	wrdreg s20  }
0xd: {  	p2 =	sgt.u32 s24, $0x7C;
	s22 =	sadd.s32 $0x650, s0;
	[dreg:$0x7] =	wrdreg s8  }
0xe: {  	s5 =	simm.s32 $0x2;
	s23 =	sadd.s32 $0x660, s0;
	[dreg:$0x8] =	wrdreg s22  }
0xf: {  	s9 =	sadd.s32 $0xC350, s7;
	s10 =	sadd.s32 $0x670, s0;
	[dreg:$0x9] =	wrdreg s23  }
0x10: {  	s11 =	sor.u32 $0x10, s7;
	s1 =	smax.u32 s1, $0x1;
	[dreg:$0xa] =	wrdreg s10  }
0x11: {  	s13 =	sadd.s32 $0xC360, s7;
	s25 =	sadd.s32 $0x680, s0;
	[dreg:$0xb] =	wrdreg s1  }
0x12: {  	s26 =	sadd.s32 $0x700, s0;
	s0 =	sadd.s32 $0x780, s0;
	[dreg:$0xc] =	wrdreg s25  }
0x13: {  	s6 =	sor.u32 $0x2, s21;
	s19 =	sshll.u32 s24, $0x4;
	[dreg:$0xd] =	wrdreg s26  }
.Ltmp0:
0x14: {  	[dreg:$0xe] =	wrdreg s0;
	s25 =	simm.s32 $0x100;
	(pc) =	sbr.rel .LBB2_1-.Ltmp0, $4  }
0x15: {  	s26 =	simm.s32 $0x200;
	s1 =	simm.s32 $0x10;
	s21 =	simm.s32 $0x180  }
0x16: {  	s22 =	simm.s32 $0x280;
	s23 =	simm.s32 $0x380;
	s24 =	simm.s32 $0x1  }
0x17: {  	s0 =	simm.s32 $0x4;
	s15 =	sshll.u32 s6, $0x4;
	s20 =	sadd.s32 $0xC350, s19  }
0x18: {  	p1 =	sgt.u32 s6, $0x7C;
	s6 =	simm.s32 $0x0;
	s17 =	sadd.s32 $0xC350, s15  }
.LBB2_44:
0x19: {  	[sflag:s0] =	ssyncadd.s32 $0xFFFFFC00  }
.LBB2_45:
0x1a: {  	s6 =	sadd.s32 $0x1, s6;
	s8 =	rddreg [dreg:$0xb]  }
0x1b: {  	p3 =	sne.s32 s6, s8  }
.Ltmp1:
0x1c: {  	_ = 	snop;
	(pc) =	sbr.rel @!p3 .LBB2_46-.Ltmp1, $1  }
0x1d: {  	_ =	sdelay $0x3  }
.LBB2_1:
0x1e: {  	s8 =	rddreg [dreg:$0x3]  }
0x1f: {  	[tilespmem:s3], [sflag:$0x5] =	stream.linear.gather [hbm4b:s8+s3], $0x80, $0x38;
	[tilespmem:$0x19400] =	vst v63  }
0x20: {  	s12 =	rddreg [dreg:$0xc]  }
0x21: {  	[tilespmem:s25], [sflag:$0x5] =	stream.linear.gather [hbm4b:s12+s3], $0x80, $0x38;
	[tilespmem:$0x19400] =	vst v63  }
0x22: {  	s14 =	rddreg [dreg:$0xd]  }
0x23: {  	[tilespmem:s26], [sflag:$0x5] =	stream.linear.gather [hbm4b:s14+s3], $0x80, $0x38;
	[tilespmem:$0x19400] =	vst v63  }
0x24: {  	s16 =	rddreg [dreg:$0xe]  }
0x25: {  	[tilespmem:s28], [sflag:$0x5] =	stream.linear.gather [hbm4b:s16+s3], $0x80, $0x38;
	[tilespmem:$0x19400] =	vst v63  }
0x26: {  	_ =	swait.ge [sflag:s29], $0x200  }
0x27: {  	[sflag:s29] =	ssyncset.done $0x0  }
0x28: {  	s12 =	simm.s32 $0x400;
	[sflag:s29] =	ssyncadd.s32 $0xFFFFFE00  }
0x29: {  	[tilespmem:s12], [sflag:$0x1] =	stream.indirect.gather [hbm4b:s4+s30], $0x80, s3, s30, $0xb8;
	[tilespmem:$0x19400] =	vst v63  }
0x2a: {  	s18 =	simm.s32 $0x4400  }
0x2b: {  	[tilespmem:s18], [sflag:$0x1] =	stream.indirect.gather [hbm4b:s4+s30], $0x80, s25, s30, $0xb8;
	[tilespmem:$0x19400] =	vst v63  }
0x2c: {  	s10 =	simm.s32 $0x8400  }
0x2d: {  	[tilespmem:s10], [sflag:$0x1] =	stream.indirect.gather [hbm4b:s4+s30], $0x80, s26, s30, $0xb8;
	[tilespmem:$0x19400] =	vst v63  }
0x2e: {  	s14 =	simm.s32 $0xC400  }
0x2f: {  	[tilespmem:s14], [sflag:$0x1] =	stream.indirect.gather [hbm4b:s4+s1], $0x80, s28, s1, $0xb8;
	[tilespmem:$0x19400] =	vst v63  }
0x30: {  	s10 =	rddreg [dreg:$0x4]  }
0x31: {  	[tilespmem:s30], [sflag:$0x5] =	stream.linear.gather [hbm4b:s10+s3], $0x80, $0x38;
	[tilespmem:$0x19400] =	vst v63  }
0x32: {  	s16 =	sadd.s32 $0x80, s10  }
0x33: {  	[tilespmem:s21], [sflag:$0x5] =	stream.linear.gather [hbm4b:s16+s3], $0x80, $0x38;
	[tilespmem:$0x19400] =	vst v63  }
0x34: {  	s18 =	sadd.s32 $0x100, s10  }
0x35: {  	[tilespmem:s22], [sflag:$0x5] =	stream.linear.gather [hbm4b:s18+s3], $0x80, $0x38;
	[tilespmem:$0x19400] =	vst v63  }
0x36: {  	s10 =	sadd.s32 $0x180, s10  }
0x37: {  	[tilespmem:s23], [sflag:$0x5] =	stream.linear.gather [hbm4b:s10+s3], $0x80, $0x38;
	[tilespmem:$0x19400] =	vst v63  }
0x38: {  	_ =	swait.ge [sflag:s29], $0x200  }
0x39: {  	[sflag:s29] =	ssyncset.done $0x0  }
0x3a: {  	s14 =	simm.s32 $0xCC00;
	[sflag:s29] =	ssyncadd.s32 $0xFFFFFE00  }
0x3b: {  	[tilespmem:s14], [sflag:$0x2] =	stream.indirect.gather [hbm4b:s4+s30], $0x80, s30, s30, $0xb8;
	[tilespmem:$0x19400] =	vst v63  }
0x3c: {  	s16 =	simm.s32 $0x10C00  }
0x3d: {  	[tilespmem:s16], [sflag:$0x2] =	stream.indirect.gather [hbm4b:s4+s30], $0x80, s21, s30, $0xb8;
	[tilespmem:$0x19400] =	vst v63  }
0x3e: {  	s18 =	simm.s32 $0x14C00  }
0x3f: {  	[tilespmem:s18], [sflag:$0x2] =	stream.indirect.gather [hbm4b:s4+s30], $0x80, s22, s30, $0xb8;
	[tilespmem:$0x19400] =	vst v63  }
0x40: {  	s10 =	simm.s32 $0x18C00  }
0x41: {  	[tilespmem:s10], [sflag:$0x2] =	stream.indirect.gather [hbm4b:s4+s1], $0x80, s23, s1, $0xb8;
	[tilespmem:$0x19400] =	vst v63  }
0x42: {  	_ =	swait.ge [sflag:s24], $0x4000  }
0x43: {  	[sflag:s24] =	ssyncset.done $0x0  }
0x44: {  	[sflag:s24] =	ssyncadd.s32 $0xFFFFC000  }
0x45: {  	_ =	swait.ge [sflag:s24], $0x4000  }
0x46: {  	[sflag:s24] =	ssyncset.done $0x0  }
0x47: {  	s14 =	simm.s32 $0x0;
	[sflag:s24] =	ssyncadd.s32 $0xFFFFC000  }
0x48: {  	s8 =	smul.u32 $0x7D0, s14;
	_ =	swait.ge [sflag:s24], $0x4000  }
0x49: {  	[sflag:s24] =	ssyncset.done $0x0  }
0x4a: {  	s16 =	sand.u32 $0x8, s3;
	s8 =	sadd.s32 s7, s8;
	[sflag:s24] =	ssyncadd.s32 $0xFFFFC000  }
0x4b: {  	s8 =	sor.u32 s16, s8;
	_ =	swait.ge [sflag:s24], $0x800  }
0x4c: {  	s18 =	simm.s32 $0x0;
	s8 =	sshll.u32 s8, $0x4;
	[sflag:s24] =	ssyncset.done $0x0  }
0x4d: {  	s10 =	smul.u32 $0x7D0, s18;
	s8 =	sadd.s32 s2, s8;
	[sflag:s24] =	ssyncadd.s32 $0xFFFFF800  }
0x4e: {  	[hbm4b:s8+s3] =	stream.linear.scatter [tilespmem:s12], [sflag:$0x3], $0x400, $0x38;
	[tilespmem:$0x19400] =	vst v63  }
0x4f: {  	s14 =	sadd.s32 s7, s10;
	s12 =	simm.s32 $0x8  }
0x50: {  	s10 =	simm.s32 $0x400;
	s8 =	simm.s32 $0x2;
	s16 =	sand.u32 $0x8, s12  }
.LBB2_2:
0x51: {  	s18 =	sshrl.u32 s8, $0x1  }
0x52: {  	s14 =	sor.u32 s16, s14;
	p3 =	sne.s32 s8, $0x31;
	s16 =	smul.u32 $0x7D0, s18  }
.Ltmp2:
0x53: {  	s10 =	sadd.s32 $0x400, s10;
	s14 =	sshll.u32 s14, $0x4;
	(pc) =	sbr.rel @p3 .LBB2_2-.Ltmp2, $4  }
0x54: {  	s8 =	sadd.s32 $0x1, s8;
	s14 =	sadd.s32 s2, s14  }
0x55: {  	[hbm4b:s14+s3] =	stream.linear.scatter [tilespmem:s10], [sflag:$0x3], $0x400, $0x38;
	[tilespmem:$0x19400] =	vst v63  }
0x56: {  	s12 =	sadd.s32 $0x8, s12  }
0x57: {  	s14 =	sadd.s32 s7, s16;
	s16 =	sand.u32 $0x8, s12  }
0x58: {  	s8 =	sor.u32 s16, s14  }
0x59: {  	s8 =	sshll.u32 s8, $0x4  }
0x5a: {  	s10 =	sadd.s32 $0x400, s10;
	s8 =	sadd.s32 s2, s8  }
0x5b: {  	[hbm4b:s8+s3] =	stream.linear.scatter [tilespmem:s10], [sflag:$0x3], $0x400, $0x38;
	[tilespmem:$0x19400] =	vst v63  }
0x5c: {  	_ =	swait.ge [sflag:s31], $0x400  }
0x5d: {  	s8 =	simm.s32 $0x31;
	[sflag:s31] =	ssyncset.done $0x0  }
.LBB2_4:
0x5e: {  	p3 =	sne.s32 s8, $0x1;
	s8 =	sadd.s32 $0xFFFFFFFF, s8;
	[sflag:s31] =	ssyncadd.s32 $0xFFFFFC00  }
.Ltmp3:
0x5f: {  	(pc) =	sbr.rel @p3 .LBB2_4-.Ltmp3, $3  }
0x60: {  	_ =	sdelay $0x1  }
0x61: {  	_ =	swait.ge [sflag:s31], $0x400  }
0x62: {  	[sflag:s31] =	ssyncset.done $0x0  }
0x63: {  	[sflag:s31] =	ssyncadd.s32 $0xFFFFFC00;
	s8 =	simm.s32 $0x0;
	s12 =	rddreg [dreg:$0x5]  }
0x64: {  	[tilespmem:s8], [sflag:$0x5] =	stream.linear.gather [hbm4b:s12+s8], $0x80, $0x38;
	[tilespmem:$0x19400] =	vst v63  }
0x65: {  	s10 =	sadd.s32 $0x80, s12  }
0x66: {  	[tilespmem:s25], [sflag:$0x5] =	stream.linear.gather [hbm4b:s10+s8], $0x80, $0x38;
	[tilespmem:$0x19400] =	vst v63  }
0x67: {  	s16 =	sadd.s32 $0x100, s12  }
0x68: {  	[tilespmem:s26], [sflag:$0x5] =	stream.linear.gather [hbm4b:s16+s8], $0x80, $0x38;
	[tilespmem:$0x19400] =	vst v63  }
0x69: {  	s18 =	sadd.s32 $0x180, s12  }
0x6a: {  	[tilespmem:s28], [sflag:$0x5] =	stream.linear.gather [hbm4b:s18+s8], $0x80, $0x38;
	[tilespmem:$0x19400] =	vst v63  }
0x6b: {  	_ =	swait.ge [sflag:s29], $0x200  }
0x6c: {  	[sflag:s29] =	ssyncset.done $0x0  }
0x6d: {  	s12 =	simm.s32 $0x400;
	[sflag:s29] =	ssyncadd.s32 $0xFFFFFE00  }
0x6e: {  	[tilespmem:s12], [sflag:$0x1] =	stream.indirect.gather [hbm4b:s4+s30], $0x80, s8, s30, $0xb8;
	[tilespmem:$0x19400] =	vst v63  }
0x6f: {  	s14 =	simm.s32 $0x4400  }
0x70: {  	[tilespmem:s14], [sflag:$0x1] =	stream.indirect.gather [hbm4b:s4+s30], $0x80, s25, s30, $0xb8;
	[tilespmem:$0x19400] =	vst v63  }
0x71: {  	s16 =	simm.s32 $0x8400  }
0x72: {  	[tilespmem:s16], [sflag:$0x1] =	stream.indirect.gather [hbm4b:s4+s30], $0x80, s26, s30, $0xb8;
	[tilespmem:$0x19400] =	vst v63  }
0x73: {  	s18 =	simm.s32 $0xC400  }
0x74: {  	[tilespmem:s18], [sflag:$0x1] =	stream.indirect.gather [hbm4b:s4+s1], $0x80, s28, s1, $0xb8;
	[tilespmem:$0x19400] =	vst v63  }
0x75: {  	_ =	swait.ge [sflag:s5], $0x4000  }
0x76: {  	[sflag:s5] =	ssyncset.done $0x0  }
0x77: {  	[sflag:s5] =	ssyncadd.s32 $0xFFFFC000  }
0x78: {  	_ =	swait.ge [sflag:s5], $0x4000  }
0x79: {  	s12 =	simm.s32 $0x0;
	[sflag:s5] =	ssyncset.done $0x0  }
0x7a: {  	s10 =	smul.u32 $0x7D0, s12;
	[sflag:s5] =	ssyncadd.s32 $0xFFFFC000  }
0x7b: {  	s8 =	sand.u32 $0x8, s8;
	s12 =	simm.s32 $0x2;
	_ =	swait.ge [sflag:s5], $0x4000  }
0x7c: {  	s14 =	simm.s32 $0x0;
	s10 =	sadd.s32 s10, s9;
	[sflag:s5] =	ssyncset.done $0x0  }
0x7d: {  	s14 =	smul.u32 $0x7D0, s14;
	s8 =	sor.u32 s8, s10;
	[sflag:s5] =	ssyncadd.s32 $0xFFFFC000  }
0x7e: {  	s10 =	simm.s32 $0x8;
	s16 =	sshll.u32 s8, $0x4;
	_ =	swait.ge [sflag:s5], $0x800  }
0x7f: {  	s8 =	simm.s32 $0xCC00;
	s14 =	sadd.s32 s14, s9;
	[sflag:s5] =	ssyncset.done $0x0  }
0x80: {  	s18 =	sadd.s32 s2, s16;
	s16 =	sand.u32 $0x8, s10;
	[sflag:s5] =	ssyncadd.s32 $0xFFFFF800  }
0x81: {  	[hbm4b:s18+s3] =	stream.linear.scatter [tilespmem:s8], [sflag:$0x4], $0x400, $0x38;
	[tilespmem:$0x19400] =	vst v63  }
.LBB2_6:
0x82: {  	s18 =	sshrl.u32 s12, $0x1  }
0x83: {  	s14 =	sor.u32 s16, s14;
	p3 =	sne.s32 s12, $0x2F;
	s16 =	smul.u32 $0x7D0, s18  }
.Ltmp4:
0x84: {  	s8 =	sadd.s32 $0x400, s8;
	s14 =	sshll.u32 s14, $0x4;
	(pc) =	sbr.rel @p3 .LBB2_6-.Ltmp4, $4  }
0x85: {  	s12 =	sadd.s32 $0x1, s12;
	s14 =	sadd.s32 s2, s14  }
0x86: {  	[hbm4b:s14+s3] =	stream.linear.scatter [tilespmem:s8], [sflag:$0x4], $0x400, $0x38;
	[tilespmem:$0x19400] =	vst v63  }
0x87: {  	s10 =	sadd.s32 $0x8, s10  }
0x88: {  	s14 =	sadd.s32 s16, s9;
	s16 =	sand.u32 $0x8, s10  }
0x89: {  	s10 =	sor.u32 s16, s14  }
0x8a: {  	s10 =	sshll.u32 s10, $0x4  }
0x8b: {  	s8 =	sadd.s32 $0x400, s8;
	s10 =	sadd.s32 s2, s10  }
0x8c: {  	[hbm4b:s10+s3] =	stream.linear.scatter [tilespmem:s8], [sflag:$0x4], $0x400, $0x38;
	[tilespmem:$0x19400] =	vst v63  }
0x8d: {  	_ =	swait.ge [sflag:s0], $0x400  }
0x8e: {  	s8 =	simm.s32 $0x2F;
	[sflag:s0] =	ssyncset.done $0x0  }
.LBB2_8:
0x8f: {  	p3 =	sne.s32 s8, $0x1;
	s8 =	sadd.s32 $0xFFFFFFFF, s8;
	[sflag:s0] =	ssyncadd.s32 $0xFFFFFC00  }
.Ltmp5:
0x90: {  	(pc) =	sbr.rel @p3 .LBB2_8-.Ltmp5, $3  }
0x91: {  	_ =	sdelay $0x1  }
0x92: {  	_ =	swait.ge [sflag:s0], $0x400  }
0x93: {  	[sflag:s0] =	ssyncset.done $0x0  }
0x94: {  	[sflag:s0] =	ssyncadd.s32 $0xFFFFFC00;
	s8 =	simm.s32 $0x0;
	s12 =	rddreg [dreg:$0x6]  }
0x95: {  	[tilespmem:s30], [sflag:$0x5] =	stream.linear.gather [hbm4b:s12+s8], $0x80, $0x38;
	[tilespmem:$0x19400] =	vst v63  }
0x96: {  	s10 =	sadd.s32 $0x80, s12  }
0x97: {  	[tilespmem:s21], [sflag:$0x5] =	stream.linear.gather [hbm4b:s10+s8], $0x80, $0x38;
	[tilespmem:$0x19400] =	vst v63  }
0x98: {  	s16 =	sadd.s32 $0x100, s12  }
0x99: {  	[tilespmem:s22], [sflag:$0x5] =	stream.linear.gather [hbm4b:s16+s8], $0x80, $0x38;
	[tilespmem:$0x19400] =	vst v63  }
0x9a: {  	s18 =	sadd.s32 $0x180, s12  }
0x9b: {  	[tilespmem:s23], [sflag:$0x5] =	stream.linear.gather [hbm4b:s18+s8], $0x80, $0x38;
	[tilespmem:$0x19400] =	vst v63  }
0x9c: {  	_ =	swait.ge [sflag:s29], $0x200  }
0x9d: {  	[sflag:s29] =	ssyncset.done $0x0  }
0x9e: {  	s12 =	simm.s32 $0xCC00;
	[sflag:s29] =	ssyncadd.s32 $0xFFFFFE00  }
0x9f: {  	[tilespmem:s12], [sflag:$0x2] =	stream.indirect.gather [hbm4b:s4+s30], $0x80, s30, s30, $0xb8;
	[tilespmem:$0x19400] =	vst v63  }
0xa0: {  	s14 =	simm.s32 $0x10C00  }
0xa1: {  	[tilespmem:s14], [sflag:$0x2] =	stream.indirect.gather [hbm4b:s4+s30], $0x80, s21, s30, $0xb8;
	[tilespmem:$0x19400] =	vst v63  }
0xa2: {  	s16 =	simm.s32 $0x14C00  }
0xa3: {  	[tilespmem:s16], [sflag:$0x2] =	stream.indirect.gather [hbm4b:s4+s30], $0x80, s22, s30, $0xb8;
	[tilespmem:$0x19400] =	vst v63  }
0xa4: {  	s18 =	simm.s32 $0x18C00  }
0xa5: {  	[tilespmem:s18], [sflag:$0x2] =	stream.indirect.gather [hbm4b:s4+s1], $0x80, s23, s1, $0xb8;
	[tilespmem:$0x19400] =	vst v63  }
0xa6: {  	_ =	swait.ge [sflag:s24], $0x4000  }
0xa7: {  	[sflag:s24] =	ssyncset.done $0x0  }
0xa8: {  	[sflag:s24] =	ssyncadd.s32 $0xFFFFC000  }
0xa9: {  	_ =	swait.ge [sflag:s24], $0x4000  }
0xaa: {  	[sflag:s24] =	ssyncset.done $0x0  }
0xab: {  	[sflag:s24] =	ssyncadd.s32 $0xFFFFC000  }
0xac: {  	_ =	swait.ge [sflag:s24], $0x4000  }
.Ltmp6:
0xad: {  	[sflag:s24] =	ssyncset.done $0x0;
	(pc) =	sbr.rel @p0 .LBB2_15-.Ltmp6, $4  }
0xae: {  	[sflag:s24] =	ssyncadd.s32 $0xFFFFC000  }
0xaf: {  	_ =	swait.ge [sflag:s24], $0x800  }
0xb0: {  	[sflag:s24] =	ssyncset.done $0x0  }
0xb1: {  	s10 =	simm.s32 $0x400;
	[sflag:s24] =	ssyncadd.s32 $0xFFFFF800  }
0xb2: {  	s12 =	sshrl.u32 s8, $0x1  }
0xb3: {  	s12 =	smul.u32 $0x7D0, s12;
	_ =	sdelay $0x1  }
0xb4: {  	s14 =	sand.u32 $0x8, s8;
	s12 =	sadd.s32 s11, s12  }
0xb5: {  	s16 =	sadd.s32 $0x1, s8;
	s12 =	sor.u32 s14, s12  }
0xb6: {  	s18 =	sshrl.u32 s16, $0x1;
	s12 =	sshll.u32 s12, $0x4  }
0xb7: {  	s8 =	sadd.s32 $0x8, s8;
	s14 =	smul.u32 $0x7D0, s18;
	s12 =	sadd.s32 s2, s12  }
0xb8: {  	[hbm4b:s12+s3] =	stream.linear.scatter [tilespmem:s10], [sflag:$0x3], $0x400, $0x38;
	[tilespmem:$0x19400] =	vst v63  }
0xb9: {  	s14 =	sadd.s32 s11, s14;
	s12 =	sadd.s32 $0x1, s16;
	s16 =	sand.u32 $0x8, s8  }
.LBB2_11:
0xba: {  	s18 =	sshrl.u32 s12, $0x1  }
0xbb: {  	s14 =	sor.u32 s16, s14;
	p3 =	sne.s32 s12, $0x31;
	s16 =	smul.u32 $0x7D0, s18  }
.Ltmp7:
0xbc: {  	s10 =	sadd.s32 $0x400, s10;
	s14 =	sshll.u32 s14, $0x4;
	(pc) =	sbr.rel @p3 .LBB2_11-.Ltmp7, $4  }
0xbd: {  	s12 =	sadd.s32 $0x1, s12;
	s14 =	sadd.s32 s2, s14  }
0xbe: {  	[hbm4b:s14+s3] =	stream.linear.scatter [tilespmem:s10], [sflag:$0x3], $0x400, $0x38;
	[tilespmem:$0x19400] =	vst v63  }
0xbf: {  	s8 =	sadd.s32 $0x8, s8  }
0xc0: {  	s14 =	sadd.s32 s11, s16;
	s16 =	sand.u32 $0x8, s8  }
0xc1: {  	s8 =	sor.u32 s16, s14  }
0xc2: {  	s8 =	sshll.u32 s8, $0x4  }
0xc3: {  	s10 =	sadd.s32 $0x400, s10;
	s8 =	sadd.s32 s2, s8  }
0xc4: {  	[hbm4b:s8+s3] =	stream.linear.scatter [tilespmem:s10], [sflag:$0x3], $0x400, $0x38;
	[tilespmem:$0x19400] =	vst v63  }
0xc5: {  	_ =	swait.ge [sflag:s31], $0x400  }
0xc6: {  	s8 =	simm.s32 $0x31;
	[sflag:s31] =	ssyncset.done $0x0  }
.LBB2_13:
0xc7: {  	p3 =	sne.s32 s8, $0x1;
	s8 =	sadd.s32 $0xFFFFFFFF, s8;
	[sflag:s31] =	ssyncadd.s32 $0xFFFFFC00  }
.Ltmp8:
0xc8: {  	(pc) =	sbr.rel @p3 .LBB2_13-.Ltmp8, $3  }
0xc9: {  	_ =	sdelay $0x1  }
0xca: {  	_ =	swait.ge [sflag:s31], $0x400  }
0xcb: {  	[sflag:s31] =	ssyncset.done $0x0  }
0xcc: {  	[sflag:s31] =	ssyncadd.s32 $0xFFFFFC00  }
.LBB2_15:
0xcd: {  	s8 =	simm.s32 $0x0;
	s12 =	rddreg [dreg:$0x7]  }
0xce: {  	[tilespmem:s8], [sflag:$0x5] =	stream.linear.gather [hbm4b:s12+s8], $0x80, $0x38;
	[tilespmem:$0x19400] =	vst v63  }
0xcf: {  	s10 =	sadd.s32 $0x80, s12  }
0xd0: {  	[tilespmem:s25], [sflag:$0x5] =	stream.linear.gather [hbm4b:s10+s8], $0x80, $0x38;
	[tilespmem:$0x19400] =	vst v63  }
0xd1: {  	s16 =	sadd.s32 $0x100, s12  }
0xd2: {  	[tilespmem:s26], [sflag:$0x5] =	stream.linear.gather [hbm4b:s16+s8], $0x80, $0x38;
	[tilespmem:$0x19400] =	vst v63  }
0xd3: {  	s18 =	sadd.s32 $0x180, s12  }
0xd4: {  	[tilespmem:s28], [sflag:$0x5] =	stream.linear.gather [hbm4b:s18+s8], $0x80, $0x38;
	[tilespmem:$0x19400] =	vst v63  }
0xd5: {  	_ =	swait.ge [sflag:s29], $0x200  }
0xd6: {  	[sflag:s29] =	ssyncset.done $0x0  }
0xd7: {  	s12 =	simm.s32 $0x400;
	[sflag:s29] =	ssyncadd.s32 $0xFFFFFE00  }
0xd8: {  	[tilespmem:s12], [sflag:$0x1] =	stream.indirect.gather [hbm4b:s4+s30], $0x80, s8, s30, $0xb8;
	[tilespmem:$0x19400] =	vst v63  }
0xd9: {  	s14 =	simm.s32 $0x4400  }
0xda: {  	[tilespmem:s14], [sflag:$0x1] =	stream.indirect.gather [hbm4b:s4+s30], $0x80, s25, s30, $0xb8;
	[tilespmem:$0x19400] =	vst v63  }
0xdb: {  	s16 =	simm.s32 $0x8400  }
0xdc: {  	[tilespmem:s16], [sflag:$0x1] =	stream.indirect.gather [hbm4b:s4+s30], $0x80, s26, s30, $0xb8;
	[tilespmem:$0x19400] =	vst v63  }
0xdd: {  	s18 =	simm.s32 $0xC400  }
0xde: {  	[tilespmem:s18], [sflag:$0x1] =	stream.indirect.gather [hbm4b:s4+s1], $0x80, s28, s1, $0xb8;
	[tilespmem:$0x19400] =	vst v63  }
0xdf: {  	_ =	swait.ge [sflag:s5], $0x4000  }
0xe0: {  	[sflag:s5] =	ssyncset.done $0x0  }
0xe1: {  	[sflag:s5] =	ssyncadd.s32 $0xFFFFC000  }
0xe2: {  	_ =	swait.ge [sflag:s5], $0x4000  }
0xe3: {  	[sflag:s5] =	ssyncset.done $0x0  }
0xe4: {  	[sflag:s5] =	ssyncadd.s32 $0xFFFFC000  }
0xe5: {  	_ =	swait.ge [sflag:s5], $0x4000  }
.Ltmp9:
0xe6: {  	[sflag:s5] =	ssyncset.done $0x0;
	(pc) =	sbr.rel @p0 .LBB2_21-.Ltmp9, $4  }
0xe7: {  	[sflag:s5] =	ssyncadd.s32 $0xFFFFC000  }
0xe8: {  	_ =	swait.ge [sflag:s5], $0x800  }
0xe9: {  	[sflag:s5] =	ssyncset.done $0x0  }
0xea: {  	s10 =	simm.s32 $0xCC00;
	[sflag:s5] =	ssyncadd.s32 $0xFFFFF800  }
0xeb: {  	s12 =	sshrl.u32 s8, $0x1  }
0xec: {  	s12 =	smul.u32 $0x7D0, s12;
	_ =	sdelay $0x1  }
0xed: {  	s14 =	sand.u32 $0x8, s8;
	s12 =	sadd.s32 s12, s13  }
0xee: {  	s16 =	sadd.s32 $0x1, s8;
	s12 =	sor.u32 s14, s12  }
0xef: {  	s18 =	sshrl.u32 s16, $0x1;
	s12 =	sshll.u32 s12, $0x4  }
0xf0: {  	s8 =	sadd.s32 $0x8, s8;
	s14 =	smul.u32 $0x7D0, s18;
	s12 =	sadd.s32 s2, s12  }
0xf1: {  	[hbm4b:s12+s3] =	stream.linear.scatter [tilespmem:s10], [sflag:$0x4], $0x400, $0x38;
	[tilespmem:$0x19400] =	vst v63  }
0xf2: {  	s14 =	sadd.s32 s14, s13;
	s12 =	sadd.s32 $0x1, s16;
	s16 =	sand.u32 $0x8, s8  }
.LBB2_17:
0xf3: {  	s18 =	sshrl.u32 s12, $0x1  }
0xf4: {  	s14 =	sor.u32 s16, s14;
	p3 =	sne.s32 s12, $0x2F;
	s16 =	smul.u32 $0x7D0, s18  }
.Ltmp10:
0xf5: {  	s10 =	sadd.s32 $0x400, s10;
	s14 =	sshll.u32 s14, $0x4;
	(pc) =	sbr.rel @p3 .LBB2_17-.Ltmp10, $4  }
0xf6: {  	s12 =	sadd.s32 $0x1, s12;
	s14 =	sadd.s32 s2, s14  }
0xf7: {  	[hbm4b:s14+s3] =	stream.linear.scatter [tilespmem:s10], [sflag:$0x4], $0x400, $0x38;
	[tilespmem:$0x19400] =	vst v63  }
0xf8: {  	s8 =	sadd.s32 $0x8, s8  }
0xf9: {  	s14 =	sadd.s32 s16, s13;
	s16 =	sand.u32 $0x8, s8  }
0xfa: {  	s8 =	sor.u32 s16, s14  }
0xfb: {  	s8 =	sshll.u32 s8, $0x4  }
0xfc: {  	s10 =	sadd.s32 $0x400, s10;
	s8 =	sadd.s32 s2, s8  }
0xfd: {  	[hbm4b:s8+s3] =	stream.linear.scatter [tilespmem:s10], [sflag:$0x4], $0x400, $0x38;
	[tilespmem:$0x19400] =	vst v63  }
0xfe: {  	_ =	swait.ge [sflag:s0], $0x400  }
0xff: {  	s8 =	simm.s32 $0x2F;
	[sflag:s0] =	ssyncset.done $0x0  }
.LBB2_19:
0x100: {  	p3 =	sne.s32 s8, $0x1;
	s8 =	sadd.s32 $0xFFFFFFFF, s8;
	[sflag:s0] =	ssyncadd.s32 $0xFFFFFC00  }
.Ltmp11:
0x101: {  	(pc) =	sbr.rel @p3 .LBB2_19-.Ltmp11, $3  }
0x102: {  	_ =	sdelay $0x1  }
0x103: {  	_ =	swait.ge [sflag:s0], $0x400  }
0x104: {  	[sflag:s0] =	ssyncset.done $0x0  }
0x105: {  	[sflag:s0] =	ssyncadd.s32 $0xFFFFFC00  }
.LBB2_21:
0x106: {  	s8 =	simm.s32 $0x0;
	s12 =	rddreg [dreg:$0x8]  }
0x107: {  	[tilespmem:s30], [sflag:$0x5] =	stream.linear.gather [hbm4b:s12+s8], $0x80, $0x38;
	[tilespmem:$0x19400] =	vst v63  }
0x108: {  	s10 =	sadd.s32 $0x80, s12  }
0x109: {  	[tilespmem:s21], [sflag:$0x5] =	stream.linear.gather [hbm4b:s10+s8], $0x80, $0x38;
	[tilespmem:$0x19400] =	vst v63  }
0x10a: {  	s16 =	sadd.s32 $0x100, s12  }
0x10b: {  	[tilespmem:s22], [sflag:$0x5] =	stream.linear.gather [hbm4b:s16+s8], $0x80, $0x38;
	[tilespmem:$0x19400] =	vst v63  }
0x10c: {  	s18 =	sadd.s32 $0x180, s12  }
0x10d: {  	[tilespmem:s23], [sflag:$0x5] =	stream.linear.gather [hbm4b:s18+s8], $0x80, $0x38;
	[tilespmem:$0x19400] =	vst v63  }
0x10e: {  	_ =	swait.ge [sflag:s29], $0x200  }
0x10f: {  	[sflag:s29] =	ssyncset.done $0x0  }
0x110: {  	s12 =	simm.s32 $0xCC00;
	[sflag:s29] =	ssyncadd.s32 $0xFFFFFE00  }
0x111: {  	[tilespmem:s12], [sflag:$0x2] =	stream.indirect.gather [hbm4b:s4+s30], $0x80, s30, s30, $0xb8;
	[tilespmem:$0x19400] =	vst v63  }
0x112: {  	s14 =	simm.s32 $0x10C00  }
0x113: {  	[tilespmem:s14], [sflag:$0x2] =	stream.indirect.gather [hbm4b:s4+s30], $0x80, s21, s30, $0xb8;
	[tilespmem:$0x19400] =	vst v63  }
0x114: {  	s16 =	simm.s32 $0x14C00  }
0x115: {  	[tilespmem:s16], [sflag:$0x2] =	stream.indirect.gather [hbm4b:s4+s30], $0x80, s22, s30, $0xb8;
	[tilespmem:$0x19400] =	vst v63  }
0x116: {  	s18 =	simm.s32 $0x18C00  }
0x117: {  	[tilespmem:s18], [sflag:$0x2] =	stream.indirect.gather [hbm4b:s4+s1], $0x80, s23, s1, $0xb8;
	[tilespmem:$0x19400] =	vst v63  }
0x118: {  	_ =	swait.ge [sflag:s24], $0x4000  }
0x119: {  	[sflag:s24] =	ssyncset.done $0x0  }
0x11a: {  	[sflag:s24] =	ssyncadd.s32 $0xFFFFC000  }
0x11b: {  	_ =	swait.ge [sflag:s24], $0x4000  }
0x11c: {  	[sflag:s24] =	ssyncset.done $0x0  }
0x11d: {  	[sflag:s24] =	ssyncadd.s32 $0xFFFFC000  }
0x11e: {  	_ =	swait.ge [sflag:s24], $0x4000  }
.Ltmp12:
0x11f: {  	[sflag:s24] =	ssyncset.done $0x0;
	(pc) =	sbr.rel @p1 .LBB2_27-.Ltmp12, $4  }
0x120: {  	[sflag:s24] =	ssyncadd.s32 $0xFFFFC000  }
0x121: {  	_ =	swait.ge [sflag:s24], $0x800  }
0x122: {  	[sflag:s24] =	ssyncset.done $0x0  }
0x123: {  	s10 =	simm.s32 $0x400;
	[sflag:s24] =	ssyncadd.s32 $0xFFFFF800  }
0x124: {  	s12 =	sshrl.u32 s8, $0x1  }
0x125: {  	s12 =	smul.u32 $0x7D0, s12;
	_ =	sdelay $0x1  }
0x126: {  	s14 =	sand.u32 $0x8, s8;
	s12 =	sadd.s32 s15, s12  }
0x127: {  	s16 =	sadd.s32 $0x1, s8;
	s12 =	sor.u32 s14, s12  }
0x128: {  	s18 =	sshrl.u32 s16, $0x1;
	s12 =	sshll.u32 s12, $0x4  }
0x129: {  	s8 =	sadd.s32 $0x8, s8;
	s14 =	smul.u32 $0x7D0, s18;
	s12 =	sadd.s32 s2, s12  }
0x12a: {  	[hbm4b:s12+s3] =	stream.linear.scatter [tilespmem:s10], [sflag:$0x3], $0x400, $0x38;
	[tilespmem:$0x19400] =	vst v63  }
0x12b: {  	s14 =	sadd.s32 s15, s14;
	s12 =	sadd.s32 $0x1, s16;
	s16 =	sand.u32 $0x8, s8  }
.LBB2_23:
0x12c: {  	s18 =	sshrl.u32 s12, $0x1  }
0x12d: {  	s14 =	sor.u32 s16, s14;
	p3 =	sne.s32 s12, $0x31;
	s16 =	smul.u32 $0x7D0, s18  }
.Ltmp13:
0x12e: {  	s10 =	sadd.s32 $0x400, s10;
	s14 =	sshll.u32 s14, $0x4;
	(pc) =	sbr.rel @p3 .LBB2_23-.Ltmp13, $4  }
0x12f: {  	s12 =	sadd.s32 $0x1, s12;
	s14 =	sadd.s32 s2, s14  }
0x130: {  	[hbm4b:s14+s3] =	stream.linear.scatter [tilespmem:s10], [sflag:$0x3], $0x400, $0x38;
	[tilespmem:$0x19400] =	vst v63  }
0x131: {  	s8 =	sadd.s32 $0x8, s8  }
0x132: {  	s14 =	sadd.s32 s15, s16;
	s16 =	sand.u32 $0x8, s8  }
0x133: {  	s8 =	sor.u32 s16, s14  }
0x134: {  	s8 =	sshll.u32 s8, $0x4  }
0x135: {  	s10 =	sadd.s32 $0x400, s10;
	s8 =	sadd.s32 s2, s8  }
0x136: {  	[hbm4b:s8+s3] =	stream.linear.scatter [tilespmem:s10], [sflag:$0x3], $0x400, $0x38;
	[tilespmem:$0x19400] =	vst v63  }
0x137: {  	_ =	swait.ge [sflag:s31], $0x400  }
0x138: {  	s8 =	simm.s32 $0x31;
	[sflag:s31] =	ssyncset.done $0x0  }
.LBB2_25:
0x139: {  	p3 =	sne.s32 s8, $0x1;
	s8 =	sadd.s32 $0xFFFFFFFF, s8;
	[sflag:s31] =	ssyncadd.s32 $0xFFFFFC00  }
.Ltmp14:
0x13a: {  	(pc) =	sbr.rel @p3 .LBB2_25-.Ltmp14, $3  }
0x13b: {  	_ =	sdelay $0x1  }
0x13c: {  	_ =	swait.ge [sflag:s31], $0x400  }
0x13d: {  	[sflag:s31] =	ssyncset.done $0x0  }
0x13e: {  	[sflag:s31] =	ssyncadd.s32 $0xFFFFFC00  }
.LBB2_27:
0x13f: {  	s8 =	simm.s32 $0x0;
	s12 =	rddreg [dreg:$0x9]  }
0x140: {  	[tilespmem:s8], [sflag:$0x5] =	stream.linear.gather [hbm4b:s12+s8], $0x80, $0x38;
	[tilespmem:$0x19400] =	vst v63  }
0x141: {  	s10 =	sadd.s32 $0x80, s12  }
0x142: {  	[tilespmem:s25], [sflag:$0x5] =	stream.linear.gather [hbm4b:s10+s8], $0x80, $0x38;
	[tilespmem:$0x19400] =	vst v63  }
0x143: {  	s16 =	sadd.s32 $0x100, s12  }
0x144: {  	[tilespmem:s26], [sflag:$0x5] =	stream.linear.gather [hbm4b:s16+s8], $0x80, $0x38;
	[tilespmem:$0x19400] =	vst v63  }
0x145: {  	s18 =	sadd.s32 $0x180, s12  }
0x146: {  	[tilespmem:s28], [sflag:$0x5] =	stream.linear.gather [hbm4b:s18+s8], $0x80, $0x38;
	[tilespmem:$0x19400] =	vst v63  }
0x147: {  	_ =	swait.ge [sflag:s29], $0x200  }
0x148: {  	[sflag:s29] =	ssyncset.done $0x0  }
0x149: {  	s12 =	simm.s32 $0x400;
	[sflag:s29] =	ssyncadd.s32 $0xFFFFFE00  }
0x14a: {  	[tilespmem:s12], [sflag:$0x1] =	stream.indirect.gather [hbm4b:s4+s30], $0x80, s8, s30, $0xb8;
	[tilespmem:$0x19400] =	vst v63  }
0x14b: {  	s14 =	simm.s32 $0x4400  }
0x14c: {  	[tilespmem:s14], [sflag:$0x1] =	stream.indirect.gather [hbm4b:s4+s30], $0x80, s25, s30, $0xb8;
	[tilespmem:$0x19400] =	vst v63  }
0x14d: {  	s16 =	simm.s32 $0x8400  }
0x14e: {  	[tilespmem:s16], [sflag:$0x1] =	stream.indirect.gather [hbm4b:s4+s30], $0x80, s26, s30, $0xb8;
	[tilespmem:$0x19400] =	vst v63  }
0x14f: {  	s18 =	simm.s32 $0xC400  }
0x150: {  	[tilespmem:s18], [sflag:$0x1] =	stream.indirect.gather [hbm4b:s4+s1], $0x80, s28, s1, $0xb8;
	[tilespmem:$0x19400] =	vst v63  }
0x151: {  	_ =	swait.ge [sflag:s5], $0x4000  }
0x152: {  	[sflag:s5] =	ssyncset.done $0x0  }
0x153: {  	[sflag:s5] =	ssyncadd.s32 $0xFFFFC000  }
0x154: {  	_ =	swait.ge [sflag:s5], $0x4000  }
0x155: {  	[sflag:s5] =	ssyncset.done $0x0  }
0x156: {  	[sflag:s5] =	ssyncadd.s32 $0xFFFFC000  }
0x157: {  	_ =	swait.ge [sflag:s5], $0x4000  }
.Ltmp15:
0x158: {  	[sflag:s5] =	ssyncset.done $0x0;
	(pc) =	sbr.rel @p1 .LBB2_33-.Ltmp15, $4  }
0x159: {  	[sflag:s5] =	ssyncadd.s32 $0xFFFFC000  }
0x15a: {  	_ =	swait.ge [sflag:s5], $0x800  }
0x15b: {  	[sflag:s5] =	ssyncset.done $0x0  }
0x15c: {  	s10 =	simm.s32 $0xCC00;
	[sflag:s5] =	ssyncadd.s32 $0xFFFFF800  }
0x15d: {  	s12 =	sshrl.u32 s8, $0x1  }
0x15e: {  	s12 =	smul.u32 $0x7D0, s12;
	_ =	sdelay $0x1  }
0x15f: {  	s14 =	sand.u32 $0x8, s8;
	s12 =	sadd.s32 s12, s17  }
0x160: {  	s16 =	sadd.s32 $0x1, s8;
	s12 =	sor.u32 s14, s12  }
0x161: {  	s18 =	sshrl.u32 s16, $0x1;
	s12 =	sshll.u32 s12, $0x4  }
0x162: {  	s8 =	sadd.s32 $0x8, s8;
	s14 =	smul.u32 $0x7D0, s18;
	s12 =	sadd.s32 s2, s12  }
0x163: {  	[hbm4b:s12+s3] =	stream.linear.scatter [tilespmem:s10], [sflag:$0x4], $0x400, $0x38;
	[tilespmem:$0x19400] =	vst v63  }
0x164: {  	s14 =	sadd.s32 s14, s17;
	s12 =	sadd.s32 $0x1, s16;
	s16 =	sand.u32 $0x8, s8  }
.LBB2_29:
0x165: {  	s18 =	sshrl.u32 s12, $0x1  }
0x166: {  	s14 =	sor.u32 s16, s14;
	p3 =	sne.s32 s12, $0x2F;
	s16 =	smul.u32 $0x7D0, s18  }
.Ltmp16:
0x167: {  	s10 =	sadd.s32 $0x400, s10;
	s14 =	sshll.u32 s14, $0x4;
	(pc) =	sbr.rel @p3 .LBB2_29-.Ltmp16, $4  }
0x168: {  	s12 =	sadd.s32 $0x1, s12;
	s14 =	sadd.s32 s2, s14  }
0x169: {  	[hbm4b:s14+s3] =	stream.linear.scatter [tilespmem:s10], [sflag:$0x4], $0x400, $0x38;
	[tilespmem:$0x19400] =	vst v63  }
0x16a: {  	s8 =	sadd.s32 $0x8, s8  }
0x16b: {  	s14 =	sadd.s32 s16, s17;
	s16 =	sand.u32 $0x8, s8  }
0x16c: {  	s8 =	sor.u32 s16, s14  }
0x16d: {  	s8 =	sshll.u32 s8, $0x4  }
0x16e: {  	s10 =	sadd.s32 $0x400, s10;
	s8 =	sadd.s32 s2, s8  }
0x16f: {  	[hbm4b:s8+s3] =	stream.linear.scatter [tilespmem:s10], [sflag:$0x4], $0x400, $0x38;
	[tilespmem:$0x19400] =	vst v63  }
0x170: {  	_ =	swait.ge [sflag:s0], $0x400  }
0x171: {  	s8 =	simm.s32 $0x2F;
	[sflag:s0] =	ssyncset.done $0x0  }
.LBB2_31:
0x172: {  	p3 =	sne.s32 s8, $0x1;
	s8 =	sadd.s32 $0xFFFFFFFF, s8;
	[sflag:s0] =	ssyncadd.s32 $0xFFFFFC00  }
.Ltmp17:
0x173: {  	(pc) =	sbr.rel @p3 .LBB2_31-.Ltmp17, $3  }
0x174: {  	_ =	sdelay $0x1  }
0x175: {  	_ =	swait.ge [sflag:s0], $0x400  }
0x176: {  	[sflag:s0] =	ssyncset.done $0x0  }
0x177: {  	[sflag:s0] =	ssyncadd.s32 $0xFFFFFC00  }
.LBB2_33:
0x178: {  	s10 =	simm.s32 $0x0;
	s12 =	rddreg [dreg:$0xa]  }
0x179: {  	[tilespmem:s30], [sflag:$0x5] =	stream.linear.gather [hbm4b:s12+s10], $0x80, $0x38;
	[tilespmem:$0x19400] =	vst v63  }
0x17a: {  	s8 =	sadd.s32 $0x80, s12  }
0x17b: {  	[tilespmem:s21], [sflag:$0x5] =	stream.linear.gather [hbm4b:s8+s10], $0x80, $0x38;
	[tilespmem:$0x19400] =	vst v63  }
0x17c: {  	s16 =	sadd.s32 $0x100, s12  }
0x17d: {  	[tilespmem:s22], [sflag:$0x5] =	stream.linear.gather [hbm4b:s16+s10], $0x80, $0x38;
	[tilespmem:$0x19400] =	vst v63  }
0x17e: {  	s18 =	sadd.s32 $0x180, s12  }
0x17f: {  	[tilespmem:s23], [sflag:$0x5] =	stream.linear.gather [hbm4b:s18+s10], $0x80, $0x38;
	[tilespmem:$0x19400] =	vst v63  }
0x180: {  	_ =	swait.ge [sflag:s29], $0x200  }
0x181: {  	[sflag:s29] =	ssyncset.done $0x0  }
0x182: {  	s12 =	simm.s32 $0xCC00;
	[sflag:s29] =	ssyncadd.s32 $0xFFFFFE00  }
0x183: {  	[tilespmem:s12], [sflag:$0x2] =	stream.indirect.gather [hbm4b:s4+s30], $0x80, s30, s30, $0xb8;
	[tilespmem:$0x19400] =	vst v63  }
0x184: {  	s14 =	simm.s32 $0x10C00  }
0x185: {  	[tilespmem:s14], [sflag:$0x2] =	stream.indirect.gather [hbm4b:s4+s30], $0x80, s21, s30, $0xb8;
	[tilespmem:$0x19400] =	vst v63  }
0x186: {  	s16 =	simm.s32 $0x14C00  }
0x187: {  	[tilespmem:s16], [sflag:$0x2] =	stream.indirect.gather [hbm4b:s4+s30], $0x80, s22, s30, $0xb8;
	[tilespmem:$0x19400] =	vst v63  }
0x188: {  	s18 =	simm.s32 $0x18C00  }
0x189: {  	[tilespmem:s18], [sflag:$0x2] =	stream.indirect.gather [hbm4b:s4+s1], $0x80, s23, s1, $0xb8;
	[tilespmem:$0x19400] =	vst v63  }
0x18a: {  	_ =	swait.ge [sflag:s24], $0x4000  }
0x18b: {  	[sflag:s24] =	ssyncset.done $0x0  }
0x18c: {  	[sflag:s24] =	ssyncadd.s32 $0xFFFFC000  }
0x18d: {  	_ =	swait.ge [sflag:s24], $0x4000  }
0x18e: {  	[sflag:s24] =	ssyncset.done $0x0  }
0x18f: {  	[sflag:s24] =	ssyncadd.s32 $0xFFFFC000  }
0x190: {  	_ =	swait.ge [sflag:s24], $0x4000  }
.Ltmp18:
0x191: {  	[sflag:s24] =	ssyncset.done $0x0;
	(pc) =	sbr.rel @p2 .LBB2_37-.Ltmp18, $4  }
0x192: {  	[sflag:s24] =	ssyncadd.s32 $0xFFFFC000  }
0x193: {  	_ =	swait.ge [sflag:s24], $0x800  }
0x194: {  	[sflag:s24] =	ssyncset.done $0x0  }
0x195: {  	s8 =	simm.s32 $0x400;
	[sflag:s24] =	ssyncadd.s32 $0xFFFFF800  }
0x196: {  	s12 =	sshrl.u32 s10, $0x1  }
0x197: {  	s12 =	smul.u32 $0x7D0, s12;
	_ =	sdelay $0x1  }
0x198: {  	s14 =	sand.u32 $0x8, s10;
	s12 =	sadd.s32 s19, s12  }
0x199: {  	s16 =	sadd.s32 $0x1, s10;
	s12 =	sor.u32 s14, s12  }
0x19a: {  	s18 =	sshrl.u32 s16, $0x1;
	s12 =	sshll.u32 s12, $0x4  }
0x19b: {  	s10 =	sadd.s32 $0x8, s10;
	s14 =	smul.u32 $0x7D0, s18;
	s12 =	sadd.s32 s2, s12  }
0x19c: {  	[hbm4b:s12+s3] =	stream.linear.scatter [tilespmem:s8], [sflag:$0x3], $0x400, $0x38;
	[tilespmem:$0x19400] =	vst v63  }
0x19d: {  	s14 =	sadd.s32 s19, s14;
	s12 =	sadd.s32 $0x1, s16;
	s16 =	sand.u32 $0x8, s10  }
.LBB2_35:
0x19e: {  	s18 =	sshrl.u32 s12, $0x1  }
0x19f: {  	s14 =	sor.u32 s16, s14;
	p3 =	sne.s32 s12, $0x31;
	s16 =	smul.u32 $0x7D0, s18  }
.Ltmp19:
0x1a0: {  	s8 =	sadd.s32 $0x400, s8;
	s14 =	sshll.u32 s14, $0x4;
	(pc) =	sbr.rel @p3 .LBB2_35-.Ltmp19, $4  }
0x1a1: {  	s12 =	sadd.s32 $0x1, s12;
	s14 =	sadd.s32 s2, s14  }
0x1a2: {  	[hbm4b:s14+s3] =	stream.linear.scatter [tilespmem:s8], [sflag:$0x3], $0x400, $0x38;
	[tilespmem:$0x19400] =	vst v63  }
0x1a3: {  	s10 =	sadd.s32 $0x8, s10  }
0x1a4: {  	s14 =	sadd.s32 s19, s16;
	s16 =	sand.u32 $0x8, s10  }
0x1a5: {  	s10 =	sor.u32 s16, s14  }
0x1a6: {  	s10 =	sshll.u32 s10, $0x4  }
0x1a7: {  	s8 =	sadd.s32 $0x400, s8;
	s10 =	sadd.s32 s2, s10  }
0x1a8: {  	[hbm4b:s10+s3] =	stream.linear.scatter [tilespmem:s8], [sflag:$0x3], $0x400, $0x38;
	[tilespmem:$0x19400] =	vst v63  }
.LBB2_37:
0x1a9: {  	_ =	swait.ge [sflag:s5], $0x4000  }
0x1aa: {  	[sflag:s5] =	ssyncset.done $0x0  }
0x1ab: {  	[sflag:s5] =	ssyncadd.s32 $0xFFFFC000  }
0x1ac: {  	_ =	swait.ge [sflag:s5], $0x4000  }
0x1ad: {  	[sflag:s5] =	ssyncset.done $0x0  }
0x1ae: {  	[sflag:s5] =	ssyncadd.s32 $0xFFFFC000  }
0x1af: {  	_ =	swait.ge [sflag:s5], $0x4000  }
.Ltmp20:
0x1b0: {  	[sflag:s5] =	ssyncset.done $0x0;
	(pc) =	sbr.rel @p2 .LBB2_45-.Ltmp20, $4  }
0x1b1: {  	[sflag:s5] =	ssyncadd.s32 $0xFFFFC000  }
0x1b2: {  	_ =	swait.ge [sflag:s5], $0x800  }
0x1b3: {  	[sflag:s5] =	ssyncset.done $0x0  }
0x1b4: {  	[sflag:s5] =	ssyncadd.s32 $0xFFFFF800  }
0x1b5: {  	s8 =	simm.s32 $0x0  }
0x1b6: {  	s16 =	simm.s32 $0x0;
	s8 =	smul.u32 $0x7D0, s8  }
0x1b7: {  	s10 =	simm.s32 $0x0;
	s14 =	smul.u32 $0x7D0, s16  }
0x1b8: {  	s10 =	sand.u32 $0x8, s10;
	s8 =	sadd.s32 s8, s20  }
0x1b9: {  	s14 =	sadd.s32 s14, s20;
	s8 =	sor.u32 s10, s8  }
0x1ba: {  	s10 =	simm.s32 $0x8;
	s12 =	sshll.u32 s8, $0x4;
	s8 =	simm.s32 $0xCC00  }
0x1bb: {  	s16 =	sand.u32 $0x8, s10;
	s18 =	sadd.s32 s2, s12;
	s12 =	simm.s32 $0x2  }
0x1bc: {  	[hbm4b:s18+s3] =	stream.linear.scatter [tilespmem:s8], [sflag:$0x4], $0x400, $0x38;
	[tilespmem:$0x19400] =	vst v63  }
.LBB2_39:
0x1bd: {  	s18 =	sshrl.u32 s12, $0x1  }
0x1be: {  	s14 =	sor.u32 s16, s14;
	p3 =	sne.s32 s12, $0x2F;
	s16 =	smul.u32 $0x7D0, s18  }
.Ltmp21:
0x1bf: {  	s8 =	sadd.s32 $0x400, s8;
	s14 =	sshll.u32 s14, $0x4;
	(pc) =	sbr.rel @p3 .LBB2_39-.Ltmp21, $4  }
0x1c0: {  	s12 =	sadd.s32 $0x1, s12;
	s14 =	sadd.s32 s2, s14  }
0x1c1: {  	[hbm4b:s14+s3] =	stream.linear.scatter [tilespmem:s8], [sflag:$0x4], $0x400, $0x38;
	[tilespmem:$0x19400] =	vst v63  }
0x1c2: {  	s10 =	sadd.s32 $0x8, s10  }
0x1c3: {  	s14 =	sadd.s32 s16, s20;
	s16 =	sand.u32 $0x8, s10  }
0x1c4: {  	s10 =	sor.u32 s16, s14  }
0x1c5: {  	s10 =	sshll.u32 s10, $0x4  }
0x1c6: {  	s8 =	sadd.s32 $0x400, s8;
	s10 =	sadd.s32 s2, s10  }
0x1c7: {  	[hbm4b:s10+s3] =	stream.linear.scatter [tilespmem:s8], [sflag:$0x4], $0x400, $0x38;
	[tilespmem:$0x19400] =	vst v63  }
0x1c8: {  	s8 =	simm.s32 $0x32  }
.LBB2_41:
0x1c9: {  	p3 =	sne.s32 s8, $0x1  }
.Ltmp22:
0x1ca: {  	_ = 	snop;
	(pc) =	sbr.rel @p3 .LBB2_41-.Ltmp22, $4  }
0x1cb: {  	_ = 	snop  }
0x1cc: {  	_ =	swait.ge [sflag:s31], $0x400  }
0x1cd: {  	[sflag:s31] =	ssyncset.done $0x0  }
0x1ce: {  	s8 =	sadd.s32 $0xFFFFFFFF, s8;
	[sflag:s31] =	ssyncadd.s32 $0xFFFFFC00  }
0x1cf: {  	_ =	swait.ge [sflag:s0], $0x400  }
0x1d0: {  	s8 =	simm.s32 $0x2F;
	[sflag:s0] =	ssyncset.done $0x0  }
.LBB2_43:
0x1d1: {  	p3 =	sne.s32 s8, $0x1;
	s8 =	sadd.s32 $0xFFFFFFFF, s8;
	[sflag:s0] =	ssyncadd.s32 $0xFFFFFC00  }
.Ltmp23:
0x1d2: {  	(pc) =	sbr.rel @p3 .LBB2_43-.Ltmp23, $3  }
0x1d3: {  	_ =	sdelay $0x1  }
0x1d4: {  	_ =	swait.ge [sflag:s0], $0x400  }
0x1d5: {  	[sflag:s0] =	ssyncset.done $0x0  }
.Ltmp24:
0x1d6: {  	_ = 	snop;
	(pc) =	sbr.rel .LBB2_44-.Ltmp24, $1  }
0x1d7: {  	_ =	sdelay $0x3  }
.LBB2_46:
0x1d8: {  	_ =	sfence.sel $0x180000  }
0x1d9: {  	[bflag:$0x0] =	sbarrier.arrive $0xFFFF  }
0x1da: {  	_ =	strace $0x90000047  }
0x1db: {  	s0 =	stileid.u32;
	[bflag:$0x2] =	sbarrier.arrive $0xFFFF  }
0x1dc: {  	p0 =	sne.s32 s0, $0x0;
	s0 =	rddreg [dreg:$0x2]  }
0x1dd: {  	s0 =	sadd.s32 @!p0 $0x100000, s0  }
0x1de: {  	[sflag:s0] =	ssyncadd.tile.s32 @!p0 $0x1;
	_ =	shalt  }
.Lfunc_end2:
_tile_overlayer_lowered:
.L_overlay_start_2:
0x1df: {  	(tag) =	ssettag $0x2  }
0x1e0: {  	s0 =	rddreg [dreg:$0x0];
	s2 =	stileid.u32  }
0x1e1: {  	s1 =	rddreg [dreg:$0x1];
	p0 =	sne.s32 s2, $0x0  }
0x1e2: {  	s3 =	rddreg [dreg:$0x2];
	[bflag:$0x3] =	sbarrier.arrive $0xFFFF;
	s2 =	simm.s32 @!p0 $0x1C05  }
0x1e3: {  	[timem:s3], [sflag:s2] =	dma.local @!p0 [hbm:s0], s1  }
0x1e4: {  	s0 =	simm.s32 @!p0 $0x5  }
0x1e5: {  	_ =	swait.ge @!p0 [sflag:s0], s1  }
0x1e6: {  	s1 =	ssub.s32 @!p0 $0x0, s1;
	[sflag:s0] =	ssyncset.done @!p0 $0x0  }
0x1e7: {  	[sflag:s0] =	ssyncadd.s32 @!p0 s1  }
0x1e8: {  	[bflag:$0x3] =	sbarrier.arrive $0xFFFF  }
0x1e9: {  	_ =	shalt  }

</sc_bundles>
